<compile_context>
chip_gen: v7x
topology: tpu7x:2x2x1
jax: 0.10.2.dev20260603
libtpu: 0.0.44.dev20260713+nightly
codegen_flags: <defaults>
</compile_context>

<pallas_src>
import functools

import jax
import jax.numpy as jnp
from jax import lax
from jax.experimental import pallas as pl
from jax.experimental.pallas import tpu as pltpu
from jax.experimental.pallas import tpu_sc as plsc

N = 10000
D = 128
NC, NS, L = 2, 16, 16
NW = NC * NS
NP = 10240
EPT = 10240
EP = NW * EPT
CH = 128
NCHUNK = EPT // CH
ROWS_PT = NP // NS
BM = 512
NBLK = NP // BM
EPS = 1e-5

_mesh = plsc.VectorSubcoreMesh(core_axis_name="c", subcore_axis_name="s")
_sc_params = pltpu.CompilerParams(needs_layout_passes=False)


@functools.partial(
    pl.kernel,
    out_type=jax.ShapeDtypeStruct((NW, NP), jnp.float32),
    mesh=_mesh,
    compiler_params=_sc_params,
    scratch_types=[
        pltpu.VMEM((NP,), jnp.float32),
        pltpu.VMEM((EPT,), jnp.int32),
    ],
)
def _deg_kernel(dst_hbm, out_hbm, hist, dstv):
    c = lax.axis_index("c")
    s = lax.axis_index("s")
    w = s * NC + c

    def zero_body(i, carry):
        hist[pl.ds(i * L, L)] = jnp.zeros((L,), jnp.float32)
        return carry

    lax.fori_loop(0, NP // L, zero_body, 0)

    pltpu.sync_copy(dst_hbm.at[pl.ds(w * EPT, EPT)], dstv)
    ones = jnp.ones((L,), jnp.float32)

    def add_body(i, carry):
        idx = dstv[pl.ds(i * L, L)]
        plsc.addupdate_scatter(hist, [idx], ones)
        return carry

    lax.fori_loop(0, EPT // L, add_body, 0)
    pltpu.sync_copy(hist, out_hbm.at[w])


NBUF = 2
NCH = (146, 14)
NGRP = (NCH[0] // NBUF, NCH[1] // NBUF)


@functools.partial(
    pl.kernel,
    out_type=jax.ShapeDtypeStruct((NC, NP, D), jnp.float32),
    mesh=_mesh,
    compiler_params=_sc_params,
    scratch_types=[
        pltpu.VMEM_SHARED((NP, D), jnp.float32),
        pltpu.VMEM((CH, D), jnp.float32),
        pltpu.VMEM((CH, D), jnp.float32),
        pltpu.VMEM((2, NBUF, 2, CH), jnp.int32),
        pltpu.SemaphoreType.DMA((NBUF,)),
        pltpu.SemaphoreType.DMA((NBUF,)),
        pltpu.SemaphoreType.DMA((2,)),
    ],
)
def _agg_kernel(g_hbm, e2d_hbm, out_hbm,
                accum, r0, r1, eblk, gsem, ssem, isem):
    rows = (r0, r1)
    c = lax.axis_index("c")
    s = lax.axis_index("s")

    def zrow(i, carry):
        for k in range(D // L):
            r0[i, pl.ds(k * L, L)] = jnp.zeros((L,), jnp.float32)
        return carry

    lax.fori_loop(0, CH, zrow, 0)
    for r in range(ROWS_PT // CH):
        pltpu.sync_copy(r0, accum.at[pl.ds(s * ROWS_PT + r * CH, CH)])
    plsc.subcore_barrier()

    cb = jnp.where(c == 0, s * NCH[0], 16 * NCH[0] + s * NCH[1])
    ngroup = jnp.where(c == 0, NGRP[0], NGRP[1])

    def fetch_idx(g, slot):
        return pltpu.async_copy(e2d_hbm.at[pl.ds(cb + g * NBUF, NBUF)],
                                eblk.at[slot], isem.at[slot])

    fetch_idx(0, 0).wait()
    for b in range(NBUF):
        pltpu.async_copy(g_hbm.at[eblk.at[0, b, 0]], rows[b], gsem.at[b])
    fetch_idx(1, 1)
    for b in range(NBUF):
        pltpu.make_async_copy(g_hbm.at[eblk.at[0, b, 0]], rows[b],
                              gsem.at[b]).wait()
        pltpu.async_copy(rows[b], accum.at[eblk.at[0, b, 1]], ssem.at[b],
                         add=True)

    def group(g, carry):
        slot = lax.rem(g, 2)
        pltpu.make_async_copy(e2d_hbm.at[pl.ds(cb, NBUF)], eblk.at[slot],
                              isem.at[slot]).wait()
        for b in range(NBUF):
            pltpu.make_async_copy(rows[b], accum.at[eblk.at[slot, b, 1]],
                                  ssem.at[b]).wait()
            pltpu.async_copy(g_hbm.at[eblk.at[slot, b, 0]], rows[b],
                             gsem.at[b])

        @pl.when(g < ngroup - 1)
        def _():
            fetch_idx(g + 1, 1 - slot)

        for b in range(NBUF):
            pltpu.make_async_copy(g_hbm.at[eblk.at[slot, b, 0]], rows[b],
                                  gsem.at[b]).wait()
            pltpu.async_copy(rows[b], accum.at[eblk.at[slot, b, 1]],
                             ssem.at[b], add=True)
        return carry

    lax.fori_loop(1, ngroup, group, 0)
    for b in range(NBUF):
        pltpu.make_async_copy(rows[b], accum.at[eblk.at[0, b, 1]],
                              ssem.at[b]).wait()
    plsc.subcore_barrier()

    pltpu.sync_copy(accum.at[pl.ds(s * ROWS_PT, ROWS_PT)],
                    out_hbm.at[c, pl.ds(s * ROWS_PT, ROWS_PT)])


def _tc1a_body(x_ref, w_ref, h_ref):
    h_ref[...] = jnp.dot(x_ref[...], w_ref[...],
                         preferred_element_type=jnp.float32)


def _tc1b_body(h_ref, deg_ref, g_ref, dinv_ref):
    deg = jnp.sum(deg_ref[...], axis=0) + 1.0
    dinv = lax.rsqrt(deg)
    g_ref[...] = h_ref[...] * dinv[:, None]
    dinv_ref[...] = dinv[:, None]


def _tc2a_body(a0_ref, a1_ref, g1_ref, dinv_ref, b1_ref, t_ref, ps_ref):
    i = pl.program_id(0)
    t = dinv_ref[...] * (a0_ref[...] + a1_ref[...] + g1_ref[...]) + b1_ref[...]
    rows = i * BM + lax.broadcasted_iota(jnp.int32, (BM, 1), 0)
    tv = jnp.where(rows < N, t, 0.0)
    ps_ref[...] = jnp.stack([jnp.sum(tv, axis=0),
                             jnp.sum(tv * tv, axis=0)])[None]
    t_ref[...] = t


def _tc2b_body(t_ref, ps_ref, dinv_ref, gamma_ref, beta_ref, w2_ref, g2_ref):
    i = pl.program_id(0)
    sums = jnp.sum(ps_ref[...], axis=0)
    mean = sums[0] / N
    var = sums[1] / N - mean * mean
    inv = lax.rsqrt(var + EPS)
    bn = (t_ref[...] - mean) * inv * gamma_ref[...] + beta_ref[...]
    r = jnp.maximum(bn, 0.0)
    rows = i * BM + lax.broadcasted_iota(jnp.int32, (BM, 1), 0)
    r = jnp.where(rows < N, r, 0.0)
    h2 = jnp.dot(r, w2_ref[...], preferred_element_type=jnp.float32)
    g2_ref[...] = h2 * dinv_ref[...]


def _tc3_body(a0_ref, a1_ref, g2_ref, dinv_ref, b2_ref, out_ref):
    out_ref[...] = (dinv_ref[...] * (a0_ref[...] + a1_ref[...] + g2_ref[...])
                    + b2_ref[...])


_row_spec = pl.BlockSpec((BM, D), lambda i: (i, 0))
_col_spec = pl.BlockSpec((BM, 1), lambda i: (i, 0))
_full_mat = pl.BlockSpec((D, D), lambda i: (0, 0))
_full_vec = pl.BlockSpec((1, D), lambda i: (0, 0))

_tc1a = pl.pallas_call(
    _tc1a_body,
    grid=(NBLK,),
    in_specs=[_row_spec, _full_mat],
    out_specs=_row_spec,
    out_shape=jax.ShapeDtypeStruct((NP, D), jnp.float32),
)

_tc1b = pl.pallas_call(
    _tc1b_body,
    grid=(NBLK,),
    in_specs=[_row_spec, pl.BlockSpec((NW, BM), lambda i: (0, i))],
    out_specs=[_row_spec, _col_spec],
    out_shape=[jax.ShapeDtypeStruct((NP, D), jnp.float32),
               jax.ShapeDtypeStruct((NP, 1), jnp.float32)],
)

_tc2a = pl.pallas_call(
    _tc2a_body,
    grid=(NBLK,),
    in_specs=[_row_spec, _row_spec, _row_spec, _col_spec, _full_vec],
    out_specs=[_row_spec, pl.BlockSpec((1, 2, D), lambda i: (i, 0, 0))],
    out_shape=[jax.ShapeDtypeStruct((NP, D), jnp.float32),
               jax.ShapeDtypeStruct((NBLK, 2, D), jnp.float32)],
)

_tc2b = pl.pallas_call(
    _tc2b_body,
    grid=(NBLK,),
    in_specs=[_row_spec, pl.BlockSpec((NBLK, 2, D), lambda i: (0, 0, 0)),
              _col_spec, _full_vec, _full_vec, _full_mat],
    out_specs=_row_spec,
    out_shape=jax.ShapeDtypeStruct((NP, D), jnp.float32),
)

_BM3 = 1000
_tc3 = pl.pallas_call(
    _tc3_body,
    grid=(N // _BM3,),
    in_specs=[pl.BlockSpec((_BM3, D), lambda i: (i, 0))] * 3
    + [pl.BlockSpec((_BM3, 1), lambda i: (i, 0)),
       pl.BlockSpec((1, D), lambda i: (0, 0))],
    out_specs=pl.BlockSpec((_BM3, D), lambda i: (i, 0)),
    out_shape=jax.ShapeDtypeStruct((N, D), jnp.float32),
)


def kernel(x, edge_index, W1, b1, gamma, beta, W2, b2):
    src = edge_index[0]
    dst = edge_index[1]
    e = src.shape[0]
    pad_e = EP - e
    srcp = jnp.concatenate([src, jnp.zeros((pad_e,), jnp.int32)])
    pad_dst = N + jnp.arange(pad_e, dtype=jnp.int32) % (NP - N)
    dstp = jnp.concatenate([dst, pad_dst])
    e2d = jnp.stack([srcp.reshape(EP // CH, CH),
                     dstp.reshape(EP // CH, CH)], axis=1)
    x_pad = jnp.zeros((NP, D), jnp.float32).at[:N].set(x)

    degp = _deg_kernel(dstp)
    h1 = _tc1a(x_pad, W1)
    g1, dinv = _tc1b(h1, degp)
    agg1 = _agg_kernel(g1, e2d)
    t, ps = _tc2a(agg1[0], agg1[1], g1, dinv, b1.reshape(1, D))
    g2 = _tc2b(t, ps, dinv, gamma.reshape(1, D), beta.reshape(1, D), W2)
    agg2 = _agg_kernel(g2, e2d)
    out = _tc3(agg2[0], agg2[1], g2, dinv, b2.reshape(1, D))
    return out

# --- scband reference (transcript-rebuilt; emitter-appended) ---
"""Pipeline reference for scband-gnnencoder-21938692947970 (READ-ONLY COPY).

The authoritative reference and input builder live on the scoring server;
editing this copy changes nothing except your own understanding.
"""

import jax, jax.numpy as jnp
import numpy as np

N = 10000
E = 320000
D_IN = 128
D_HID = 128
D_OUT = 128


def setup_inputs(seed: int = 0) -> dict:
    key = jax.random.key(seed)
    ks = jax.random.split(key, 6)
    x = jax.random.normal(ks[0], (N, D_IN), dtype=jnp.float32)
    edge_index = jax.random.randint(ks[1], (2, E), 0, N, dtype=jnp.int32)
    W1 = jax.random.normal(ks[2], (D_IN, D_HID), dtype=jnp.float32) * (1.0 / np.sqrt(D_IN))
    b1 = jnp.zeros((D_HID,), dtype=jnp.float32)
    gamma = jnp.ones((D_HID,), dtype=jnp.float32)
    beta = jnp.zeros((D_HID,), dtype=jnp.float32)
    W2 = jax.random.normal(ks[3], (D_HID, D_OUT), dtype=jnp.float32) * (1.0 / np.sqrt(D_HID))
    b2 = jnp.zeros((D_OUT,), dtype=jnp.float32)
    return {"x": x, "edge_index": edge_index, "W1": W1, "b1": b1,
            "gamma": gamma, "beta": beta, "W2": W2, "b2": b2}


def gcn_conv(x, src, dst, W, b):
    # PyG GCNConv: linear transform, add self-loops, symmetric normalization, scatter-add
    n = x.shape[0]
    h = x @ W
    loop = jnp.arange(n, dtype=src.dtype)
    s = jnp.concatenate([src, loop])
    d = jnp.concatenate([dst, loop])
    deg = jnp.zeros((n,), dtype=x.dtype).at[d].add(1.0)
    dinv = jnp.where(deg > 0, 1.0 / jnp.sqrt(deg), 0.0)
    norm = dinv[s] * dinv[d]
    msg = h[s] * norm[:, None]
    out = jnp.zeros_like(h).at[d].add(msg)
    return out + b


def batch_norm(x, gamma, beta, eps=1e-5):
    # BatchNorm1d with batch statistics (training-mode stats, biased variance)
    mean = jnp.mean(x, axis=0)
    var = jnp.mean((x - mean) ** 2, axis=0)
    return (x - mean) / jnp.sqrt(var + eps) * gamma + beta


def reference(x, edge_index, W1, b1, gamma, beta, W2, b2):
    src = edge_index[0]
    dst = edge_index[1]
    h = gcn_conv(x, src, dst, W1, b1)
    h = batch_norm(h, gamma, beta)
    h = jax.nn.relu(h)
    # dropout is identity at inference (deterministic reference)
    h = gcn_conv(h, src, dst, W2, b2)
    return h

if __name__ == "__main__":
    import jax
    _d = setup_inputs()
    print(jax.jit(kernel)(*tuple(_d.values())))

</pallas_src>

<mosaic_0001>
#map = affine_map<(d0, d1) -> (0)>
#map1 = affine_map<(d0, d1) -> (0, 0)>
module attributes {stable_mosaic.version = 14 : i64} {
  func.func @_deg_kernel(%arg0: i32, %arg1: i32, %arg2: memref<327680xi32, #tpu.memory_space<hbm>>, %arg3: memref<32x10240xf32, #tpu.memory_space<hbm>>, %arg4: memref<10240xf32, #tpu.memory_space<vmem>>, %arg5: memref<10240xi32, #tpu.memory_space<vmem>>) attributes {dimension_semantics = [#tpu.dimension_semantics<core_parallel>, #tpu.dimension_semantics<subcore_parallel>], iteration_bounds = array<i64: 2, 16>, scalar_prefetch = 0 : i64, scratch_operands = 2 : i64, tpu.core_type = #tpu.core_type<sc_vector_subcore>, window_params = [{transform_indices = #map}, {transform_indices = #map1}]} {
    %mul3A = arith.constant 2 : i32
    %mul3A_0 = arith.muli %arg1, %mul3A : i32
    %add3A = arith.addi %mul3A_0, %arg0 : i32
    %scan3A = arith.constant 0 : i32
    %scan3A_1 = arith.constant 0 : i32
    %scan3A_2 = arith.constant 640 : i32
    %scan3A_3 = arith.addi %scan3A_1, %scan3A_2 : i32
    %scan3A_4 = arith.constant 1 : i32
    scf.for %scan3A_15 = %scan3A_1 to %scan3A_3 step %scan3A_4  : i32 {
      %broadcast_in_dim3A_16 = arith.constant 0.000000e+00 : f32
      %broadcast_in_dim3A_17 = vector.broadcast %broadcast_in_dim3A_16 : f32 to vector<16xf32>
      %mul3A_18 = arith.constant 16 : i32
      %mul3A_19 = arith.muli %scan3A_15, %mul3A_18 : i32
      %swap3A = arith.index_cast %mul3A_19 : i32 to index
      %swap3A_20 = tpu.vector_load %arg4[%swap3A] {strides = array<i32>} : memref<10240xf32, #tpu.memory_space<vmem>>, vector<16xf32>,
      tpu.vector_store %arg4[%swap3A], %broadcast_in_dim3A_17 {strides = array<i32>} : memref<10240xf32, #tpu.memory_space<vmem>>, vector<16xf32>,
    }
    %scan3A_5 = arith.constant 640 : i32
    %mul3A_6 = arith.constant 10240 : i32
    %mul3A_7 = arith.muli %add3A, %mul3A_6 : i32
    "tpu.region"() ({
      %run_scoped3A = tpu.sem_alloc : memref<!tpu.dma_semaphore, #tpu.memory_space<semaphore_mem>>
      %dma_start3A = tpu.memref_slice %arg2[%mul3A_7] : memref<327680xi32, #tpu.memory_space<hbm>> -> memref<10240xi32, #tpu.memory_space<hbm>>
      %dma_start3A_15 = tpu.memref_slice %arg2[%mul3A_7] : memref<327680xi32, #tpu.memory_space<hbm>> -> memref<10240xi32, #tpu.memory_space<hbm>>
      tpu.enqueue_dma source(%dma_start3A_15 : memref<10240xi32, #tpu.memory_space<hbm>>) target(%arg5 : memref<10240xi32, #tpu.memory_space<vmem>>) target_semaphore(%run_scoped3A : memref<!tpu.dma_semaphore, #tpu.memory_space<semaphore_mem>>)
      %dma_wait3A = tpu.memref_slice %arg2[%mul3A_7] : memref<327680xi32, #tpu.memory_space<hbm>> -> memref<10240xi32, #tpu.memory_space<hbm>>
      %dma_wait3A_16 = tpu.memref_slice %arg2[%mul3A_7] : memref<327680xi32, #tpu.memory_space<hbm>> -> memref<10240xi32, #tpu.memory_space<hbm>>
      tpu.wait_dma2 semaphore(%run_scoped3A : memref<!tpu.dma_semaphore, #tpu.memory_space<semaphore_mem>>) src(%dma_wait3A_16 : memref<10240xi32, #tpu.memory_space<hbm>>) dst(%arg5 : memref<10240xi32, #tpu.memory_space<vmem>>)
      tpu.yield
    }) : () -> ()
    %broadcast_in_dim3A = arith.constant 1.000000e+00 : f32
    %broadcast_in_dim3A_8 = vector.broadcast %broadcast_in_dim3A : f32 to vector<16xf32>
    %scan3A_9 = arith.constant 0 : i32
    %scan3A_10 = arith.constant 0 : i32
    %scan3A_11 = arith.constant 640 : i32
    %scan3A_12 = arith.addi %scan3A_10, %scan3A_11 : i32
    %scan3A_13 = arith.constant 1 : i32
    scf.for %scan3A_15 = %scan3A_10 to %scan3A_12 step %scan3A_13  : i32 {
      %mul3A_16 = arith.constant 16 : i32
      %mul3A_17 = arith.muli %scan3A_15, %mul3A_16 : i32
      %get3A = arith.index_cast %mul3A_17 : i32 to index
      %get3A_18 = tpu.vector_load %arg5[%get3A] {strides = array<i32>} : memref<10240xi32, #tpu.memory_space<vmem>>, vector<16xi32>,
      tpu.vector_store_idx %arg4[%get3A_18], %broadcast_in_dim3A_8 {add = true} : memref<10240xf32, #tpu.memory_space<vmem>>[vector<16xi32>], vector<16xf32>,
    }
    %scan3A_14 = arith.constant 640 : i32
    "tpu.region"() ({
      %run_scoped3A = tpu.sem_alloc : memref<!tpu.dma_semaphore, #tpu.memory_space<semaphore_mem>>
      %dma_start3A = arith.constant 0 : i32
      %dma_start3A_15 = tpu.memref_slice %arg3[%add3A, %dma_start3A] : memref<32x10240xf32, #tpu.memory_space<hbm>> -> memref<1x10240xf32, #tpu.memory_space<hbm>>
      %dma_start3A_16 = tpu.memref_squeeze %dma_start3A_15 : memref<1x10240xf32, #tpu.memory_space<hbm>> -> memref<10240xf32, #tpu.memory_space<hbm>>
      %dma_start3A_17 = arith.constant 0 : i32
      %dma_start3A_18 = tpu.memref_slice %arg3[%add3A, %dma_start3A_17] : memref<32x10240xf32, #tpu.memory_space<hbm>> -> memref<1x10240xf32, #tpu.memory_space<hbm>>
      %dma_start3A_19 = tpu.memref_squeeze %dma_start3A_18 : memref<1x10240xf32, #tpu.memory_space<hbm>> -> memref<10240xf32, #tpu.memory_space<hbm>>
      tpu.enqueue_dma source(%arg4 : memref<10240xf32, #tpu.memory_space<vmem>>) target(%dma_start3A_19 : memref<10240xf32, #tpu.memory_space<hbm>>) target_semaphore(%run_scoped3A : memref<!tpu.dma_semaphore, #tpu.memory_space<semaphore_mem>>)
      %dma_wait3A = arith.constant 0 : i32
      %dma_wait3A_20 = tpu.memref_slice %arg3[%add3A, %dma_wait3A] : memref<32x10240xf32, #tpu.memory_space<hbm>> -> memref<1x10240xf32, #tpu.memory_space<hbm>>
      %dma_wait3A_21 = tpu.memref_squeeze %dma_wait3A_20 : memref<1x10240xf32, #tpu.memory_space<hbm>> -> memref<10240xf32, #tpu.memory_space<hbm>>
      %dma_wait3A_22 = arith.constant 0 : i32
      %dma_wait3A_23 = tpu.memref_slice %arg3[%add3A, %dma_wait3A_22] : memref<32x10240xf32, #tpu.memory_space<hbm>> -> memref<1x10240xf32, #tpu.memory_space<hbm>>
      %dma_wait3A_24 = tpu.memref_squeeze %dma_wait3A_23 : memref<1x10240xf32, #tpu.memory_space<hbm>> -> memref<10240xf32, #tpu.memory_space<hbm>>
      tpu.wait_dma2 semaphore(%run_scoped3A : memref<!tpu.dma_semaphore, #tpu.memory_space<semaphore_mem>>) src(%arg4 : memref<10240xf32, #tpu.memory_space<vmem>>) dst(%dma_wait3A_24 : memref<10240xf32, #tpu.memory_space<hbm>>)
      tpu.yield
    }) : () -> ()
    return
  }
}

#map = affine_map<(d0, d1) -> (0, 0)>
#map1 = affine_map<(d0, d1) -> (0, 0, 0)>
module attributes {stable_mosaic.version = 14 : i64} {
  func.func @_agg_kernel(%arg0: i32, %arg1: i32, %arg2: memref<10240x128xf32, #tpu.memory_space<hbm>>, %arg3: memref<2560x2x128xi32, #tpu.memory_space<hbm>>, %arg4: memref<2x10240x128xf32, #tpu.memory_space<hbm>>, %arg5: memref<10240x128xf32, #tpu.memory_space<vmem_shared>>, %arg6: memref<128x128xf32, #tpu.memory_space<vmem>>, %arg7: memref<128x128xf32, #tpu.memory_space<vmem>>, %arg8: memref<2x2x2x128xi32, #tpu.memory_space<vmem>>, %arg9: memref<2x!tpu.dma_semaphore, #tpu.memory_space<semaphore_mem>>, %arg10: memref<2x!tpu.dma_semaphore, #tpu.memory_space<semaphore_mem>>, %arg11: memref<2x!tpu.dma_semaphore, #tpu.memory_space<semaphore_mem>>) attributes {dimension_semantics = [#tpu.dimension_semantics<core_parallel>, #tpu.dimension_semantics<subcore_parallel>], iteration_bounds = array<i64: 2, 16>, scalar_prefetch = 0 : i64, scratch_operands = 7 : i64, tpu.core_type = #tpu.core_type<sc_vector_subcore>, window_params = [{transform_indices = #map}, {transform_indices = #map1}, {transform_indices = #map1}]} {
    %scan3A = arith.constant 0 : i32
    %scan3A_0 = arith.constant 0 : i32
    %scan3A_1 = arith.constant 128 : i32
    %scan3A_2 = arith.addi %scan3A_0, %scan3A_1 : i32
    %scan3A_3 = arith.constant 1 : i32
    scf.for %scan3A_206 = %scan3A_0 to %scan3A_2 step %scan3A_3  : i32 {
      %broadcast_in_dim3A = arith.constant 0.000000e+00 : f32
      %broadcast_in_dim3A_207 = vector.broadcast %broadcast_in_dim3A : f32 to vector<16xf32>
      %swap3A = arith.index_cast %scan3A_206 : i32 to index
      %swap3A_208 = arith.constant 0 : index
      %swap3A_209 = tpu.vector_load %arg6[%swap3A, %swap3A_208] {strides = array<i32>} : memref<128x128xf32, #tpu.memory_space<vmem>>, vector<16xf32>,
      tpu.vector_store %arg6[%swap3A, %swap3A_208], %broadcast_in_dim3A_207 {strides = array<i32>} : memref<128x128xf32, #tpu.memory_space<vmem>>, vector<16xf32>,
      %broadcast_in_dim3A_210 = arith.constant 0.000000e+00 : f32
      %broadcast_in_dim3A_211 = vector.broadcast %broadcast_in_dim3A_210 : f32 to vector<16xf32>
      %swap3A_212 = arith.index_cast %scan3A_206 : i32 to index
      %swap3A_213 = arith.constant 16 : index
      %swap3A_214 = tpu.vector_load %arg6[%swap3A_212, %swap3A_213] {strides = array<i32>} : memref<128x128xf32, #tpu.memory_space<vmem>>, vector<16xf32>,
      tpu.vector_store %arg6[%swap3A_212, %swap3A_213], %broadcast_in_dim3A_211 {strides = array<i32>} : memref<128x128xf32, #tpu.memory_space<vmem>>, vector<16xf32>,
      %broadcast_in_dim3A_215 = arith.constant 0.000000e+00 : f32
      %broadcast_in_dim3A_216 = vector.broadcast %broadcast_in_dim3A_215 : f32 to vector<16xf32>
      %swap3A_217 = arith.index_cast %scan3A_206 : i32 to index
      %swap3A_218 = arith.constant 32 : index
      %swap3A_219 = tpu.vector_load %arg6[%swap3A_217, %swap3A_218] {strides = array<i32>} : memref<128x128xf32, #tpu.memory_space<vmem>>, vector<16xf32>,
      tpu.vector_store %arg6[%swap3A_217, %swap3A_218], %broadcast_in_dim3A_216 {strides = array<i32>} : memref<128x128xf32, #tpu.memory_space<vmem>>, vector<16xf32>,
      %broadcast_in_dim3A_220 = arith.constant 0.000000e+00 : f32
      %broadcast_in_dim3A_221 = vector.broadcast %broadcast_in_dim3A_220 : f32 to vector<16xf32>
      %swap3A_222 = arith.index_cast %scan3A_206 : i32 to index
      %swap3A_223 = arith.constant 48 : index
      %swap3A_224 = tpu.vector_load %arg6[%swap3A_222, %swap3A_223] {strides = array<i32>} : memref<128x128xf32, #tpu.memory_space<vmem>>, vector<16xf32>,
      tpu.vector_store %arg6[%swap3A_222, %swap3A_223], %broadcast_in_dim3A_221 {strides = array<i32>} : memref<128x128xf32, #tpu.memory_space<vmem>>, vector<16xf32>,
      %broadcast_in_dim3A_225 = arith.constant 0.000000e+00 : f32
      %broadcast_in_dim3A_226 = vector.broadcast %broadcast_in_dim3A_225 : f32 to vector<16xf32>
      %swap3A_227 = arith.index_cast %scan3A_206 : i32 to index
      %swap3A_228 = arith.constant 64 : index
      %swap3A_229 = tpu.vector_load %arg6[%swap3A_227, %swap3A_228] {strides = array<i32>} : memref<128x128xf32, #tpu.memory_space<vmem>>, vector<16xf32>,
      tpu.vector_store %arg6[%swap3A_227, %swap3A_228], %broadcast_in_dim3A_226 {strides = array<i32>} : memref<128x128xf32, #tpu.memory_space<vmem>>, vector<16xf32>,
      %broadcast_in_dim3A_230 = arith.constant 0.000000e+00 : f32
      %broadcast_in_dim3A_231 = vector.broadcast %broadcast_in_dim3A_230 : f32 to vector<16xf32>
      %swap3A_232 = arith.index_cast %scan3A_206 : i32 to index
      %swap3A_233 = arith.constant 80 : index
      %swap3A_234 = tpu.vector_load %arg6[%swap3A_232, %swap3A_233] {strides = array<i32>} : memref<128x128xf32, #tpu.memory_space<vmem>>, vector<16xf32>,
      tpu.vector_store %arg6[%swap3A_232, %swap3A_233], %broadcast_in_dim3A_231 {strides = array<i32>} : memref<128x128xf32, #tpu.memory_space<vmem>>, vector<16xf32>,
      %broadcast_in_dim3A_235 = arith.constant 0.000000e+00 : f32
      %broadcast_in_dim3A_236 = vector.broadcast %broadcast_in_dim3A_235 : f32 to vector<16xf32>
      %swap3A_237 = arith.index_cast %scan3A_206 : i32 to index
      %swap3A_238 = arith.constant 96 : index
      %swap3A_239 = tpu.vector_load %arg6[%swap3A_237, %swap3A_238] {strides = array<i32>} : memref<128x128xf32, #tpu.memory_space<vmem>>, vector<16xf32>,
      tpu.vector_store %arg6[%swap3A_237, %swap3A_238], %broadcast_in_dim3A_236 {strides = array<i32>} : memref<128x128xf32, #tpu.memory_space<vmem>>, vector<16xf32>,
      %broadcast_in_dim3A_240 = arith.constant 0.000000e+00 : f32
      %broadcast_in_dim3A_241 = vector.broadcast %broadcast_in_dim3A_240 : f32 to vector<16xf32>
      %swap3A_242 = arith.index_cast %scan3A_206 : i32 to index
      %swap3A_243 = arith.constant 112 : index
      %swap3A_244 = tpu.vector_load %arg6[%swap3A_242, %swap3A_243] {strides = array<i32>} : memref<128x128xf32, #tpu.memory_space<vmem>>, vector<16xf32>,
      tpu.vector_store %arg6[%swap3A_242, %swap3A_243], %broadcast_in_dim3A_241 {strides = array<i32>} : memref<128x128xf32, #tpu.memory_space<vmem>>, vector<16xf32>,
    }
    %scan3A_4 = arith.constant 128 : i32
    %mul3A = arith.constant 640 : i32
    %mul3A_5 = arith.muli %arg1, %mul3A : i32
    %add3A = arith.constant 0 : i32
    %add3A_6 = arith.addi %mul3A_5, %add3A : i32
    "tpu.region"() ({
      %run_scoped3A = tpu.sem_alloc : memref<!tpu.dma_semaphore, #tpu.memory_space<semaphore_mem>>
      %dma_start3A_206 = arith.constant 0 : i32
      %dma_start3A_207 = tpu.memref_slice %arg5[%add3A_6, %dma_start3A_206] : memref<10240x128xf32, #tpu.memory_space<vmem_shared>> -> memref<128x128xf32, #tpu.memory_space<vmem_shared>>
      %dma_start3A_208 = arith.constant 0 : i32
      %dma_start3A_209 = tpu.memref_slice %arg5[%add3A_6, %dma_start3A_208] : memref<10240x128xf32, #tpu.memory_space<vmem_shared>> -> memref<128x128xf32, #tpu.memory_space<vmem_shared>>
      tpu.enqueue_dma source(%arg6 : memref<128x128xf32, #tpu.memory_space<vmem>>) target(%dma_start3A_209 : memref<128x128xf32, #tpu.memory_space<vmem_shared>>) target_semaphore(%run_scoped3A : memref<!tpu.dma_semaphore, #tpu.memory_space<semaphore_mem>>)
      %dma_wait3A_210 = arith.constant 0 : i32
      %dma_wait3A_211 = tpu.memref_slice %arg5[%add3A_6, %dma_wait3A_210] : memref<10240x128xf32, #tpu.memory_space<vmem_shared>> -> memref<128x128xf32, #tpu.memory_space<vmem_shared>>
      %dma_wait3A_212 = arith.constant 0 : i32
      %dma_wait3A_213 = tpu.memref_slice %arg5[%add3A_6, %dma_wait3A_212] : memref<10240x128xf32, #tpu.memory_space<vmem_shared>> -> memref<128x128xf32, #tpu.memory_space<vmem_shared>>
      tpu.wait_dma2 semaphore(%run_scoped3A : memref<!tpu.dma_semaphore, #tpu.memory_space<semaphore_mem>>) src(%arg6 : memref<128x128xf32, #tpu.memory_space<vmem>>) dst(%dma_wait3A_213 : memref<128x128xf32, #tpu.memory_space<vmem_shared>>)
      tpu.yield
    }) : () -> ()
    %mul3A_7 = arith.constant 640 : i32
    %mul3A_8 = arith.muli %arg1, %mul3A_7 : i32
    %add3A_9 = arith.constant 128 : i32
    %add3A_10 = arith.addi %mul3A_8, %add3A_9 : i32
    "tpu.region"() ({
      %run_scoped3A = tpu.sem_alloc : memref<!tpu.dma_semaphore, #tpu.memory_space<semaphore_mem>>
      %dma_start3A_206 = arith.constant 0 : i32
      %dma_start3A_207 = tpu.memref_slice %arg5[%add3A_10, %dma_start3A_206] : memref<10240x128xf32, #tpu.memory_space<vmem_shared>> -> memref<128x128xf32, #tpu.memory_space<vmem_shared>>
      %dma_start3A_208 = arith.constant 0 : i32
      %dma_start3A_209 = tpu.memref_slice %arg5[%add3A_10, %dma_start3A_208] : memref<10240x128xf32, #tpu.memory_space<vmem_shared>> -> memref<128x128xf32, #tpu.memory_space<vmem_shared>>
      tpu.enqueue_dma source(%arg6 : memref<128x128xf32, #tpu.memory_space<vmem>>) target(%dma_start3A_209 : memref<128x128xf32, #tpu.memory_space<vmem_shared>>) target_semaphore(%run_scoped3A : memref<!tpu.dma_semaphore, #tpu.memory_space<semaphore_mem>>)
      %dma_wait3A_210 = arith.constant 0 : i32
      %dma_wait3A_211 = tpu.memref_slice %arg5[%add3A_10, %dma_wait3A_210] : memref<10240x128xf32, #tpu.memory_space<vmem_shared>> -> memref<128x128xf32, #tpu.memory_space<vmem_shared>>
      %dma_wait3A_212 = arith.constant 0 : i32
      %dma_wait3A_213 = tpu.memref_slice %arg5[%add3A_10, %dma_wait3A_212] : memref<10240x128xf32, #tpu.memory_space<vmem_shared>> -> memref<128x128xf32, #tpu.memory_space<vmem_shared>>
      tpu.wait_dma2 semaphore(%run_scoped3A : memref<!tpu.dma_semaphore, #tpu.memory_space<semaphore_mem>>) src(%arg6 : memref<128x128xf32, #tpu.memory_space<vmem>>) dst(%dma_wait3A_213 : memref<128x128xf32, #tpu.memory_space<vmem_shared>>)
      tpu.yield
    }) : () -> ()
    %mul3A_11 = arith.constant 640 : i32
    %mul3A_12 = arith.muli %arg1, %mul3A_11 : i32
    %add3A_13 = arith.constant 256 : i32
    %add3A_14 = arith.addi %mul3A_12, %add3A_13 : i32
    "tpu.region"() ({
      %run_scoped3A = tpu.sem_alloc : memref<!tpu.dma_semaphore, #tpu.memory_space<semaphore_mem>>
      %dma_start3A_206 = arith.constant 0 : i32
      %dma_start3A_207 = tpu.memref_slice %arg5[%add3A_14, %dma_start3A_206] : memref<10240x128xf32, #tpu.memory_space<vmem_shared>> -> memref<128x128xf32, #tpu.memory_space<vmem_shared>>
      %dma_start3A_208 = arith.constant 0 : i32
      %dma_start3A_209 = tpu.memref_slice %arg5[%add3A_14, %dma_start3A_208] : memref<10240x128xf32, #tpu.memory_space<vmem_shared>> -> memref<128x128xf32, #tpu.memory_space<vmem_shared>>
      tpu.enqueue_dma source(%arg6 : memref<128x128xf32, #tpu.memory_space<vmem>>) target(%dma_start3A_209 : memref<128x128xf32, #tpu.memory_space<vmem_shared>>) target_semaphore(%run_scoped3A : memref<!tpu.dma_semaphore, #tpu.memory_space<semaphore_mem>>)
      %dma_wait3A_210 = arith.constant 0 : i32
      %dma_wait3A_211 = tpu.memref_slice %arg5[%add3A_14, %dma_wait3A_210] : memref<10240x128xf32, #tpu.memory_space<vmem_shared>> -> memref<128x128xf32, #tpu.memory_space<vmem_shared>>
      %dma_wait3A_212 = arith.constant 0 : i32
      %dma_wait3A_213 = tpu.memref_slice %arg5[%add3A_14, %dma_wait3A_212] : memref<10240x128xf32, #tpu.memory_space<vmem_shared>> -> memref<128x128xf32, #tpu.memory_space<vmem_shared>>
      tpu.wait_dma2 semaphore(%run_scoped3A : memref<!tpu.dma_semaphore, #tpu.memory_space<semaphore_mem>>) src(%arg6 : memref<128x128xf32, #tpu.memory_space<vmem>>) dst(%dma_wait3A_213 : memref<128x128xf32, #tpu.memory_space<vmem_shared>>)
      tpu.yield
    }) : () -> ()
    %mul3A_15 = arith.constant 640 : i32
    %mul3A_16 = arith.muli %arg1, %mul3A_15 : i32
    %add3A_17 = arith.constant 384 : i32
    %add3A_18 = arith.addi %mul3A_16, %add3A_17 : i32
    "tpu.region"() ({
      %run_scoped3A = tpu.sem_alloc : memref<!tpu.dma_semaphore, #tpu.memory_space<semaphore_mem>>
      %dma_start3A_206 = arith.constant 0 : i32
      %dma_start3A_207 = tpu.memref_slice %arg5[%add3A_18, %dma_start3A_206] : memref<10240x128xf32, #tpu.memory_space<vmem_shared>> -> memref<128x128xf32, #tpu.memory_space<vmem_shared>>
      %dma_start3A_208 = arith.constant 0 : i32
      %dma_start3A_209 = tpu.memref_slice %arg5[%add3A_18, %dma_start3A_208] : memref<10240x128xf32, #tpu.memory_space<vmem_shared>> -> memref<128x128xf32, #tpu.memory_space<vmem_shared>>
      tpu.enqueue_dma source(%arg6 : memref<128x128xf32, #tpu.memory_space<vmem>>) target(%dma_start3A_209 : memref<128x128xf32, #tpu.memory_space<vmem_shared>>) target_semaphore(%run_scoped3A : memref<!tpu.dma_semaphore, #tpu.memory_space<semaphore_mem>>)
      %dma_wait3A_210 = arith.constant 0 : i32
      %dma_wait3A_211 = tpu.memref_slice %arg5[%add3A_18, %dma_wait3A_210] : memref<10240x128xf32, #tpu.memory_space<vmem_shared>> -> memref<128x128xf32, #tpu.memory_space<vmem_shared>>
      %dma_wait3A_212 = arith.constant 0 : i32
      %dma_wait3A_213 = tpu.memref_slice %arg5[%add3A_18, %dma_wait3A_212] : memref<10240x128xf32, #tpu.memory_space<vmem_shared>> -> memref<128x128xf32, #tpu.memory_space<vmem_shared>>
      tpu.wait_dma2 semaphore(%run_scoped3A : memref<!tpu.dma_semaphore, #tpu.memory_space<semaphore_mem>>) src(%arg6 : memref<128x128xf32, #tpu.memory_space<vmem>>) dst(%dma_wait3A_213 : memref<128x128xf32, #tpu.memory_space<vmem_shared>>)
      tpu.yield
    }) : () -> ()
    %mul3A_19 = arith.constant 640 : i32
    %mul3A_20 = arith.muli %arg1, %mul3A_19 : i32
    %add3A_21 = arith.constant 512 : i32
    %add3A_22 = arith.addi %mul3A_20, %add3A_21 : i32
    "tpu.region"() ({
      %run_scoped3A = tpu.sem_alloc : memref<!tpu.dma_semaphore, #tpu.memory_space<semaphore_mem>>
      %dma_start3A_206 = arith.constant 0 : i32
      %dma_start3A_207 = tpu.memref_slice %arg5[%add3A_22, %dma_start3A_206] : memref<10240x128xf32, #tpu.memory_space<vmem_shared>> -> memref<128x128xf32, #tpu.memory_space<vmem_shared>>
      %dma_start3A_208 = arith.constant 0 : i32
      %dma_start3A_209 = tpu.memref_slice %arg5[%add3A_22, %dma_start3A_208] : memref<10240x128xf32, #tpu.memory_space<vmem_shared>> -> memref<128x128xf32, #tpu.memory_space<vmem_shared>>
      tpu.enqueue_dma source(%arg6 : memref<128x128xf32, #tpu.memory_space<vmem>>) target(%dma_start3A_209 : memref<128x128xf32, #tpu.memory_space<vmem_shared>>) target_semaphore(%run_scoped3A : memref<!tpu.dma_semaphore, #tpu.memory_space<semaphore_mem>>)
      %dma_wait3A_210 = arith.constant 0 : i32
      %dma_wait3A_211 = tpu.memref_slice %arg5[%add3A_22, %dma_wait3A_210] : memref<10240x128xf32, #tpu.memory_space<vmem_shared>> -> memref<128x128xf32, #tpu.memory_space<vmem_shared>>
      %dma_wait3A_212 = arith.constant 0 : i32
      %dma_wait3A_213 = tpu.memref_slice %arg5[%add3A_22, %dma_wait3A_212] : memref<10240x128xf32, #tpu.memory_space<vmem_shared>> -> memref<128x128xf32, #tpu.memory_space<vmem_shared>>
      tpu.wait_dma2 semaphore(%run_scoped3A : memref<!tpu.dma_semaphore, #tpu.memory_space<semaphore_mem>>) src(%arg6 : memref<128x128xf32, #tpu.memory_space<vmem>>) dst(%dma_wait3A_213 : memref<128x128xf32, #tpu.memory_space<vmem_shared>>)
      tpu.yield
    }) : () -> ()
    %barrier3A = arith.constant 0 : index
    tpu.barrier barrier_id(%barrier3A)
    %eq3A = arith.constant 0 : i32
    %eq3A_23 = arith.cmpi eq, %arg0, %eq3A : i32
    %mul3A_24 = arith.constant 146 : i32
    %mul3A_25 = arith.muli %arg1, %mul3A_24 : i32
    %mul3A_26 = arith.constant 14 : i32
    %mul3A_27 = arith.muli %arg1, %mul3A_26 : i32
    %add3A_28 = arith.constant 2336 : i32
    %add3A_29 = arith.addi %add3A_28, %mul3A_27 : i32
    %select_n3A = arith.select %eq3A_23, %mul3A_25, %add3A_29 : i32
    %eq3A_30 = arith.constant 0 : i32
    %eq3A_31 = arith.cmpi eq, %arg0, %eq3A_30 : i32
    %jit3A = arith.constant 73 : i32
    %jit3A_32 = arith.constant 7 : i32
    %select_n3A_33 = arith.select %eq3A_31, %jit3A, %jit3A_32 : i32
    %add3A_34 = arith.constant 0 : i32
    %add3A_35 = arith.addi %select_n3A, %add3A_34 : i32
    %dma_start3A = arith.constant 0 : i32
    %dma_start3A_36 = arith.constant 0 : i32
    %dma_start3A_37 = arith.constant 0 : i32
    %dma_start3A_38 = arith.constant 0 : i32
    %dma_start3A_39 = arith.constant 0 : i32
    %dma_start3A_40 = tpu.memref_slice %arg8[%dma_start3A, %dma_start3A_37, %dma_start3A_38, %dma_start3A_39] : memref<2x2x2x128xi32, #tpu.memory_space<vmem>> -> memref<1x2x2x128xi32, #tpu.memory_space<vmem>>
    %dma_start3A_41 = tpu.memref_squeeze %dma_start3A_40 : memref<1x2x2x128xi32, #tpu.memory_space<vmem>> -> memref<2x2x128xi32, #tpu.memory_space<vmem>>
    %dma_start3A_42 = arith.constant 0 : i32
    %dma_start3A_43 = arith.constant 0 : i32
    %dma_start3A_44 = tpu.memref_slice %arg3[%add3A_35, %dma_start3A_42, %dma_start3A_43] : memref<2560x2x128xi32, #tpu.memory_space<hbm>> -> memref<2x2x128xi32, #tpu.memory_space<hbm>>
    %dma_start3A_45 = tpu.memref_slice %arg11[%dma_start3A_36] : memref<2x!tpu.dma_semaphore, #tpu.memory_space<semaphore_mem>> -> memref<1x!tpu.dma_semaphore, #tpu.memory_space<semaphore_mem>>
    %dma_start3A_46 = tpu.memref_squeeze %dma_start3A_45 : memref<1x!tpu.dma_semaphore, #tpu.memory_space<semaphore_mem>> -> memref<!tpu.dma_semaphore, #tpu.memory_space<semaphore_mem>>
    %dma_start3A_47 = arith.constant 0 : i32
    %dma_start3A_48 = arith.constant 0 : i32
    %dma_start3A_49 = arith.constant 0 : i32
    %dma_start3A_50 = tpu.memref_slice %arg8[%dma_start3A, %dma_start3A_47, %dma_start3A_48, %dma_start3A_49] : memref<2x2x2x128xi32, #tpu.memory_space<vmem>> -> memref<1x2x2x128xi32, #tpu.memory_space<vmem>>
    %dma_start3A_51 = tpu.memref_squeeze %dma_start3A_50 : memref<1x2x2x128xi32, #tpu.memory_space<vmem>> -> memref<2x2x128xi32, #tpu.memory_space<vmem>>
    %dma_start3A_52 = arith.constant 0 : i32
    %dma_start3A_53 = arith.constant 0 : i32
    %dma_start3A_54 = tpu.memref_slice %arg3[%add3A_35, %dma_start3A_52, %dma_start3A_53] : memref<2560x2x128xi32, #tpu.memory_space<hbm>> -> memref<2x2x128xi32, #tpu.memory_space<hbm>>
    tpu.enqueue_dma source(%dma_start3A_54 : memref<2x2x128xi32, #tpu.memory_space<hbm>>) target(%dma_start3A_51 : memref<2x2x128xi32, #tpu.memory_space<vmem>>) target_semaphore(%dma_start3A_46 : memref<!tpu.dma_semaphore, #tpu.memory_space<semaphore_mem>>)
    %dma_wait3A = arith.constant 0 : i32
    %dma_wait3A_55 = arith.constant 0 : i32
    %dma_wait3A_56 = arith.constant 0 : i32
    %dma_wait3A_57 = arith.constant 0 : i32
    %dma_wait3A_58 = arith.constant 0 : i32
    %dma_wait3A_59 = tpu.memref_slice %arg8[%dma_wait3A, %dma_wait3A_56, %dma_wait3A_57, %dma_wait3A_58] : memref<2x2x2x128xi32, #tpu.memory_space<vmem>> -> memref<1x2x2x128xi32, #tpu.memory_space<vmem>>
    %dma_wait3A_60 = tpu.memref_squeeze %dma_wait3A_59 : memref<1x2x2x128xi32, #tpu.memory_space<vmem>> -> memref<2x2x128xi32, #tpu.memory_space<vmem>>
    %dma_wait3A_61 = arith.constant 0 : i32
    %dma_wait3A_62 = arith.constant 0 : i32
    %dma_wait3A_63 = tpu.memref_slice %arg3[%add3A_35, %dma_wait3A_61, %dma_wait3A_62] : memref<2560x2x128xi32, #tpu.memory_space<hbm>> -> memref<2x2x128xi32, #tpu.memory_space<hbm>>
    %dma_wait3A_64 = tpu.memref_slice %arg11[%dma_wait3A_55] : memref<2x!tpu.dma_semaphore, #tpu.memory_space<semaphore_mem>> -> memref<1x!tpu.dma_semaphore, #tpu.memory_space<semaphore_mem>>
    %dma_wait3A_65 = tpu.memref_squeeze %dma_wait3A_64 : memref<1x!tpu.dma_semaphore, #tpu.memory_space<semaphore_mem>> -> memref<!tpu.dma_semaphore, #tpu.memory_space<semaphore_mem>>
    %dma_wait3A_66 = arith.constant 0 : i32
    %dma_wait3A_67 = arith.constant 0 : i32
    %dma_wait3A_68 = arith.constant 0 : i32
    %dma_wait3A_69 = tpu.memref_slice %arg8[%dma_wait3A, %dma_wait3A_66, %dma_wait3A_67, %dma_wait3A_68] : memref<2x2x2x128xi32, #tpu.memory_space<vmem>> -> memref<1x2x2x128xi32, #tpu.memory_space<vmem>>
    %dma_wait3A_70 = tpu.memref_squeeze %dma_wait3A_69 : memref<1x2x2x128xi32, #tpu.memory_space<vmem>> -> memref<2x2x128xi32, #tpu.memory_space<vmem>>
    %dma_wait3A_71 = arith.constant 0 : i32
    %dma_wait3A_72 = arith.constant 0 : i32
    %dma_wait3A_73 = tpu.memref_slice %arg3[%add3A_35, %dma_wait3A_71, %dma_wait3A_72] : memref<2560x2x128xi32, #tpu.memory_space<hbm>> -> memref<2x2x128xi32, #tpu.memory_space<hbm>>
    tpu.wait_dma2 semaphore(%dma_wait3A_65 : memref<!tpu.dma_semaphore, #tpu.memory_space<semaphore_mem>>) src(%dma_wait3A_73 : memref<2x2x128xi32, #tpu.memory_space<hbm>>) dst(%dma_wait3A_70 : memref<2x2x128xi32, #tpu.memory_space<vmem>>)
    %dma_start3A_74 = arith.constant 0 : i32
    %dma_start3A_75 = arith.constant 0 : i32
    %dma_start3A_76 = arith.constant 0 : i32
    %dma_start3A_77 = arith.constant 0 : i32
    %dma_start3A_78 = arith.constant 0 : i32
    %dma_start3A_79 = tpu.memref_slice %arg8[%dma_start3A_74, %dma_start3A_75, %dma_start3A_76, %dma_start3A_78] : memref<2x2x2x128xi32, #tpu.memory_space<vmem>> -> memref<1x1x1x128xi32, #tpu.memory_space<vmem>>
    %dma_start3A_80 = tpu.memref_squeeze %dma_start3A_79 : memref<1x1x1x128xi32, #tpu.memory_space<vmem>> -> memref<128xi32, #tpu.memory_space<vmem>>
    %dma_start3A_81 = arith.constant 0 : i32
    %dma_start3A_82 = arith.constant 0 : i32
    %dma_start3A_83 = tpu.memref_slice %arg2[%dma_start3A_81, %dma_start3A_82] : memref<10240x128xf32, #tpu.memory_space<hbm>> -> memref<10240x128xf32, #tpu.memory_space<hbm>>
    %dma_start3A_84 = tpu.memref_slice %arg9[%dma_start3A_77] : memref<2x!tpu.dma_semaphore, #tpu.memory_space<semaphore_mem>> -> memref<1x!tpu.dma_semaphore, #tpu.memory_space<semaphore_mem>>
    %dma_start3A_85 = tpu.memref_squeeze %dma_start3A_84 : memref<1x!tpu.dma_semaphore, #tpu.memory_space<semaphore_mem>> -> memref<!tpu.dma_semaphore, #tpu.memory_space<semaphore_mem>>
    tpu.enqueue_indirect_dma source(%dma_start3A_83 : memref<10240x128xf32, #tpu.memory_space<hbm>>) target(%arg6 : memref<128x128xf32, #tpu.memory_space<vmem>>) offsets(%dma_start3A_80 : memref<128xi32, #tpu.memory_space<vmem>>) semaphore(%dma_start3A_85 : memref<!tpu.dma_semaphore, #tpu.memory_space<semaphore_mem>>)
    %dma_start3A_86 = arith.constant 0 : i32
    %dma_start3A_87 = arith.constant 1 : i32
    %dma_start3A_88 = arith.constant 0 : i32
    %dma_start3A_89 = arith.constant 1 : i32
    %dma_start3A_90 = arith.constant 0 : i32
    %dma_start3A_91 = tpu.memref_slice %arg8[%dma_start3A_86, %dma_start3A_87, %dma_start3A_88, %dma_start3A_90] : memref<2x2x2x128xi32, #tpu.memory_space<vmem>> -> memref<1x1x1x128xi32, #tpu.memory_space<vmem>>
    %dma_start3A_92 = tpu.memref_squeeze %dma_start3A_91 : memref<1x1x1x128xi32, #tpu.memory_space<vmem>> -> memref<128xi32, #tpu.memory_space<vmem>>
    %dma_start3A_93 = arith.constant 0 : i32
    %dma_start3A_94 = arith.constant 0 : i32
    %dma_start3A_95 = tpu.memref_slice %arg2[%dma_start3A_93, %dma_start3A_94] : memref<10240x128xf32, #tpu.memory_space<hbm>> -> memref<10240x128xf32, #tpu.memory_space<hbm>>
    %dma_start3A_96 = tpu.memref_slice %arg9[%dma_start3A_89] : memref<2x!tpu.dma_semaphore, #tpu.memory_space<semaphore_mem>> -> memref<1x!tpu.dma_semaphore, #tpu.memory_space<semaphore_mem>>
    %dma_start3A_97 = tpu.memref_squeeze %dma_start3A_96 : memref<1x!tpu.dma_semaphore, #tpu.memory_space<semaphore_mem>> -> memref<!tpu.dma_semaphore, #tpu.memory_space<semaphore_mem>>
    tpu.enqueue_indirect_dma source(%dma_start3A_95 : memref<10240x128xf32, #tpu.memory_space<hbm>>) target(%arg7 : memref<128x128xf32, #tpu.memory_space<vmem>>) offsets(%dma_start3A_92 : memref<128xi32, #tpu.memory_space<vmem>>) semaphore(%dma_start3A_97 : memref<!tpu.dma_semaphore, #tpu.memory_space<semaphore_mem>>)
    %add3A_98 = arith.constant 2 : i32
    %add3A_99 = arith.addi %select_n3A, %add3A_98 : i32
    %dma_start3A_100 = arith.constant 1 : i32
    %dma_start3A_101 = arith.constant 1 : i32
    %dma_start3A_102 = arith.constant 0 : i32
    %dma_start3A_103 = arith.constant 0 : i32
    %dma_start3A_104 = arith.constant 0 : i32
    %dma_start3A_105 = tpu.memref_slice %arg8[%dma_start3A_100, %dma_start3A_102, %dma_start3A_103, %dma_start3A_104] : memref<2x2x2x128xi32, #tpu.memory_space<vmem>> -> memref<1x2x2x128xi32, #tpu.memory_space<vmem>>
    %dma_start3A_106 = tpu.memref_squeeze %dma_start3A_105 : memref<1x2x2x128xi32, #tpu.memory_space<vmem>> -> memref<2x2x128xi32, #tpu.memory_space<vmem>>
    %dma_start3A_107 = arith.constant 0 : i32
    %dma_start3A_108 = arith.constant 0 : i32
    %dma_start3A_109 = tpu.memref_slice %arg3[%add3A_99, %dma_start3A_107, %dma_start3A_108] : memref<2560x2x128xi32, #tpu.memory_space<hbm>> -> memref<2x2x128xi32, #tpu.memory_space<hbm>>
    %dma_start3A_110 = tpu.memref_slice %arg11[%dma_start3A_101] : memref<2x!tpu.dma_semaphore, #tpu.memory_space<semaphore_mem>> -> memref<1x!tpu.dma_semaphore, #tpu.memory_space<semaphore_mem>>
    %dma_start3A_111 = tpu.memref_squeeze %dma_start3A_110 : memref<1x!tpu.dma_semaphore, #tpu.memory_space<semaphore_mem>> -> memref<!tpu.dma_semaphore, #tpu.memory_space<semaphore_mem>>
    %dma_start3A_112 = arith.constant 0 : i32
    %dma_start3A_113 = arith.constant 0 : i32
    %dma_start3A_114 = arith.constant 0 : i32
    %dma_start3A_115 = tpu.memref_slice %arg8[%dma_start3A_100, %dma_start3A_112, %dma_start3A_113, %dma_start3A_114] : memref<2x2x2x128xi32, #tpu.memory_space<vmem>> -> memref<1x2x2x128xi32, #tpu.memory_space<vmem>>
    %dma_start3A_116 = tpu.memref_squeeze %dma_start3A_115 : memref<1x2x2x128xi32, #tpu.memory_space<vmem>> -> memref<2x2x128xi32, #tpu.memory_space<vmem>>
    %dma_start3A_117 = arith.constant 0 : i32
    %dma_start3A_118 = arith.constant 0 : i32
    %dma_start3A_119 = tpu.memref_slice %arg3[%add3A_99, %dma_start3A_117, %dma_start3A_118] : memref<2560x2x128xi32, #tpu.memory_space<hbm>> -> memref<2x2x128xi32, #tpu.memory_space<hbm>>
    tpu.enqueue_dma source(%dma_start3A_119 : memref<2x2x128xi32, #tpu.memory_space<hbm>>) target(%dma_start3A_116 : memref<2x2x128xi32, #tpu.memory_space<vmem>>) target_semaphore(%dma_start3A_111 : memref<!tpu.dma_semaphore, #tpu.memory_space<semaphore_mem>>)
    %dma_wait3A_120 = arith.constant 0 : i32
    %dma_wait3A_121 = arith.constant 0 : i32
    %dma_wait3A_122 = arith.constant 0 : i32
    %dma_wait3A_123 = arith.constant 0 : i32
    %dma_wait3A_124 = arith.constant 0 : i32
    %dma_wait3A_125 = tpu.memref_slice %arg8[%dma_wait3A_120, %dma_wait3A_121, %dma_wait3A_122, %dma_wait3A_124] : memref<2x2x2x128xi32, #tpu.memory_space<vmem>> -> memref<1x1x1x128xi32, #tpu.memory_space<vmem>>
    %dma_wait3A_126 = tpu.memref_squeeze %dma_wait3A_125 : memref<1x1x1x128xi32, #tpu.memory_space<vmem>> -> memref<128xi32, #tpu.memory_space<vmem>>
    %dma_wait3A_127 = arith.constant 0 : i32
    %dma_wait3A_128 = arith.constant 0 : i32
    %dma_wait3A_129 = tpu.memref_slice %arg2[%dma_wait3A_127, %dma_wait3A_128] : memref<10240x128xf32, #tpu.memory_space<hbm>> -> memref<10240x128xf32, #tpu.memory_space<hbm>>
    %dma_wait3A_130 = tpu.memref_slice %arg9[%dma_wait3A_123] : memref<2x!tpu.dma_semaphore, #tpu.memory_space<semaphore_mem>> -> memref<1x!tpu.dma_semaphore, #tpu.memory_space<semaphore_mem>>
    %dma_wait3A_131 = tpu.memref_squeeze %dma_wait3A_130 : memref<1x!tpu.dma_semaphore, #tpu.memory_space<semaphore_mem>> -> memref<!tpu.dma_semaphore, #tpu.memory_space<semaphore_mem>>
    tpu.wait_indirect_dma semaphore(%dma_wait3A_131 : memref<!tpu.dma_semaphore, #tpu.memory_space<semaphore_mem>>) src(%dma_wait3A_129 : memref<10240x128xf32, #tpu.memory_space<hbm>>) dst(%arg6 : memref<128x128xf32, #tpu.memory_space<vmem>>)
    %dma_start3A_132 = arith.constant 0 : i32
    %dma_start3A_133 = arith.constant 0 : i32
    %dma_start3A_134 = arith.constant 1 : i32
    %dma_start3A_135 = arith.constant 0 : i32
    %dma_start3A_136 = arith.constant 0 : i32
    %dma_start3A_137 = tpu.memref_slice %arg8[%dma_start3A_132, %dma_start3A_133, %dma_start3A_134, %dma_start3A_136] : memref<2x2x2x128xi32, #tpu.memory_space<vmem>> -> memref<1x1x1x128xi32, #tpu.memory_space<vmem>>
    %dma_start3A_138 = tpu.memref_squeeze %dma_start3A_137 : memref<1x1x1x128xi32, #tpu.memory_space<vmem>> -> memref<128xi32, #tpu.memory_space<vmem>>
    %dma_start3A_139 = arith.constant 0 : i32
    %dma_start3A_140 = arith.constant 0 : i32
    %dma_start3A_141 = tpu.memref_slice %arg5[%dma_start3A_139, %dma_start3A_140] : memref<10240x128xf32, #tpu.memory_space<vmem_shared>> -> memref<10240x128xf32, #tpu.memory_space<vmem_shared>>
    %dma_start3A_142 = tpu.memref_slice %arg10[%dma_start3A_135] : memref<2x!tpu.dma_semaphore, #tpu.memory_space<semaphore_mem>> -> memref<1x!tpu.dma_semaphore, #tpu.memory_space<semaphore_mem>>
    %dma_start3A_143 = tpu.memref_squeeze %dma_start3A_142 : memref<1x!tpu.dma_semaphore, #tpu.memory_space<semaphore_mem>> -> memref<!tpu.dma_semaphore, #tpu.memory_space<semaphore_mem>>
    tpu.enqueue_indirect_dma source(%arg6 : memref<128x128xf32, #tpu.memory_space<vmem>>) target(%dma_start3A_141 : memref<10240x128xf32, #tpu.memory_space<vmem_shared>>) offsets(%dma_start3A_138 : memref<128xi32, #tpu.memory_space<vmem>>) semaphore(%dma_start3A_143 : memref<!tpu.dma_semaphore, #tpu.memory_space<semaphore_mem>>) {add = true}
    %dma_wait3A_144 = arith.constant 0 : i32
    %dma_wait3A_145 = arith.constant 1 : i32
    %dma_wait3A_146 = arith.constant 0 : i32
    %dma_wait3A_147 = arith.constant 1 : i32
    %dma_wait3A_148 = arith.constant 0 : i32
    %dma_wait3A_149 = tpu.memref_slice %arg8[%dma_wait3A_144, %dma_wait3A_145, %dma_wait3A_146, %dma_wait3A_148] : memref<2x2x2x128xi32, #tpu.memory_space<vmem>> -> memref<1x1x1x128xi32, #tpu.memory_space<vmem>>
    %dma_wait3A_150 = tpu.memref_squeeze %dma_wait3A_149 : memref<1x1x1x128xi32, #tpu.memory_space<vmem>> -> memref<128xi32, #tpu.memory_space<vmem>>
    %dma_wait3A_151 = arith.constant 0 : i32
    %dma_wait3A_152 = arith.constant 0 : i32
    %dma_wait3A_153 = tpu.memref_slice %arg2[%dma_wait3A_151, %dma_wait3A_152] : memref<10240x128xf32, #tpu.memory_space<hbm>> -> memref<10240x128xf32, #tpu.memory_space<hbm>>
    %dma_wait3A_154 = tpu.memref_slice %arg9[%dma_wait3A_147] : memref<2x!tpu.dma_semaphore, #tpu.memory_space<semaphore_mem>> -> memref<1x!tpu.dma_semaphore, #tpu.memory_space<semaphore_mem>>
    %dma_wait3A_155 = tpu.memref_squeeze %dma_wait3A_154 : memref<1x!tpu.dma_semaphore, #tpu.memory_space<semaphore_mem>> -> memref<!tpu.dma_semaphore, #tpu.memory_space<semaphore_mem>>
    tpu.wait_indirect_dma semaphore(%dma_wait3A_155 : memref<!tpu.dma_semaphore, #tpu.memory_space<semaphore_mem>>) src(%dma_wait3A_153 : memref<10240x128xf32, #tpu.memory_space<hbm>>) dst(%arg7 : memref<128x128xf32, #tpu.memory_space<vmem>>)
    %dma_start3A_156 = arith.constant 0 : i32
    %dma_start3A_157 = arith.constant 1 : i32
    %dma_start3A_158 = arith.constant 1 : i32
    %dma_start3A_159 = arith.constant 1 : i32
    %dma_start3A_160 = arith.constant 0 : i32
    %dma_start3A_161 = tpu.memref_slice %arg8[%dma_start3A_156, %dma_start3A_157, %dma_start3A_158, %dma_start3A_160] : memref<2x2x2x128xi32, #tpu.memory_space<vmem>> -> memref<1x1x1x128xi32, #tpu.memory_space<vmem>>
    %dma_start3A_162 = tpu.memref_squeeze %dma_start3A_161 : memref<1x1x1x128xi32, #tpu.memory_space<vmem>> -> memref<128xi32, #tpu.memory_space<vmem>>
    %dma_start3A_163 = arith.constant 0 : i32
    %dma_start3A_164 = arith.constant 0 : i32
    %dma_start3A_165 = tpu.memref_slice %arg5[%dma_start3A_163, %dma_start3A_164] : memref<10240x128xf32, #tpu.memory_space<vmem_shared>> -> memref<10240x128xf32, #tpu.memory_space<vmem_shared>>
    %dma_start3A_166 = tpu.memref_slice %arg10[%dma_start3A_159] : memref<2x!tpu.dma_semaphore, #tpu.memory_space<semaphore_mem>> -> memref<1x!tpu.dma_semaphore, #tpu.memory_space<semaphore_mem>>
    %dma_start3A_167 = tpu.memref_squeeze %dma_start3A_166 : memref<1x!tpu.dma_semaphore, #tpu.memory_space<semaphore_mem>> -> memref<!tpu.dma_semaphore, #tpu.memory_space<semaphore_mem>>
    tpu.enqueue_indirect_dma source(%arg7 : memref<128x128xf32, #tpu.memory_space<vmem>>) target(%dma_start3A_165 : memref<10240x128xf32, #tpu.memory_space<vmem_shared>>) offsets(%dma_start3A_162 : memref<128xi32, #tpu.memory_space<vmem>>) semaphore(%dma_start3A_167 : memref<!tpu.dma_semaphore, #tpu.memory_space<semaphore_mem>>) {add = true}
    %while3A = arith.constant 0 : i32
    %while3A_168 = arith.constant 1 : i32
    %while3A_169 = arith.subi %select_n3A_33, %while3A_168 : i32
    %while3A_170 = arith.addi %while3A_168, %while3A_169 : i32
    %while3A_171 = arith.constant 1 : i32
    %while3A_172 = arith.divsi %while3A_169, %while3A_171 : i32
    %while3A_173 = arith.muli %while3A_172, %while3A_171 : i32
    %while3A_174 = arith.addi %while3A_168, %while3A_173 : i32
    %while3A_175 = arith.constant 1 : i32
    scf.for %while3A_206 = %while3A_168 to %while3A_174 step %while3A_175  : i32 {
      %rem3A = arith.constant 2 : i32
      %rem3A_207 = arith.remsi %while3A_206, %rem3A : i32
      %dma_wait3A_208 = arith.constant 0 : i32
      %dma_wait3A_209 = arith.constant 0 : i32
      %dma_wait3A_210 = arith.constant 0 : i32
      %dma_wait3A_211 = tpu.memref_slice %arg8[%rem3A_207, %dma_wait3A_208, %dma_wait3A_209, %dma_wait3A_210] : memref<2x2x2x128xi32, #tpu.memory_space<vmem>> -> memref<1x2x2x128xi32, #tpu.memory_space<vmem>>
      %dma_wait3A_212 = tpu.memref_squeeze %dma_wait3A_211 : memref<1x2x2x128xi32, #tpu.memory_space<vmem>> -> memref<2x2x128xi32, #tpu.memory_space<vmem>>
      %dma_wait3A_213 = arith.constant 0 : i32
      %dma_wait3A_214 = arith.constant 0 : i32
      %dma_wait3A_215 = tpu.memref_slice %arg3[%select_n3A, %dma_wait3A_213, %dma_wait3A_214] : memref<2560x2x128xi32, #tpu.memory_space<hbm>> -> memref<2x2x128xi32, #tpu.memory_space<hbm>>
      %dma_wait3A_216 = tpu.memref_slice %arg11[%rem3A_207] : memref<2x!tpu.dma_semaphore, #tpu.memory_space<semaphore_mem>> -> memref<1x!tpu.dma_semaphore, #tpu.memory_space<semaphore_mem>>
      %dma_wait3A_217 = tpu.memref_squeeze %dma_wait3A_216 : memref<1x!tpu.dma_semaphore, #tpu.memory_space<semaphore_mem>> -> memref<!tpu.dma_semaphore, #tpu.memory_space<semaphore_mem>>
      %dma_wait3A_218 = arith.constant 0 : i32
      %dma_wait3A_219 = arith.constant 0 : i32
      %dma_wait3A_220 = arith.constant 0 : i32
      %dma_wait3A_221 = tpu.memref_slice %arg8[%rem3A_207, %dma_wait3A_218, %dma_wait3A_219, %dma_wait3A_220] : memref<2x2x2x128xi32, #tpu.memory_space<vmem>> -> memref<1x2x2x128xi32, #tpu.memory_space<vmem>>
      %dma_wait3A_222 = tpu.memref_squeeze %dma_wait3A_221 : memref<1x2x2x128xi32, #tpu.memory_space<vmem>> -> memref<2x2x128xi32, #tpu.memory_space<vmem>>
      %dma_wait3A_223 = arith.constant 0 : i32
      %dma_wait3A_224 = arith.constant 0 : i32
      %dma_wait3A_225 = tpu.memref_slice %arg3[%select_n3A, %dma_wait3A_223, %dma_wait3A_224] : memref<2560x2x128xi32, #tpu.memory_space<hbm>> -> memref<2x2x128xi32, #tpu.memory_space<hbm>>
      tpu.wait_dma2 semaphore(%dma_wait3A_217 : memref<!tpu.dma_semaphore, #tpu.memory_space<semaphore_mem>>) src(%dma_wait3A_225 : memref<2x2x128xi32, #tpu.memory_space<hbm>>) dst(%dma_wait3A_222 : memref<2x2x128xi32, #tpu.memory_space<vmem>>)
      %dma_wait3A_226 = arith.constant 0 : i32
      %dma_wait3A_227 = arith.constant 1 : i32
      %dma_wait3A_228 = arith.constant 0 : i32
      %dma_wait3A_229 = arith.constant 0 : i32
      %dma_wait3A_230 = tpu.memref_slice %arg8[%rem3A_207, %dma_wait3A_226, %dma_wait3A_227, %dma_wait3A_229] : memref<2x2x2x128xi32, #tpu.memory_space<vmem>> -> memref<1x1x1x128xi32, #tpu.memory_space<vmem>>
      %dma_wait3A_231 = tpu.memref_squeeze %dma_wait3A_230 : memref<1x1x1x128xi32, #tpu.memory_space<vmem>> -> memref<128xi32, #tpu.memory_space<vmem>>
      %dma_wait3A_232 = arith.constant 0 : i32
      %dma_wait3A_233 = arith.constant 0 : i32
      %dma_wait3A_234 = tpu.memref_slice %arg5[%dma_wait3A_232, %dma_wait3A_233] : memref<10240x128xf32, #tpu.memory_space<vmem_shared>> -> memref<10240x128xf32, #tpu.memory_space<vmem_shared>>
      %dma_wait3A_235 = tpu.memref_slice %arg10[%dma_wait3A_228] : memref<2x!tpu.dma_semaphore, #tpu.memory_space<semaphore_mem>> -> memref<1x!tpu.dma_semaphore, #tpu.memory_space<semaphore_mem>>
      %dma_wait3A_236 = tpu.memref_squeeze %dma_wait3A_235 : memref<1x!tpu.dma_semaphore, #tpu.memory_space<semaphore_mem>> -> memref<!tpu.dma_semaphore, #tpu.memory_space<semaphore_mem>>
      tpu.wait_indirect_dma semaphore(%dma_wait3A_236 : memref<!tpu.dma_semaphore, #tpu.memory_space<semaphore_mem>>) src(%arg6 : memref<128x128xf32, #tpu.memory_space<vmem>>) dst(%dma_wait3A_234 : memref<10240x128xf32, #tpu.memory_space<vmem_shared>>)
      %dma_start3A_237 = arith.constant 0 : i32
      %dma_start3A_238 = arith.constant 0 : i32
      %dma_start3A_239 = arith.constant 0 : i32
      %dma_start3A_240 = arith.constant 0 : i32
      %dma_start3A_241 = tpu.memref_slice %arg8[%rem3A_207, %dma_start3A_237, %dma_start3A_238, %dma_start3A_240] : memref<2x2x2x128xi32, #tpu.memory_space<vmem>> -> memref<1x1x1x128xi32, #tpu.memory_space<vmem>>
      %dma_start3A_242 = tpu.memref_squeeze %dma_start3A_241 : memref<1x1x1x128xi32, #tpu.memory_space<vmem>> -> memref<128xi32, #tpu.memory_space<vmem>>
      %dma_start3A_243 = arith.constant 0 : i32
      %dma_start3A_244 = arith.constant 0 : i32
      %dma_start3A_245 = tpu.memref_slice %arg2[%dma_start3A_243, %dma_start3A_244] : memref<10240x128xf32, #tpu.memory_space<hbm>> -> memref<10240x128xf32, #tpu.memory_space<hbm>>
      %dma_start3A_246 = tpu.memref_slice %arg9[%dma_start3A_239] : memref<2x!tpu.dma_semaphore, #tpu.memory_space<semaphore_mem>> -> memref<1x!tpu.dma_semaphore, #tpu.memory_space<semaphore_mem>>
      %dma_start3A_247 = tpu.memref_squeeze %dma_start3A_246 : memref<1x!tpu.dma_semaphore, #tpu.memory_space<semaphore_mem>> -> memref<!tpu.dma_semaphore, #tpu.memory_space<semaphore_mem>>
      tpu.enqueue_indirect_dma source(%dma_start3A_245 : memref<10240x128xf32, #tpu.memory_space<hbm>>) target(%arg6 : memref<128x128xf32, #tpu.memory_space<vmem>>) offsets(%dma_start3A_242 : memref<128xi32, #tpu.memory_space<vmem>>) semaphore(%dma_start3A_247 : memref<!tpu.dma_semaphore, #tpu.memory_space<semaphore_mem>>)
      %dma_wait3A_248 = arith.constant 1 : i32
      %dma_wait3A_249 = arith.constant 1 : i32
      %dma_wait3A_250 = arith.constant 1 : i32
      %dma_wait3A_251 = arith.constant 0 : i32
      %dma_wait3A_252 = tpu.memref_slice %arg8[%rem3A_207, %dma_wait3A_248, %dma_wait3A_249, %dma_wait3A_251] : memref<2x2x2x128xi32, #tpu.memory_space<vmem>> -> memref<1x1x1x128xi32, #tpu.memory_space<vmem>>
      %dma_wait3A_253 = tpu.memref_squeeze %dma_wait3A_252 : memref<1x1x1x128xi32, #tpu.memory_space<vmem>> -> memref<128xi32, #tpu.memory_space<vmem>>
      %dma_wait3A_254 = arith.constant 0 : i32
      %dma_wait3A_255 = arith.constant 0 : i32
      %dma_wait3A_256 = tpu.memref_slice %arg5[%dma_wait3A_254, %dma_wait3A_255] : memref<10240x128xf32, #tpu.memory_space<vmem_shared>> -> memref<10240x128xf32, #tpu.memory_space<vmem_shared>>
      %dma_wait3A_257 = tpu.memref_slice %arg10[%dma_wait3A_250] : memref<2x!tpu.dma_semaphore, #tpu.memory_space<semaphore_mem>> -> memref<1x!tpu.dma_semaphore, #tpu.memory_space<semaphore_mem>>
      %dma_wait3A_258 = tpu.memref_squeeze %dma_wait3A_257 : memref<1x!tpu.dma_semaphore, #tpu.memory_space<semaphore_mem>> -> memref<!tpu.dma_semaphore, #tpu.memory_space<semaphore_mem>>
      tpu.wait_indirect_dma semaphore(%dma_wait3A_258 : memref<!tpu.dma_semaphore, #tpu.memory_space<semaphore_mem>>) src(%arg7 : memref<128x128xf32, #tpu.memory_space<vmem>>) dst(%dma_wait3A_256 : memref<10240x128xf32, #tpu.memory_space<vmem_shared>>)
      %dma_start3A_259 = arith.constant 1 : i32
      %dma_start3A_260 = arith.constant 0 : i32
      %dma_start3A_261 = arith.constant 1 : i32
      %dma_start3A_262 = arith.constant 0 : i32
      %dma_start3A_263 = tpu.memref_slice %arg8[%rem3A_207, %dma_start3A_259, %dma_start3A_260, %dma_start3A_262] : memref<2x2x2x128xi32, #tpu.memory_space<vmem>> -> memref<1x1x1x128xi32, #tpu.memory_space<vmem>>
      %dma_start3A_264 = tpu.memref_squeeze %dma_start3A_263 : memref<1x1x1x128xi32, #tpu.memory_space<vmem>> -> memref<128xi32, #tpu.memory_space<vmem>>
      %dma_start3A_265 = arith.constant 0 : i32
      %dma_start3A_266 = arith.constant 0 : i32
      %dma_start3A_267 = tpu.memref_slice %arg2[%dma_start3A_265, %dma_start3A_266] : memref<10240x128xf32, #tpu.memory_space<hbm>> -> memref<10240x128xf32, #tpu.memory_space<hbm>>
      %dma_start3A_268 = tpu.memref_slice %arg9[%dma_start3A_261] : memref<2x!tpu.dma_semaphore, #tpu.memory_space<semaphore_mem>> -> memref<1x!tpu.dma_semaphore, #tpu.memory_space<semaphore_mem>>
      %dma_start3A_269 = tpu.memref_squeeze %dma_start3A_268 : memref<1x!tpu.dma_semaphore, #tpu.memory_space<semaphore_mem>> -> memref<!tpu.dma_semaphore, #tpu.memory_space<semaphore_mem>>
      tpu.enqueue_indirect_dma source(%dma_start3A_267 : memref<10240x128xf32, #tpu.memory_space<hbm>>) target(%arg7 : memref<128x128xf32, #tpu.memory_space<vmem>>) offsets(%dma_start3A_264 : memref<128xi32, #tpu.memory_space<vmem>>) semaphore(%dma_start3A_269 : memref<!tpu.dma_semaphore, #tpu.memory_space<semaphore_mem>>)
      %sub3A = arith.constant 1 : i32
      %sub3A_270 = arith.subi %select_n3A_33, %sub3A : i32
      %lt3A = arith.cmpi slt, %while3A_206, %sub3A_270 : i32
      %convert_element_type3A = arith.extui %lt3A : i1 to i32
      %cond3A = arith.constant 0 : i32
      %cond3A_271 = arith.cmpi ne, %convert_element_type3A, %cond3A : i32
      scf.if %cond3A_271 {
        %add3A_316 = arith.constant 1 : i32
        %add3A_317 = arith.addi %while3A_206, %add3A_316 : i32
        %sub3A_318 = arith.constant 1 : i32
        %sub3A_319 = arith.subi %sub3A_318, %rem3A_207 : i32
        %mul3A_320 = arith.constant 2 : i32
        %mul3A_321 = arith.muli %add3A_317, %mul3A_320 : i32
        %add3A_322 = arith.addi %select_n3A, %mul3A_321 : i32
        %dma_start3A_323 = arith.constant 0 : i32
        %dma_start3A_324 = arith.constant 0 : i32
        %dma_start3A_325 = arith.constant 0 : i32
        %dma_start3A_326 = tpu.memref_slice %arg8[%sub3A_319, %dma_start3A_323, %dma_start3A_324, %dma_start3A_325] : memref<2x2x2x128xi32, #tpu.memory_space<vmem>> -> memref<1x2x2x128xi32, #tpu.memory_space<vmem>>
        %dma_start3A_327 = tpu.memref_squeeze %dma_start3A_326 : memref<1x2x2x128xi32, #tpu.memory_space<vmem>> -> memref<2x2x128xi32, #tpu.memory_space<vmem>>
        %dma_start3A_328 = arith.constant 0 : i32
        %dma_start3A_329 = arith.constant 0 : i32
        %dma_start3A_330 = tpu.memref_slice %arg3[%add3A_322, %dma_start3A_328, %dma_start3A_329] : memref<2560x2x128xi32, #tpu.memory_space<hbm>> -> memref<2x2x128xi32, #tpu.memory_space<hbm>>
        %dma_start3A_331 = tpu.memref_slice %arg11[%sub3A_319] : memref<2x!tpu.dma_semaphore, #tpu.memory_space<semaphore_mem>> -> memref<1x!tpu.dma_semaphore, #tpu.memory_space<semaphore_mem>>
        %dma_start3A_332 = tpu.memref_squeeze %dma_start3A_331 : memref<1x!tpu.dma_semaphore, #tpu.memory_space<semaphore_mem>> -> memref<!tpu.dma_semaphore, #tpu.memory_space<semaphore_mem>>
        %dma_start3A_333 = arith.constant 0 : i32
        %dma_start3A_334 = arith.constant 0 : i32
        %dma_start3A_335 = arith.constant 0 : i32
        %dma_start3A_336 = tpu.memref_slice %arg8[%sub3A_319, %dma_start3A_333, %dma_start3A_334, %dma_start3A_335] : memref<2x2x2x128xi32, #tpu.memory_space<vmem>> -> memref<1x2x2x128xi32, #tpu.memory_space<vmem>>
        %dma_start3A_337 = tpu.memref_squeeze %dma_start3A_336 : memref<1x2x2x128xi32, #tpu.memory_space<vmem>> -> memref<2x2x128xi32, #tpu.memory_space<vmem>>
        %dma_start3A_338 = arith.constant 0 : i32
        %dma_start3A_339 = arith.constant 0 : i32
        %dma_start3A_340 = tpu.memref_slice %arg3[%add3A_322, %dma_start3A_338, %dma_start3A_339] : memref<2560x2x128xi32, #tpu.memory_space<hbm>> -> memref<2x2x128xi32, #tpu.memory_space<hbm>>
        tpu.enqueue_dma source(%dma_start3A_340 : memref<2x2x128xi32, #tpu.memory_space<hbm>>) target(%dma_start3A_337 : memref<2x2x128xi32, #tpu.memory_space<vmem>>) target_semaphore(%dma_start3A_332 : memref<!tpu.dma_semaphore, #tpu.memory_space<semaphore_mem>>)
      } else {
      }
      %dma_wait3A_272 = arith.constant 0 : i32
      %dma_wait3A_273 = arith.constant 0 : i32
      %dma_wait3A_274 = arith.constant 0 : i32
      %dma_wait3A_275 = arith.constant 0 : i32
      %dma_wait3A_276 = tpu.memref_slice %arg8[%rem3A_207, %dma_wait3A_272, %dma_wait3A_273, %dma_wait3A_275] : memref<2x2x2x128xi32, #tpu.memory_space<vmem>> -> memref<1x1x1x128xi32, #tpu.memory_space<vmem>>
      %dma_wait3A_277 = tpu.memref_squeeze %dma_wait3A_276 : memref<1x1x1x128xi32, #tpu.memory_space<vmem>> -> memref<128xi32, #tpu.memory_space<vmem>>
      %dma_wait3A_278 = arith.constant 0 : i32
      %dma_wait3A_279 = arith.constant 0 : i32
      %dma_wait3A_280 = tpu.memref_slice %arg2[%dma_wait3A_278, %dma_wait3A_279] : memref<10240x128xf32, #tpu.memory_space<hbm>> -> memref<10240x128xf32, #tpu.memory_space<hbm>>
      %dma_wait3A_281 = tpu.memref_slice %arg9[%dma_wait3A_274] : memref<2x!tpu.dma_semaphore, #tpu.memory_space<semaphore_mem>> -> memref<1x!tpu.dma_semaphore, #tpu.memory_space<semaphore_mem>>
      %dma_wait3A_282 = tpu.memref_squeeze %dma_wait3A_281 : memref<1x!tpu.dma_semaphore, #tpu.memory_space<semaphore_mem>> -> memref<!tpu.dma_semaphore, #tpu.memory_space<semaphore_mem>>
      tpu.wait_indirect_dma semaphore(%dma_wait3A_282 : memref<!tpu.dma_semaphore, #tpu.memory_space<semaphore_mem>>) src(%dma_wait3A_280 : memref<10240x128xf32, #tpu.memory_space<hbm>>) dst(%arg6 : memref<128x128xf32, #tpu.memory_space<vmem>>)
      %dma_start3A_283 = arith.constant 0 : i32
      %dma_start3A_284 = arith.constant 1 : i32
      %dma_start3A_285 = arith.constant 0 : i32
      %dma_start3A_286 = arith.constant 0 : i32
      %dma_start3A_287 = tpu.memref_slice %arg8[%rem3A_207, %dma_start3A_283, %dma_start3A_284, %dma_start3A_286] : memref<2x2x2x128xi32, #tpu.memory_space<vmem>> -> memref<1x1x1x128xi32, #tpu.memory_space<vmem>>
      %dma_start3A_288 = tpu.memref_squeeze %dma_start3A_287 : memref<1x1x1x128xi32, #tpu.memory_space<vmem>> -> memref<128xi32, #tpu.memory_space<vmem>>
      %dma_start3A_289 = arith.constant 0 : i32
      %dma_start3A_290 = arith.constant 0 : i32
      %dma_start3A_291 = tpu.memref_slice %arg5[%dma_start3A_289, %dma_start3A_290] : memref<10240x128xf32, #tpu.memory_space<vmem_shared>> -> memref<10240x128xf32, #tpu.memory_space<vmem_shared>>
      %dma_start3A_292 = tpu.memref_slice %arg10[%dma_start3A_285] : memref<2x!tpu.dma_semaphore, #tpu.memory_space<semaphore_mem>> -> memref<1x!tpu.dma_semaphore, #tpu.memory_space<semaphore_mem>>
      %dma_start3A_293 = tpu.memref_squeeze %dma_start3A_292 : memref<1x!tpu.dma_semaphore, #tpu.memory_space<semaphore_mem>> -> memref<!tpu.dma_semaphore, #tpu.memory_space<semaphore_mem>>
      tpu.enqueue_indirect_dma source(%arg6 : memref<128x128xf32, #tpu.memory_space<vmem>>) target(%dma_start3A_291 : memref<10240x128xf32, #tpu.memory_space<vmem_shared>>) offsets(%dma_start3A_288 : memref<128xi32, #tpu.memory_space<vmem>>) semaphore(%dma_start3A_293 : memref<!tpu.dma_semaphore, #tpu.memory_space<semaphore_mem>>) {add = true}
      %dma_wait3A_294 = arith.constant 1 : i32
      %dma_wait3A_295 = arith.constant 0 : i32
      %dma_wait3A_296 = arith.constant 1 : i32
      %dma_wait3A_297 = arith.constant 0 : i32
      %dma_wait3A_298 = tpu.memref_slice %arg8[%rem3A_207, %dma_wait3A_294, %dma_wait3A_295, %dma_wait3A_297] : memref<2x2x2x128xi32, #tpu.memory_space<vmem>> -> memref<1x1x1x128xi32, #tpu.memory_space<vmem>>
      %dma_wait3A_299 = tpu.memref_squeeze %dma_wait3A_298 : memref<1x1x1x128xi32, #tpu.memory_space<vmem>> -> memref<128xi32, #tpu.memory_space<vmem>>
      %dma_wait3A_300 = arith.constant 0 : i32
      %dma_wait3A_301 = arith.constant 0 : i32
      %dma_wait3A_302 = tpu.memref_slice %arg2[%dma_wait3A_300, %dma_wait3A_301] : memref<10240x128xf32, #tpu.memory_space<hbm>> -> memref<10240x128xf32, #tpu.memory_space<hbm>>
      %dma_wait3A_303 = tpu.memref_slice %arg9[%dma_wait3A_296] : memref<2x!tpu.dma_semaphore, #tpu.memory_space<semaphore_mem>> -> memref<1x!tpu.dma_semaphore, #tpu.memory_space<semaphore_mem>>
      %dma_wait3A_304 = tpu.memref_squeeze %dma_wait3A_303 : memref<1x!tpu.dma_semaphore, #tpu.memory_space<semaphore_mem>> -> memref<!tpu.dma_semaphore, #tpu.memory_space<semaphore_mem>>
      tpu.wait_indirect_dma semaphore(%dma_wait3A_304 : memref<!tpu.dma_semaphore, #tpu.memory_space<semaphore_mem>>) src(%dma_wait3A_302 : memref<10240x128xf32, #tpu.memory_space<hbm>>) dst(%arg7 : memref<128x128xf32, #tpu.memory_space<vmem>>)
      %dma_start3A_305 = arith.constant 1 : i32
      %dma_start3A_306 = arith.constant 1 : i32
      %dma_start3A_307 = arith.constant 1 : i32
      %dma_start3A_308 = arith.constant 0 : i32
      %dma_start3A_309 = tpu.memref_slice %arg8[%rem3A_207, %dma_start3A_305, %dma_start3A_306, %dma_start3A_308] : memref<2x2x2x128xi32, #tpu.memory_space<vmem>> -> memref<1x1x1x128xi32, #tpu.memory_space<vmem>>
      %dma_start3A_310 = tpu.memref_squeeze %dma_start3A_309 : memref<1x1x1x128xi32, #tpu.memory_space<vmem>> -> memref<128xi32, #tpu.memory_space<vmem>>
      %dma_start3A_311 = arith.constant 0 : i32
      %dma_start3A_312 = arith.constant 0 : i32
      %dma_start3A_313 = tpu.memref_slice %arg5[%dma_start3A_311, %dma_start3A_312] : memref<10240x128xf32, #tpu.memory_space<vmem_shared>> -> memref<10240x128xf32, #tpu.memory_space<vmem_shared>>
      %dma_start3A_314 = tpu.memref_slice %arg10[%dma_start3A_307] : memref<2x!tpu.dma_semaphore, #tpu.memory_space<semaphore_mem>> -> memref<1x!tpu.dma_semaphore, #tpu.memory_space<semaphore_mem>>
      %dma_start3A_315 = tpu.memref_squeeze %dma_start3A_314 : memref<1x!tpu.dma_semaphore, #tpu.memory_space<semaphore_mem>> -> memref<!tpu.dma_semaphore, #tpu.memory_space<semaphore_mem>>
      tpu.enqueue_indirect_dma source(%arg7 : memref<128x128xf32, #tpu.memory_space<vmem>>) target(%dma_start3A_313 : memref<10240x128xf32, #tpu.memory_space<vmem_shared>>) offsets(%dma_start3A_310 : memref<128xi32, #tpu.memory_space<vmem>>) semaphore(%dma_start3A_315 : memref<!tpu.dma_semaphore, #tpu.memory_space<semaphore_mem>>) {add = true}
    }
    %while3A_176 = arith.constant 1 : i32
    scf.for %while3A_206 = %while3A_174 to %while3A_170 step %while3A_176  : i32 {
      %rem3A = arith.constant 2 : i32
      %rem3A_207 = arith.remsi %while3A_206, %rem3A : i32
      %dma_wait3A_208 = arith.constant 0 : i32
      %dma_wait3A_209 = arith.constant 0 : i32
      %dma_wait3A_210 = arith.constant 0 : i32
      %dma_wait3A_211 = tpu.memref_slice %arg8[%rem3A_207, %dma_wait3A_208, %dma_wait3A_209, %dma_wait3A_210] : memref<2x2x2x128xi32, #tpu.memory_space<vmem>> -> memref<1x2x2x128xi32, #tpu.memory_space<vmem>>
      %dma_wait3A_212 = tpu.memref_squeeze %dma_wait3A_211 : memref<1x2x2x128xi32, #tpu.memory_space<vmem>> -> memref<2x2x128xi32, #tpu.memory_space<vmem>>
      %dma_wait3A_213 = arith.constant 0 : i32
      %dma_wait3A_214 = arith.constant 0 : i32
      %dma_wait3A_215 = tpu.memref_slice %arg3[%select_n3A, %dma_wait3A_213, %dma_wait3A_214] : memref<2560x2x128xi32, #tpu.memory_space<hbm>> -> memref<2x2x128xi32, #tpu.memory_space<hbm>>
      %dma_wait3A_216 = tpu.memref_slice %arg11[%rem3A_207] : memref<2x!tpu.dma_semaphore, #tpu.memory_space<semaphore_mem>> -> memref<1x!tpu.dma_semaphore, #tpu.memory_space<semaphore_mem>>
      %dma_wait3A_217 = tpu.memref_squeeze %dma_wait3A_216 : memref<1x!tpu.dma_semaphore, #tpu.memory_space<semaphore_mem>> -> memref<!tpu.dma_semaphore, #tpu.memory_space<semaphore_mem>>
      %dma_wait3A_218 = arith.constant 0 : i32
      %dma_wait3A_219 = arith.constant 0 : i32
      %dma_wait3A_220 = arith.constant 0 : i32
      %dma_wait3A_221 = tpu.memref_slice %arg8[%rem3A_207, %dma_wait3A_218, %dma_wait3A_219, %dma_wait3A_220] : memref<2x2x2x128xi32, #tpu.memory_space<vmem>> -> memref<1x2x2x128xi32, #tpu.memory_space<vmem>>
      %dma_wait3A_222 = tpu.memref_squeeze %dma_wait3A_221 : memref<1x2x2x128xi32, #tpu.memory_space<vmem>> -> memref<2x2x128xi32, #tpu.memory_space<vmem>>
      %dma_wait3A_223 = arith.constant 0 : i32
      %dma_wait3A_224 = arith.constant 0 : i32
      %dma_wait3A_225 = tpu.memref_slice %arg3[%select_n3A, %dma_wait3A_223, %dma_wait3A_224] : memref<2560x2x128xi32, #tpu.memory_space<hbm>> -> memref<2x2x128xi32, #tpu.memory_space<hbm>>
      tpu.wait_dma2 semaphore(%dma_wait3A_217 : memref<!tpu.dma_semaphore, #tpu.memory_space<semaphore_mem>>) src(%dma_wait3A_225 : memref<2x2x128xi32, #tpu.memory_space<hbm>>) dst(%dma_wait3A_222 : memref<2x2x128xi32, #tpu.memory_space<vmem>>)
      %dma_wait3A_226 = arith.constant 0 : i32
      %dma_wait3A_227 = arith.constant 1 : i32
      %dma_wait3A_228 = arith.constant 0 : i32
      %dma_wait3A_229 = arith.constant 0 : i32
      %dma_wait3A_230 = tpu.memref_slice %arg8[%rem3A_207, %dma_wait3A_226, %dma_wait3A_227, %dma_wait3A_229] : memref<2x2x2x128xi32, #tpu.memory_space<vmem>> -> memref<1x1x1x128xi32, #tpu.memory_space<vmem>>
      %dma_wait3A_231 = tpu.memref_squeeze %dma_wait3A_230 : memref<1x1x1x128xi32, #tpu.memory_space<vmem>> -> memref<128xi32, #tpu.memory_space<vmem>>
      %dma_wait3A_232 = arith.constant 0 : i32
      %dma_wait3A_233 = arith.constant 0 : i32
      %dma_wait3A_234 = tpu.memref_slice %arg5[%dma_wait3A_232, %dma_wait3A_233] : memref<10240x128xf32, #tpu.memory_space<vmem_shared>> -> memref<10240x128xf32, #tpu.memory_space<vmem_shared>>
      %dma_wait3A_235 = tpu.memref_slice %arg10[%dma_wait3A_228] : memref<2x!tpu.dma_semaphore, #tpu.memory_space<semaphore_mem>> -> memref<1x!tpu.dma_semaphore, #tpu.memory_space<semaphore_mem>>
      %dma_wait3A_236 = tpu.memref_squeeze %dma_wait3A_235 : memref<1x!tpu.dma_semaphore, #tpu.memory_space<semaphore_mem>> -> memref<!tpu.dma_semaphore, #tpu.memory_space<semaphore_mem>>
      tpu.wait_indirect_dma semaphore(%dma_wait3A_236 : memref<!tpu.dma_semaphore, #tpu.memory_space<semaphore_mem>>) src(%arg6 : memref<128x128xf32, #tpu.memory_space<vmem>>) dst(%dma_wait3A_234 : memref<10240x128xf32, #tpu.memory_space<vmem_shared>>)
      %dma_start3A_237 = arith.constant 0 : i32
      %dma_start3A_238 = arith.constant 0 : i32
      %dma_start3A_239 = arith.constant 0 : i32
      %dma_start3A_240 = arith.constant 0 : i32
      %dma_start3A_241 = tpu.memref_slice %arg8[%rem3A_207, %dma_start3A_237, %dma_start3A_238, %dma_start3A_240] : memref<2x2x2x128xi32, #tpu.memory_space<vmem>> -> memref<1x1x1x128xi32, #tpu.memory_space<vmem>>
      %dma_start3A_242 = tpu.memref_squeeze %dma_start3A_241 : memref<1x1x1x128xi32, #tpu.memory_space<vmem>> -> memref<128xi32, #tpu.memory_space<vmem>>
      %dma_start3A_243 = arith.constant 0 : i32
      %dma_start3A_244 = arith.constant 0 : i32
      %dma_start3A_245 = tpu.memref_slice %arg2[%dma_start3A_243, %dma_start3A_244] : memref<10240x128xf32, #tpu.memory_space<hbm>> -> memref<10240x128xf32, #tpu.memory_space<hbm>>
      %dma_start3A_246 = tpu.memref_slice %arg9[%dma_start3A_239] : memref<2x!tpu.dma_semaphore, #tpu.memory_space<semaphore_mem>> -> memref<1x!tpu.dma_semaphore, #tpu.memory_space<semaphore_mem>>
      %dma_start3A_247 = tpu.memref_squeeze %dma_start3A_246 : memref<1x!tpu.dma_semaphore, #tpu.memory_space<semaphore_mem>> -> memref<!tpu.dma_semaphore, #tpu.memory_space<semaphore_mem>>
      tpu.enqueue_indirect_dma source(%dma_start3A_245 : memref<10240x128xf32, #tpu.memory_space<hbm>>) target(%arg6 : memref<128x128xf32, #tpu.memory_space<vmem>>) offsets(%dma_start3A_242 : memref<128xi32, #tpu.memory_space<vmem>>) semaphore(%dma_start3A_247 : memref<!tpu.dma_semaphore, #tpu.memory_space<semaphore_mem>>)
      %dma_wait3A_248 = arith.constant 1 : i32
      %dma_wait3A_249 = arith.constant 1 : i32
      %dma_wait3A_250 = arith.constant 1 : i32
      %dma_wait3A_251 = arith.constant 0 : i32
      %dma_wait3A_252 = tpu.memref_slice %arg8[%rem3A_207, %dma_wait3A_248, %dma_wait3A_249, %dma_wait3A_251] : memref<2x2x2x128xi32, #tpu.memory_space<vmem>> -> memref<1x1x1x128xi32, #tpu.memory_space<vmem>>
      %dma_wait3A_253 = tpu.memref_squeeze %dma_wait3A_252 : memref<1x1x1x128xi32, #tpu.memory_space<vmem>> -> memref<128xi32, #tpu.memory_space<vmem>>
      %dma_wait3A_254 = arith.constant 0 : i32
      %dma_wait3A_255 = arith.constant 0 : i32
      %dma_wait3A_256 = tpu.memref_slice %arg5[%dma_wait3A_254, %dma_wait3A_255] : memref<10240x128xf32, #tpu.memory_space<vmem_shared>> -> memref<10240x128xf32, #tpu.memory_space<vmem_shared>>
      %dma_wait3A_257 = tpu.memref_slice %arg10[%dma_wait3A_250] : memref<2x!tpu.dma_semaphore, #tpu.memory_space<semaphore_mem>> -> memref<1x!tpu.dma_semaphore, #tpu.memory_space<semaphore_mem>>
      %dma_wait3A_258 = tpu.memref_squeeze %dma_wait3A_257 : memref<1x!tpu.dma_semaphore, #tpu.memory_space<semaphore_mem>> -> memref<!tpu.dma_semaphore, #tpu.memory_space<semaphore_mem>>
      tpu.wait_indirect_dma semaphore(%dma_wait3A_258 : memref<!tpu.dma_semaphore, #tpu.memory_space<semaphore_mem>>) src(%arg7 : memref<128x128xf32, #tpu.memory_space<vmem>>) dst(%dma_wait3A_256 : memref<10240x128xf32, #tpu.memory_space<vmem_shared>>)
      %dma_start3A_259 = arith.constant 1 : i32
      %dma_start3A_260 = arith.constant 0 : i32
      %dma_start3A_261 = arith.constant 1 : i32
      %dma_start3A_262 = arith.constant 0 : i32
      %dma_start3A_263 = tpu.memref_slice %arg8[%rem3A_207, %dma_start3A_259, %dma_start3A_260, %dma_start3A_262] : memref<2x2x2x128xi32, #tpu.memory_space<vmem>> -> memref<1x1x1x128xi32, #tpu.memory_space<vmem>>
      %dma_start3A_264 = tpu.memref_squeeze %dma_start3A_263 : memref<1x1x1x128xi32, #tpu.memory_space<vmem>> -> memref<128xi32, #tpu.memory_space<vmem>>
      %dma_start3A_265 = arith.constant 0 : i32
      %dma_start3A_266 = arith.constant 0 : i32
      %dma_start3A_267 = tpu.memref_slice %arg2[%dma_start3A_265, %dma_start3A_266] : memref<10240x128xf32, #tpu.memory_space<hbm>> -> memref<10240x128xf32, #tpu.memory_space<hbm>>
      %dma_start3A_268 = tpu.memref_slice %arg9[%dma_start3A_261] : memref<2x!tpu.dma_semaphore, #tpu.memory_space<semaphore_mem>> -> memref<1x!tpu.dma_semaphore, #tpu.memory_space<semaphore_mem>>
      %dma_start3A_269 = tpu.memref_squeeze %dma_start3A_268 : memref<1x!tpu.dma_semaphore, #tpu.memory_space<semaphore_mem>> -> memref<!tpu.dma_semaphore, #tpu.memory_space<semaphore_mem>>
      tpu.enqueue_indirect_dma source(%dma_start3A_267 : memref<10240x128xf32, #tpu.memory_space<hbm>>) target(%arg7 : memref<128x128xf32, #tpu.memory_space<vmem>>) offsets(%dma_start3A_264 : memref<128xi32, #tpu.memory_space<vmem>>) semaphore(%dma_start3A_269 : memref<!tpu.dma_semaphore, #tpu.memory_space<semaphore_mem>>)
      %sub3A = arith.constant 1 : i32
      %sub3A_270 = arith.subi %select_n3A_33, %sub3A : i32
      %lt3A = arith.cmpi slt, %while3A_206, %sub3A_270 : i32
      %convert_element_type3A = arith.extui %lt3A : i1 to i32
      %cond3A = arith.constant 0 : i32
      %cond3A_271 = arith.cmpi ne, %convert_element_type3A, %cond3A : i32
      scf.if %cond3A_271 {
        %add3A_316 = arith.constant 1 : i32
        %add3A_317 = arith.addi %while3A_206, %add3A_316 : i32
        %sub3A_318 = arith.constant 1 : i32
        %sub3A_319 = arith.subi %sub3A_318, %rem3A_207 : i32
        %mul3A_320 = arith.constant 2 : i32
        %mul3A_321 = arith.muli %add3A_317, %mul3A_320 : i32
        %add3A_322 = arith.addi %select_n3A, %mul3A_321 : i32
        %dma_start3A_323 = arith.constant 0 : i32
        %dma_start3A_324 = arith.constant 0 : i32
        %dma_start3A_325 = arith.constant 0 : i32
        %dma_start3A_326 = tpu.memref_slice %arg8[%sub3A_319, %dma_start3A_323, %dma_start3A_324, %dma_start3A_325] : memref<2x2x2x128xi32, #tpu.memory_space<vmem>> -> memref<1x2x2x128xi32, #tpu.memory_space<vmem>>
        %dma_start3A_327 = tpu.memref_squeeze %dma_start3A_326 : memref<1x2x2x128xi32, #tpu.memory_space<vmem>> -> memref<2x2x128xi32, #tpu.memory_space<vmem>>
        %dma_start3A_328 = arith.constant 0 : i32
        %dma_start3A_329 = arith.constant 0 : i32
        %dma_start3A_330 = tpu.memref_slice %arg3[%add3A_322, %dma_start3A_328, %dma_start3A_329] : memref<2560x2x128xi32, #tpu.memory_space<hbm>> -> memref<2x2x128xi32, #tpu.memory_space<hbm>>
        %dma_start3A_331 = tpu.memref_slice %arg11[%sub3A_319] : memref<2x!tpu.dma_semaphore, #tpu.memory_space<semaphore_mem>> -> memref<1x!tpu.dma_semaphore, #tpu.memory_space<semaphore_mem>>
        %dma_start3A_332 = tpu.memref_squeeze %dma_start3A_331 : memref<1x!tpu.dma_semaphore, #tpu.memory_space<semaphore_mem>> -> memref<!tpu.dma_semaphore, #tpu.memory_space<semaphore_mem>>
        %dma_start3A_333 = arith.constant 0 : i32
        %dma_start3A_334 = arith.constant 0 : i32
        %dma_start3A_335 = arith.constant 0 : i32
        %dma_start3A_336 = tpu.memref_slice %arg8[%sub3A_319, %dma_start3A_333, %dma_start3A_334, %dma_start3A_335] : memref<2x2x2x128xi32, #tpu.memory_space<vmem>> -> memref<1x2x2x128xi32, #tpu.memory_space<vmem>>
        %dma_start3A_337 = tpu.memref_squeeze %dma_start3A_336 : memref<1x2x2x128xi32, #tpu.memory_space<vmem>> -> memref<2x2x128xi32, #tpu.memory_space<vmem>>
        %dma_start3A_338 = arith.constant 0 : i32
        %dma_start3A_339 = arith.constant 0 : i32
        %dma_start3A_340 = tpu.memref_slice %arg3[%add3A_322, %dma_start3A_338, %dma_start3A_339] : memref<2560x2x128xi32, #tpu.memory_space<hbm>> -> memref<2x2x128xi32, #tpu.memory_space<hbm>>
        tpu.enqueue_dma source(%dma_start3A_340 : memref<2x2x128xi32, #tpu.memory_space<hbm>>) target(%dma_start3A_337 : memref<2x2x128xi32, #tpu.memory_space<vmem>>) target_semaphore(%dma_start3A_332 : memref<!tpu.dma_semaphore, #tpu.memory_space<semaphore_mem>>)
      } else {
      }
      %dma_wait3A_272 = arith.constant 0 : i32
      %dma_wait3A_273 = arith.constant 0 : i32
      %dma_wait3A_274 = arith.constant 0 : i32
      %dma_wait3A_275 = arith.constant 0 : i32
      %dma_wait3A_276 = tpu.memref_slice %arg8[%rem3A_207, %dma_wait3A_272, %dma_wait3A_273, %dma_wait3A_275] : memref<2x2x2x128xi32, #tpu.memory_space<vmem>> -> memref<1x1x1x128xi32, #tpu.memory_space<vmem>>
      %dma_wait3A_277 = tpu.memref_squeeze %dma_wait3A_276 : memref<1x1x1x128xi32, #tpu.memory_space<vmem>> -> memref<128xi32, #tpu.memory_space<vmem>>
      %dma_wait3A_278 = arith.constant 0 : i32
      %dma_wait3A_279 = arith.constant 0 : i32
      %dma_wait3A_280 = tpu.memref_slice %arg2[%dma_wait3A_278, %dma_wait3A_279] : memref<10240x128xf32, #tpu.memory_space<hbm>> -> memref<10240x128xf32, #tpu.memory_space<hbm>>
      %dma_wait3A_281 = tpu.memref_slice %arg9[%dma_wait3A_274] : memref<2x!tpu.dma_semaphore, #tpu.memory_space<semaphore_mem>> -> memref<1x!tpu.dma_semaphore, #tpu.memory_space<semaphore_mem>>
      %dma_wait3A_282 = tpu.memref_squeeze %dma_wait3A_281 : memref<1x!tpu.dma_semaphore, #tpu.memory_space<semaphore_mem>> -> memref<!tpu.dma_semaphore, #tpu.memory_space<semaphore_mem>>
      tpu.wait_indirect_dma semaphore(%dma_wait3A_282 : memref<!tpu.dma_semaphore, #tpu.memory_space<semaphore_mem>>) src(%dma_wait3A_280 : memref<10240x128xf32, #tpu.memory_space<hbm>>) dst(%arg6 : memref<128x128xf32, #tpu.memory_space<vmem>>)
      %dma_start3A_283 = arith.constant 0 : i32
      %dma_start3A_284 = arith.constant 1 : i32
      %dma_start3A_285 = arith.constant 0 : i32
      %dma_start3A_286 = arith.constant 0 : i32
      %dma_start3A_287 = tpu.memref_slice %arg8[%rem3A_207, %dma_start3A_283, %dma_start3A_284, %dma_start3A_286] : memref<2x2x2x128xi32, #tpu.memory_space<vmem>> -> memref<1x1x1x128xi32, #tpu.memory_space<vmem>>
      %dma_start3A_288 = tpu.memref_squeeze %dma_start3A_287 : memref<1x1x1x128xi32, #tpu.memory_space<vmem>> -> memref<128xi32, #tpu.memory_space<vmem>>
      %dma_start3A_289 = arith.constant 0 : i32
      %dma_start3A_290 = arith.constant 0 : i32
      %dma_start3A_291 = tpu.memref_slice %arg5[%dma_start3A_289, %dma_start3A_290] : memref<10240x128xf32, #tpu.memory_space<vmem_shared>> -> memref<10240x128xf32, #tpu.memory_space<vmem_shared>>
      %dma_start3A_292 = tpu.memref_slice %arg10[%dma_start3A_285] : memref<2x!tpu.dma_semaphore, #tpu.memory_space<semaphore_mem>> -> memref<1x!tpu.dma_semaphore, #tpu.memory_space<semaphore_mem>>
      %dma_start3A_293 = tpu.memref_squeeze %dma_start3A_292 : memref<1x!tpu.dma_semaphore, #tpu.memory_space<semaphore_mem>> -> memref<!tpu.dma_semaphore, #tpu.memory_space<semaphore_mem>>
      tpu.enqueue_indirect_dma source(%arg6 : memref<128x128xf32, #tpu.memory_space<vmem>>) target(%dma_start3A_291 : memref<10240x128xf32, #tpu.memory_space<vmem_shared>>) offsets(%dma_start3A_288 : memref<128xi32, #tpu.memory_space<vmem>>) semaphore(%dma_start3A_293 : memref<!tpu.dma_semaphore, #tpu.memory_space<semaphore_mem>>) {add = true}
      %dma_wait3A_294 = arith.constant 1 : i32
      %dma_wait3A_295 = arith.constant 0 : i32
      %dma_wait3A_296 = arith.constant 1 : i32
      %dma_wait3A_297 = arith.constant 0 : i32
      %dma_wait3A_298 = tpu.memref_slice %arg8[%rem3A_207, %dma_wait3A_294, %dma_wait3A_295, %dma_wait3A_297] : memref<2x2x2x128xi32, #tpu.memory_space<vmem>> -> memref<1x1x1x128xi32, #tpu.memory_space<vmem>>
      %dma_wait3A_299 = tpu.memref_squeeze %dma_wait3A_298 : memref<1x1x1x128xi32, #tpu.memory_space<vmem>> -> memref<128xi32, #tpu.memory_space<vmem>>
      %dma_wait3A_300 = arith.constant 0 : i32
      %dma_wait3A_301 = arith.constant 0 : i32
      %dma_wait3A_302 = tpu.memref_slice %arg2[%dma_wait3A_300, %dma_wait3A_301] : memref<10240x128xf32, #tpu.memory_space<hbm>> -> memref<10240x128xf32, #tpu.memory_space<hbm>>
      %dma_wait3A_303 = tpu.memref_slice %arg9[%dma_wait3A_296] : memref<2x!tpu.dma_semaphore, #tpu.memory_space<semaphore_mem>> -> memref<1x!tpu.dma_semaphore, #tpu.memory_space<semaphore_mem>>
      %dma_wait3A_304 = tpu.memref_squeeze %dma_wait3A_303 : memref<1x!tpu.dma_semaphore, #tpu.memory_space<semaphore_mem>> -> memref<!tpu.dma_semaphore, #tpu.memory_space<semaphore_mem>>
      tpu.wait_indirect_dma semaphore(%dma_wait3A_304 : memref<!tpu.dma_semaphore, #tpu.memory_space<semaphore_mem>>) src(%dma_wait3A_302 : memref<10240x128xf32, #tpu.memory_space<hbm>>) dst(%arg7 : memref<128x128xf32, #tpu.memory_space<vmem>>)
      %dma_start3A_305 = arith.constant 1 : i32
      %dma_start3A_306 = arith.constant 1 : i32
      %dma_start3A_307 = arith.constant 1 : i32
      %dma_start3A_308 = arith.constant 0 : i32
      %dma_start3A_309 = tpu.memref_slice %arg8[%rem3A_207, %dma_start3A_305, %dma_start3A_306, %dma_start3A_308] : memref<2x2x2x128xi32, #tpu.memory_space<vmem>> -> memref<1x1x1x128xi32, #tpu.memory_space<vmem>>
      %dma_start3A_310 = tpu.memref_squeeze %dma_start3A_309 : memref<1x1x1x128xi32, #tpu.memory_space<vmem>> -> memref<128xi32, #tpu.memory_space<vmem>>
      %dma_start3A_311 = arith.constant 0 : i32
      %dma_start3A_312 = arith.constant 0 : i32
      %dma_start3A_313 = tpu.memref_slice %arg5[%dma_start3A_311, %dma_start3A_312] : memref<10240x128xf32, #tpu.memory_space<vmem_shared>> -> memref<10240x128xf32, #tpu.memory_space<vmem_shared>>
      %dma_start3A_314 = tpu.memref_slice %arg10[%dma_start3A_307] : memref<2x!tpu.dma_semaphore, #tpu.memory_space<semaphore_mem>> -> memref<1x!tpu.dma_semaphore, #tpu.memory_space<semaphore_mem>>
      %dma_start3A_315 = tpu.memref_squeeze %dma_start3A_314 : memref<1x!tpu.dma_semaphore, #tpu.memory_space<semaphore_mem>> -> memref<!tpu.dma_semaphore, #tpu.memory_space<semaphore_mem>>
      tpu.enqueue_indirect_dma source(%arg7 : memref<128x128xf32, #tpu.memory_space<vmem>>) target(%dma_start3A_313 : memref<10240x128xf32, #tpu.memory_space<vmem_shared>>) offsets(%dma_start3A_310 : memref<128xi32, #tpu.memory_space<vmem>>) semaphore(%dma_start3A_315 : memref<!tpu.dma_semaphore, #tpu.memory_space<semaphore_mem>>) {add = true}
    }
    %dma_wait3A_177 = arith.constant 0 : i32
    %dma_wait3A_178 = arith.constant 0 : i32
    %dma_wait3A_179 = arith.constant 1 : i32
    %dma_wait3A_180 = arith.constant 0 : i32
    %dma_wait3A_181 = arith.constant 0 : i32
    %dma_wait3A_182 = tpu.memref_slice %arg8[%dma_wait3A_177, %dma_wait3A_178, %dma_wait3A_179, %dma_wait3A_181] : memref<2x2x2x128xi32, #tpu.memory_space<vmem>> -> memref<1x1x1x128xi32, #tpu.memory_space<vmem>>
    %dma_wait3A_183 = tpu.memref_squeeze %dma_wait3A_182 : memref<1x1x1x128xi32, #tpu.memory_space<vmem>> -> memref<128xi32, #tpu.memory_space<vmem>>
    %dma_wait3A_184 = arith.constant 0 : i32
    %dma_wait3A_185 = arith.constant 0 : i32
    %dma_wait3A_186 = tpu.memref_slice %arg5[%dma_wait3A_184, %dma_wait3A_185] : memref<10240x128xf32, #tpu.memory_space<vmem_shared>> -> memref<10240x128xf32, #tpu.memory_space<vmem_shared>>
    %dma_wait3A_187 = tpu.memref_slice %arg10[%dma_wait3A_180] : memref<2x!tpu.dma_semaphore, #tpu.memory_space<semaphore_mem>> -> memref<1x!tpu.dma_semaphore, #tpu.memory_space<semaphore_mem>>
    %dma_wait3A_188 = tpu.memref_squeeze %dma_wait3A_187 : memref<1x!tpu.dma_semaphore, #tpu.memory_space<semaphore_mem>> -> memref<!tpu.dma_semaphore, #tpu.memory_space<semaphore_mem>>
    tpu.wait_indirect_dma semaphore(%dma_wait3A_188 : memref<!tpu.dma_semaphore, #tpu.memory_space<semaphore_mem>>) src(%arg6 : memref<128x128xf32, #tpu.memory_space<vmem>>) dst(%dma_wait3A_186 : memref<10240x128xf32, #tpu.memory_space<vmem_shared>>)
    %dma_wait3A_189 = arith.constant 0 : i32
    %dma_wait3A_190 = arith.constant 1 : i32
    %dma_wait3A_191 = arith.constant 1 : i32
    %dma_wait3A_192 = arith.constant 1 : i32
    %dma_wait3A_193 = arith.constant 0 : i32
    %dma_wait3A_194 = tpu.memref_slice %arg8[%dma_wait3A_189, %dma_wait3A_190, %dma_wait3A_191, %dma_wait3A_193] : memref<2x2x2x128xi32, #tpu.memory_space<vmem>> -> memref<1x1x1x128xi32, #tpu.memory_space<vmem>>
    %dma_wait3A_195 = tpu.memref_squeeze %dma_wait3A_194 : memref<1x1x1x128xi32, #tpu.memory_space<vmem>> -> memref<128xi32, #tpu.memory_space<vmem>>
    %dma_wait3A_196 = arith.constant 0 : i32
    %dma_wait3A_197 = arith.constant 0 : i32
    %dma_wait3A_198 = tpu.memref_slice %arg5[%dma_wait3A_196, %dma_wait3A_197] : memref<10240x128xf32, #tpu.memory_space<vmem_shared>> -> memref<10240x128xf32, #tpu.memory_space<vmem_shared>>
    %dma_wait3A_199 = tpu.memref_slice %arg10[%dma_wait3A_192] : memref<2x!tpu.dma_semaphore, #tpu.memory_space<semaphore_mem>> -> memref<1x!tpu.dma_semaphore, #tpu.memory_space<semaphore_mem>>
    %dma_wait3A_200 = tpu.memref_squeeze %dma_wait3A_199 : memref<1x!tpu.dma_semaphore, #tpu.memory_space<semaphore_mem>> -> memref<!tpu.dma_semaphore, #tpu.memory_space<semaphore_mem>>
    tpu.wait_indirect_dma semaphore(%dma_wait3A_200 : memref<!tpu.dma_semaphore, #tpu.memory_space<semaphore_mem>>) src(%arg7 : memref<128x128xf32, #tpu.memory_space<vmem>>) dst(%dma_wait3A_198 : memref<10240x128xf32, #tpu.memory_space<vmem_shared>>)
    %barrier3A_201 = arith.constant 0 : index
    tpu.barrier barrier_id(%barrier3A_201)
    %mul3A_202 = arith.constant 640 : i32
    %mul3A_203 = arith.muli %arg1, %mul3A_202 : i32
    %mul3A_204 = arith.constant 640 : i32
    %mul3A_205 = arith.muli %arg1, %mul3A_204 : i32
    "tpu.region"() ({
      %run_scoped3A = tpu.sem_alloc : memref<!tpu.dma_semaphore, #tpu.memory_space<semaphore_mem>>
      %dma_start3A_206 = arith.constant 0 : i32
      %dma_start3A_207 = tpu.memref_slice %arg4[%arg0, %mul3A_205, %dma_start3A_206] : memref<2x10240x128xf32, #tpu.memory_space<hbm>> -> memref<1x640x128xf32, #tpu.memory_space<hbm>>
      %dma_start3A_208 = tpu.memref_squeeze %dma_start3A_207 : memref<1x640x128xf32, #tpu.memory_space<hbm>> -> memref<640x128xf32, #tpu.memory_space<hbm>>
      %dma_start3A_209 = arith.constant 0 : i32
      %dma_start3A_210 = tpu.memref_slice %arg5[%mul3A_203, %dma_start3A_209] : memref<10240x128xf32, #tpu.memory_space<vmem_shared>> -> memref<640x128xf32, #tpu.memory_space<vmem_shared>>
      tpu.enqueue_dma source(%dma_start3A_210 : memref<640x128xf32, #tpu.memory_space<vmem_shared>>) target(%dma_start3A_208 : memref<640x128xf32, #tpu.memory_space<hbm>>) target_semaphore(%run_scoped3A : memref<!tpu.dma_semaphore, #tpu.memory_space<semaphore_mem>>)
      %dma_wait3A_211 = arith.constant 0 : i32
      %dma_wait3A_212 = tpu.memref_slice %arg4[%arg0, %mul3A_205, %dma_wait3A_211] : memref<2x10240x128xf32, #tpu.memory_space<hbm>> -> memref<1x640x128xf32, #tpu.memory_space<hbm>>
      %dma_wait3A_213 = tpu.memref_squeeze %dma_wait3A_212 : memref<1x640x128xf32, #tpu.memory_space<hbm>> -> memref<640x128xf32, #tpu.memory_space<hbm>>
      %dma_wait3A_214 = arith.constant 0 : i32
      %dma_wait3A_215 = tpu.memref_slice %arg5[%mul3A_203, %dma_wait3A_214] : memref<10240x128xf32, #tpu.memory_space<vmem_shared>> -> memref<640x128xf32, #tpu.memory_space<vmem_shared>>
      tpu.wait_dma2 semaphore(%run_scoped3A : memref<!tpu.dma_semaphore, #tpu.memory_space<semaphore_mem>>) src(%dma_wait3A_215 : memref<640x128xf32, #tpu.memory_space<vmem_shared>>) dst(%dma_wait3A_213 : memref<640x128xf32, #tpu.memory_space<hbm>>)
      tpu.yield
    }) : () -> ()
    return
  }
}

#map = affine_map<(d0, d1) -> (0, 0)>
#map1 = affine_map<(d0, d1) -> (0, 0, 0)>
module attributes {stable_mosaic.version = 14 : i64} {
  func.func @_agg_kernel(%arg0: i32, %arg1: i32, %arg2: memref<10240x128xf32, #tpu.memory_space<hbm>>, %arg3: memref<2560x2x128xi32, #tpu.memory_space<hbm>>, %arg4: memref<2x10240x128xf32, #tpu.memory_space<hbm>>, %arg5: memref<10240x128xf32, #tpu.memory_space<vmem_shared>>, %arg6: memref<128x128xf32, #tpu.memory_space<vmem>>, %arg7: memref<128x128xf32, #tpu.memory_space<vmem>>, %arg8: memref<2x2x2x128xi32, #tpu.memory_space<vmem>>, %arg9: memref<2x!tpu.dma_semaphore, #tpu.memory_space<semaphore_mem>>, %arg10: memref<2x!tpu.dma_semaphore, #tpu.memory_space<semaphore_mem>>, %arg11: memref<2x!tpu.dma_semaphore, #tpu.memory_space<semaphore_mem>>) attributes {dimension_semantics = [#tpu.dimension_semantics<core_parallel>, #tpu.dimension_semantics<subcore_parallel>], iteration_bounds = array<i64: 2, 16>, scalar_prefetch = 0 : i64, scratch_operands = 7 : i64, tpu.core_type = #tpu.core_type<sc_vector_subcore>, window_params = [{transform_indices = #map}, {transform_indices = #map1}, {transform_indices = #map1}]} {
    %scan3A = arith.constant 0 : i32
    %scan3A_0 = arith.constant 0 : i32
    %scan3A_1 = arith.constant 128 : i32
    %scan3A_2 = arith.addi %scan3A_0, %scan3A_1 : i32
    %scan3A_3 = arith.constant 1 : i32
    scf.for %scan3A_206 = %scan3A_0 to %scan3A_2 step %scan3A_3  : i32 {
      %broadcast_in_dim3A = arith.constant 0.000000e+00 : f32
      %broadcast_in_dim3A_207 = vector.broadcast %broadcast_in_dim3A : f32 to vector<16xf32>
      %swap3A = arith.index_cast %scan3A_206 : i32 to index
      %swap3A_208 = arith.constant 0 : index
      %swap3A_209 = tpu.vector_load %arg6[%swap3A, %swap3A_208] {strides = array<i32>} : memref<128x128xf32, #tpu.memory_space<vmem>>, vector<16xf32>,
      tpu.vector_store %arg6[%swap3A, %swap3A_208], %broadcast_in_dim3A_207 {strides = array<i32>} : memref<128x128xf32, #tpu.memory_space<vmem>>, vector<16xf32>,
      %broadcast_in_dim3A_210 = arith.constant 0.000000e+00 : f32
      %broadcast_in_dim3A_211 = vector.broadcast %broadcast_in_dim3A_210 : f32 to vector<16xf32>
      %swap3A_212 = arith.index_cast %scan3A_206 : i32 to index
      %swap3A_213 = arith.constant 16 : index
      %swap3A_214 = tpu.vector_load %arg6[%swap3A_212, %swap3A_213] {strides = array<i32>} : memref<128x128xf32, #tpu.memory_space<vmem>>, vector<16xf32>,
      tpu.vector_store %arg6[%swap3A_212, %swap3A_213], %broadcast_in_dim3A_211 {strides = array<i32>} : memref<128x128xf32, #tpu.memory_space<vmem>>, vector<16xf32>,
      %broadcast_in_dim3A_215 = arith.constant 0.000000e+00 : f32
      %broadcast_in_dim3A_216 = vector.broadcast %broadcast_in_dim3A_215 : f32 to vector<16xf32>
      %swap3A_217 = arith.index_cast %scan3A_206 : i32 to index
      %swap3A_218 = arith.constant 32 : index
      %swap3A_219 = tpu.vector_load %arg6[%swap3A_217, %swap3A_218] {strides = array<i32>} : memref<128x128xf32, #tpu.memory_space<vmem>>, vector<16xf32>,
      tpu.vector_store %arg6[%swap3A_217, %swap3A_218], %broadcast_in_dim3A_216 {strides = array<i32>} : memref<128x128xf32, #tpu.memory_space<vmem>>, vector<16xf32>,
      %broadcast_in_dim3A_220 = arith.constant 0.000000e+00 : f32
      %broadcast_in_dim3A_221 = vector.broadcast %broadcast_in_dim3A_220 : f32 to vector<16xf32>
      %swap3A_222 = arith.index_cast %scan3A_206 : i32 to index
      %swap3A_223 = arith.constant 48 : index
      %swap3A_224 = tpu.vector_load %arg6[%swap3A_222, %swap3A_223] {strides = array<i32>} : memref<128x128xf32, #tpu.memory_space<vmem>>, vector<16xf32>,
      tpu.vector_store %arg6[%swap3A_222, %swap3A_223], %broadcast_in_dim3A_221 {strides = array<i32>} : memref<128x128xf32, #tpu.memory_space<vmem>>, vector<16xf32>,
      %broadcast_in_dim3A_225 = arith.constant 0.000000e+00 : f32
      %broadcast_in_dim3A_226 = vector.broadcast %broadcast_in_dim3A_225 : f32 to vector<16xf32>
      %swap3A_227 = arith.index_cast %scan3A_206 : i32 to index
      %swap3A_228 = arith.constant 64 : index
      %swap3A_229 = tpu.vector_load %arg6[%swap3A_227, %swap3A_228] {strides = array<i32>} : memref<128x128xf32, #tpu.memory_space<vmem>>, vector<16xf32>,
      tpu.vector_store %arg6[%swap3A_227, %swap3A_228], %broadcast_in_dim3A_226 {strides = array<i32>} : memref<128x128xf32, #tpu.memory_space<vmem>>, vector<16xf32>,
      %broadcast_in_dim3A_230 = arith.constant 0.000000e+00 : f32
      %broadcast_in_dim3A_231 = vector.broadcast %broadcast_in_dim3A_230 : f32 to vector<16xf32>
      %swap3A_232 = arith.index_cast %scan3A_206 : i32 to index
      %swap3A_233 = arith.constant 80 : index
      %swap3A_234 = tpu.vector_load %arg6[%swap3A_232, %swap3A_233] {strides = array<i32>} : memref<128x128xf32, #tpu.memory_space<vmem>>, vector<16xf32>,
      tpu.vector_store %arg6[%swap3A_232, %swap3A_233], %broadcast_in_dim3A_231 {strides = array<i32>} : memref<128x128xf32, #tpu.memory_space<vmem>>, vector<16xf32>,
      %broadcast_in_dim3A_235 = arith.constant 0.000000e+00 : f32
      %broadcast_in_dim3A_236 = vector.broadcast %broadcast_in_dim3A_235 : f32 to vector<16xf32>
      %swap3A_237 = arith.index_cast %scan3A_206 : i32 to index
      %swap3A_238 = arith.constant 96 : index
      %swap3A_239 = tpu.vector_load %arg6[%swap3A_237, %swap3A_238] {strides = array<i32>} : memref<128x128xf32, #tpu.memory_space<vmem>>, vector<16xf32>,
      tpu.vector_store %arg6[%swap3A_237, %swap3A_238], %broadcast_in_dim3A_236 {strides = array<i32>} : memref<128x128xf32, #tpu.memory_space<vmem>>, vector<16xf32>,
      %broadcast_in_dim3A_240 = arith.constant 0.000000e+00 : f32
      %broadcast_in_dim3A_241 = vector.broadcast %broadcast_in_dim3A_240 : f32 to vector<16xf32>
      %swap3A_242 = arith.index_cast %scan3A_206 : i32 to index
      %swap3A_243 = arith.constant 112 : index
      %swap3A_244 = tpu.vector_load %arg6[%swap3A_242, %swap3A_243] {strides = array<i32>} : memref<128x128xf32, #tpu.memory_space<vmem>>, vector<16xf32>,
      tpu.vector_store %arg6[%swap3A_242, %swap3A_243], %broadcast_in_dim3A_241 {strides = array<i32>} : memref<128x128xf32, #tpu.memory_space<vmem>>, vector<16xf32>,
    }
    %scan3A_4 = arith.constant 128 : i32
    %mul3A = arith.constant 640 : i32
    %mul3A_5 = arith.muli %arg1, %mul3A : i32
    %add3A = arith.constant 0 : i32
    %add3A_6 = arith.addi %mul3A_5, %add3A : i32
    "tpu.region"() ({
      %run_scoped3A = tpu.sem_alloc : memref<!tpu.dma_semaphore, #tpu.memory_space<semaphore_mem>>
      %dma_start3A_206 = arith.constant 0 : i32
      %dma_start3A_207 = tpu.memref_slice %arg5[%add3A_6, %dma_start3A_206] : memref<10240x128xf32, #tpu.memory_space<vmem_shared>> -> memref<128x128xf32, #tpu.memory_space<vmem_shared>>
      %dma_start3A_208 = arith.constant 0 : i32
      %dma_start3A_209 = tpu.memref_slice %arg5[%add3A_6, %dma_start3A_208] : memref<10240x128xf32, #tpu.memory_space<vmem_shared>> -> memref<128x128xf32, #tpu.memory_space<vmem_shared>>
      tpu.enqueue_dma source(%arg6 : memref<128x128xf32, #tpu.memory_space<vmem>>) target(%dma_start3A_209 : memref<128x128xf32, #tpu.memory_space<vmem_shared>>) target_semaphore(%run_scoped3A : memref<!tpu.dma_semaphore, #tpu.memory_space<semaphore_mem>>)
      %dma_wait3A_210 = arith.constant 0 : i32
      %dma_wait3A_211 = tpu.memref_slice %arg5[%add3A_6, %dma_wait3A_210] : memref<10240x128xf32, #tpu.memory_space<vmem_shared>> -> memref<128x128xf32, #tpu.memory_space<vmem_shared>>
      %dma_wait3A_212 = arith.constant 0 : i32
      %dma_wait3A_213 = tpu.memref_slice %arg5[%add3A_6, %dma_wait3A_212] : memref<10240x128xf32, #tpu.memory_space<vmem_shared>> -> memref<128x128xf32, #tpu.memory_space<vmem_shared>>
      tpu.wait_dma2 semaphore(%run_scoped3A : memref<!tpu.dma_semaphore, #tpu.memory_space<semaphore_mem>>) src(%arg6 : memref<128x128xf32, #tpu.memory_space<vmem>>) dst(%dma_wait3A_213 : memref<128x128xf32, #tpu.memory_space<vmem_shared>>)
      tpu.yield
    }) : () -> ()
    %mul3A_7 = arith.constant 640 : i32
    %mul3A_8 = arith.muli %arg1, %mul3A_7 : i32
    %add3A_9 = arith.constant 128 : i32
    %add3A_10 = arith.addi %mul3A_8, %add3A_9 : i32
    "tpu.region"() ({
      %run_scoped3A = tpu.sem_alloc : memref<!tpu.dma_semaphore, #tpu.memory_space<semaphore_mem>>
      %dma_start3A_206 = arith.constant 0 : i32
      %dma_start3A_207 = tpu.memref_slice %arg5[%add3A_10, %dma_start3A_206] : memref<10240x128xf32, #tpu.memory_space<vmem_shared>> -> memref<128x128xf32, #tpu.memory_space<vmem_shared>>
      %dma_start3A_208 = arith.constant 0 : i32
      %dma_start3A_209 = tpu.memref_slice %arg5[%add3A_10, %dma_start3A_208] : memref<10240x128xf32, #tpu.memory_space<vmem_shared>> -> memref<128x128xf32, #tpu.memory_space<vmem_shared>>
      tpu.enqueue_dma source(%arg6 : memref<128x128xf32, #tpu.memory_space<vmem>>) target(%dma_start3A_209 : memref<128x128xf32, #tpu.memory_space<vmem_shared>>) target_semaphore(%run_scoped3A : memref<!tpu.dma_semaphore, #tpu.memory_space<semaphore_mem>>)
      %dma_wait3A_210 = arith.constant 0 : i32
      %dma_wait3A_211 = tpu.memref_slice %arg5[%add3A_10, %dma_wait3A_210] : memref<10240x128xf32, #tpu.memory_space<vmem_shared>> -> memref<128x128xf32, #tpu.memory_space<vmem_shared>>
      %dma_wait3A_212 = arith.constant 0 : i32
      %dma_wait3A_213 = tpu.memref_slice %arg5[%add3A_10, %dma_wait3A_212] : memref<10240x128xf32, #tpu.memory_space<vmem_shared>> -> memref<128x128xf32, #tpu.memory_space<vmem_shared>>
      tpu.wait_dma2 semaphore(%run_scoped3A : memref<!tpu.dma_semaphore, #tpu.memory_space<semaphore_mem>>) src(%arg6 : memref<128x128xf32, #tpu.memory_space<vmem>>) dst(%dma_wait3A_213 : memref<128x128xf32, #tpu.memory_space<vmem_shared>>)
      tpu.yield
    }) : () -> ()
    %mul3A_11 = arith.constant 640 : i32
    %mul3A_12 = arith.muli %arg1, %mul3A_11 : i32
    %add3A_13 = arith.constant 256 : i32
    %add3A_14 = arith.addi %mul3A_12, %add3A_13 : i32
    "tpu.region"() ({
      %run_scoped3A = tpu.sem_alloc : memref<!tpu.dma_semaphore, #tpu.memory_space<semaphore_mem>>
      %dma_start3A_206 = arith.constant 0 : i32
      %dma_start3A_207 = tpu.memref_slice %arg5[%add3A_14, %dma_start3A_206] : memref<10240x128xf32, #tpu.memory_space<vmem_shared>> -> memref<128x128xf32, #tpu.memory_space<vmem_shared>>
      %dma_start3A_208 = arith.constant 0 : i32
      %dma_start3A_209 = tpu.memref_slice %arg5[%add3A_14, %dma_start3A_208] : memref<10240x128xf32, #tpu.memory_space<vmem_shared>> -> memref<128x128xf32, #tpu.memory_space<vmem_shared>>
      tpu.enqueue_dma source(%arg6 : memref<128x128xf32, #tpu.memory_space<vmem>>) target(%dma_start3A_209 : memref<128x128xf32, #tpu.memory_space<vmem_shared>>) target_semaphore(%run_scoped3A : memref<!tpu.dma_semaphore, #tpu.memory_space<semaphore_mem>>)
      %dma_wait3A_210 = arith.constant 0 : i32
      %dma_wait3A_211 = tpu.memref_slice %arg5[%add3A_14, %dma_wait3A_210] : memref<10240x128xf32, #tpu.memory_space<vmem_shared>> -> memref<128x128xf32, #tpu.memory_space<vmem_shared>>
      %dma_wait3A_212 = arith.constant 0 : i32
      %dma_wait3A_213 = tpu.memref_slice %arg5[%add3A_14, %dma_wait3A_212] : memref<10240x128xf32, #tpu.memory_space<vmem_shared>> -> memref<128x128xf32, #tpu.memory_space<vmem_shared>>
      tpu.wait_dma2 semaphore(%run_scoped3A : memref<!tpu.dma_semaphore, #tpu.memory_space<semaphore_mem>>) src(%arg6 : memref<128x128xf32, #tpu.memory_space<vmem>>) dst(%dma_wait3A_213 : memref<128x128xf32, #tpu.memory_space<vmem_shared>>)
      tpu.yield
    }) : () -> ()
    %mul3A_15 = arith.constant 640 : i32
    %mul3A_16 = arith.muli %arg1, %mul3A_15 : i32
    %add3A_17 = arith.constant 384 : i32
    %add3A_18 = arith.addi %mul3A_16, %add3A_17 : i32
    "tpu.region"() ({
      %run_scoped3A = tpu.sem_alloc : memref<!tpu.dma_semaphore, #tpu.memory_space<semaphore_mem>>
      %dma_start3A_206 = arith.constant 0 : i32
      %dma_start3A_207 = tpu.memref_slice %arg5[%add3A_18, %dma_start3A_206] : memref<10240x128xf32, #tpu.memory_space<vmem_shared>> -> memref<128x128xf32, #tpu.memory_space<vmem_shared>>
      %dma_start3A_208 = arith.constant 0 : i32
      %dma_start3A_209 = tpu.memref_slice %arg5[%add3A_18, %dma_start3A_208] : memref<10240x128xf32, #tpu.memory_space<vmem_shared>> -> memref<128x128xf32, #tpu.memory_space<vmem_shared>>
      tpu.enqueue_dma source(%arg6 : memref<128x128xf32, #tpu.memory_space<vmem>>) target(%dma_start3A_209 : memref<128x128xf32, #tpu.memory_space<vmem_shared>>) target_semaphore(%run_scoped3A : memref<!tpu.dma_semaphore, #tpu.memory_space<semaphore_mem>>)
      %dma_wait3A_210 = arith.constant 0 : i32
      %dma_wait3A_211 = tpu.memref_slice %arg5[%add3A_18, %dma_wait3A_210] : memref<10240x128xf32, #tpu.memory_space<vmem_shared>> -> memref<128x128xf32, #tpu.memory_space<vmem_shared>>
      %dma_wait3A_212 = arith.constant 0 : i32
      %dma_wait3A_213 = tpu.memref_slice %arg5[%add3A_18, %dma_wait3A_212] : memref<10240x128xf32, #tpu.memory_space<vmem_shared>> -> memref<128x128xf32, #tpu.memory_space<vmem_shared>>
      tpu.wait_dma2 semaphore(%run_scoped3A : memref<!tpu.dma_semaphore, #tpu.memory_space<semaphore_mem>>) src(%arg6 : memref<128x128xf32, #tpu.memory_space<vmem>>) dst(%dma_wait3A_213 : memref<128x128xf32, #tpu.memory_space<vmem_shared>>)
      tpu.yield
    }) : () -> ()
    %mul3A_19 = arith.constant 640 : i32
    %mul3A_20 = arith.muli %arg1, %mul3A_19 : i32
    %add3A_21 = arith.constant 512 : i32
    %add3A_22 = arith.addi %mul3A_20, %add3A_21 : i32
    "tpu.region"() ({
      %run_scoped3A = tpu.sem_alloc : memref<!tpu.dma_semaphore, #tpu.memory_space<semaphore_mem>>
      %dma_start3A_206 = arith.constant 0 : i32
      %dma_start3A_207 = tpu.memref_slice %arg5[%add3A_22, %dma_start3A_206] : memref<10240x128xf32, #tpu.memory_space<vmem_shared>> -> memref<128x128xf32, #tpu.memory_space<vmem_shared>>
      %dma_start3A_208 = arith.constant 0 : i32
      %dma_start3A_209 = tpu.memref_slice %arg5[%add3A_22, %dma_start3A_208] : memref<10240x128xf32, #tpu.memory_space<vmem_shared>> -> memref<128x128xf32, #tpu.memory_space<vmem_shared>>
      tpu.enqueue_dma source(%arg6 : memref<128x128xf32, #tpu.memory_space<vmem>>) target(%dma_start3A_209 : memref<128x128xf32, #tpu.memory_space<vmem_shared>>) target_semaphore(%run_scoped3A : memref<!tpu.dma_semaphore, #tpu.memory_space<semaphore_mem>>)
      %dma_wait3A_210 = arith.constant 0 : i32
      %dma_wait3A_211 = tpu.memref_slice %arg5[%add3A_22, %dma_wait3A_210] : memref<10240x128xf32, #tpu.memory_space<vmem_shared>> -> memref<128x128xf32, #tpu.memory_space<vmem_shared>>
      %dma_wait3A_212 = arith.constant 0 : i32
      %dma_wait3A_213 = tpu.memref_slice %arg5[%add3A_22, %dma_wait3A_212] : memref<10240x128xf32, #tpu.memory_space<vmem_shared>> -> memref<128x128xf32, #tpu.memory_space<vmem_shared>>
      tpu.wait_dma2 semaphore(%run_scoped3A : memref<!tpu.dma_semaphore, #tpu.memory_space<semaphore_mem>>) src(%arg6 : memref<128x128xf32, #tpu.memory_space<vmem>>) dst(%dma_wait3A_213 : memref<128x128xf32, #tpu.memory_space<vmem_shared>>)
      tpu.yield
    }) : () -> ()
    %barrier3A = arith.constant 0 : index
    tpu.barrier barrier_id(%barrier3A)
    %eq3A = arith.constant 0 : i32
    %eq3A_23 = arith.cmpi eq, %arg0, %eq3A : i32
    %mul3A_24 = arith.constant 146 : i32
    %mul3A_25 = arith.muli %arg1, %mul3A_24 : i32
    %mul3A_26 = arith.constant 14 : i32
    %mul3A_27 = arith.muli %arg1, %mul3A_26 : i32
    %add3A_28 = arith.constant 2336 : i32
    %add3A_29 = arith.addi %add3A_28, %mul3A_27 : i32
    %select_n3A = arith.select %eq3A_23, %mul3A_25, %add3A_29 : i32
    %eq3A_30 = arith.constant 0 : i32
    %eq3A_31 = arith.cmpi eq, %arg0, %eq3A_30 : i32
    %jit3A = arith.constant 73 : i32
    %jit3A_32 = arith.constant 7 : i32
    %select_n3A_33 = arith.select %eq3A_31, %jit3A, %jit3A_32 : i32
    %add3A_34 = arith.constant 0 : i32
    %add3A_35 = arith.addi %select_n3A, %add3A_34 : i32
    %dma_start3A = arith.constant 0 : i32
    %dma_start3A_36 = arith.constant 0 : i32
    %dma_start3A_37 = arith.constant 0 : i32
    %dma_start3A_38 = arith.constant 0 : i32
    %dma_start3A_39 = arith.constant 0 : i32
    %dma_start3A_40 = tpu.memref_slice %arg8[%dma_start3A, %dma_start3A_37, %dma_start3A_38, %dma_start3A_39] : memref<2x2x2x128xi32, #tpu.memory_space<vmem>> -> memref<1x2x2x128xi32, #tpu.memory_space<vmem>>
    %dma_start3A_41 = tpu.memref_squeeze %dma_start3A_40 : memref<1x2x2x128xi32, #tpu.memory_space<vmem>> -> memref<2x2x128xi32, #tpu.memory_space<vmem>>
    %dma_start3A_42 = arith.constant 0 : i32
    %dma_start3A_43 = arith.constant 0 : i32
    %dma_start3A_44 = tpu.memref_slice %arg3[%add3A_35, %dma_start3A_42, %dma_start3A_43] : memref<2560x2x128xi32, #tpu.memory_space<hbm>> -> memref<2x2x128xi32, #tpu.memory_space<hbm>>
    %dma_start3A_45 = tpu.memref_slice %arg11[%dma_start3A_36] : memref<2x!tpu.dma_semaphore, #tpu.memory_space<semaphore_mem>> -> memref<1x!tpu.dma_semaphore, #tpu.memory_space<semaphore_mem>>
    %dma_start3A_46 = tpu.memref_squeeze %dma_start3A_45 : memref<1x!tpu.dma_semaphore, #tpu.memory_space<semaphore_mem>> -> memref<!tpu.dma_semaphore, #tpu.memory_space<semaphore_mem>>
    %dma_start3A_47 = arith.constant 0 : i32
    %dma_start3A_48 = arith.constant 0 : i32
    %dma_start3A_49 = arith.constant 0 : i32
    %dma_start3A_50 = tpu.memref_slice %arg8[%dma_start3A, %dma_start3A_47, %dma_start3A_48, %dma_start3A_49] : memref<2x2x2x128xi32, #tpu.memory_space<vmem>> -> memref<1x2x2x128xi32, #tpu.memory_space<vmem>>
    %dma_start3A_51 = tpu.memref_squeeze %dma_start3A_50 : memref<1x2x2x128xi32, #tpu.memory_space<vmem>> -> memref<2x2x128xi32, #tpu.memory_space<vmem>>
    %dma_start3A_52 = arith.constant 0 : i32
    %dma_start3A_53 = arith.constant 0 : i32
    %dma_start3A_54 = tpu.memref_slice %arg3[%add3A_35, %dma_start3A_52, %dma_start3A_53] : memref<2560x2x128xi32, #tpu.memory_space<hbm>> -> memref<2x2x128xi32, #tpu.memory_space<hbm>>
    tpu.enqueue_dma source(%dma_start3A_54 : memref<2x2x128xi32, #tpu.memory_space<hbm>>) target(%dma_start3A_51 : memref<2x2x128xi32, #tpu.memory_space<vmem>>) target_semaphore(%dma_start3A_46 : memref<!tpu.dma_semaphore, #tpu.memory_space<semaphore_mem>>)
    %dma_wait3A = arith.constant 0 : i32
    %dma_wait3A_55 = arith.constant 0 : i32
    %dma_wait3A_56 = arith.constant 0 : i32
    %dma_wait3A_57 = arith.constant 0 : i32
    %dma_wait3A_58 = arith.constant 0 : i32
    %dma_wait3A_59 = tpu.memref_slice %arg8[%dma_wait3A, %dma_wait3A_56, %dma_wait3A_57, %dma_wait3A_58] : memref<2x2x2x128xi32, #tpu.memory_space<vmem>> -> memref<1x2x2x128xi32, #tpu.memory_space<vmem>>
    %dma_wait3A_60 = tpu.memref_squeeze %dma_wait3A_59 : memref<1x2x2x128xi32, #tpu.memory_space<vmem>> -> memref<2x2x128xi32, #tpu.memory_space<vmem>>
    %dma_wait3A_61 = arith.constant 0 : i32
    %dma_wait3A_62 = arith.constant 0 : i32
    %dma_wait3A_63 = tpu.memref_slice %arg3[%add3A_35, %dma_wait3A_61, %dma_wait3A_62] : memref<2560x2x128xi32, #tpu.memory_space<hbm>> -> memref<2x2x128xi32, #tpu.memory_space<hbm>>
    %dma_wait3A_64 = tpu.memref_slice %arg11[%dma_wait3A_55] : memref<2x!tpu.dma_semaphore, #tpu.memory_space<semaphore_mem>> -> memref<1x!tpu.dma_semaphore, #tpu.memory_space<semaphore_mem>>
    %dma_wait3A_65 = tpu.memref_squeeze %dma_wait3A_64 : memref<1x!tpu.dma_semaphore, #tpu.memory_space<semaphore_mem>> -> memref<!tpu.dma_semaphore, #tpu.memory_space<semaphore_mem>>
    %dma_wait3A_66 = arith.constant 0 : i32
    %dma_wait3A_67 = arith.constant 0 : i32
    %dma_wait3A_68 = arith.constant 0 : i32
    %dma_wait3A_69 = tpu.memref_slice %arg8[%dma_wait3A, %dma_wait3A_66, %dma_wait3A_67, %dma_wait3A_68] : memref<2x2x2x128xi32, #tpu.memory_space<vmem>> -> memref<1x2x2x128xi32, #tpu.memory_space<vmem>>
    %dma_wait3A_70 = tpu.memref_squeeze %dma_wait3A_69 : memref<1x2x2x128xi32, #tpu.memory_space<vmem>> -> memref<2x2x128xi32, #tpu.memory_space<vmem>>
    %dma_wait3A_71 = arith.constant 0 : i32
    %dma_wait3A_72 = arith.constant 0 : i32
    %dma_wait3A_73 = tpu.memref_slice %arg3[%add3A_35, %dma_wait3A_71, %dma_wait3A_72] : memref<2560x2x128xi32, #tpu.memory_space<hbm>> -> memref<2x2x128xi32, #tpu.memory_space<hbm>>
    tpu.wait_dma2 semaphore(%dma_wait3A_65 : memref<!tpu.dma_semaphore, #tpu.memory_space<semaphore_mem>>) src(%dma_wait3A_73 : memref<2x2x128xi32, #tpu.memory_space<hbm>>) dst(%dma_wait3A_70 : memref<2x2x128xi32, #tpu.memory_space<vmem>>)
    %dma_start3A_74 = arith.constant 0 : i32
    %dma_start3A_75 = arith.constant 0 : i32
    %dma_start3A_76 = arith.constant 0 : i32
    %dma_start3A_77 = arith.constant 0 : i32
    %dma_start3A_78 = arith.constant 0 : i32
    %dma_start3A_79 = tpu.memref_slice %arg8[%dma_start3A_74, %dma_start3A_75, %dma_start3A_76, %dma_start3A_78] : memref<2x2x2x128xi32, #tpu.memory_space<vmem>> -> memref<1x1x1x128xi32, #tpu.memory_space<vmem>>
    %dma_start3A_80 = tpu.memref_squeeze %dma_start3A_79 : memref<1x1x1x128xi32, #tpu.memory_space<vmem>> -> memref<128xi32, #tpu.memory_space<vmem>>
    %dma_start3A_81 = arith.constant 0 : i32
    %dma_start3A_82 = arith.constant 0 : i32
    %dma_start3A_83 = tpu.memref_slice %arg2[%dma_start3A_81, %dma_start3A_82] : memref<10240x128xf32, #tpu.memory_space<hbm>> -> memref<10240x128xf32, #tpu.memory_space<hbm>>
    %dma_start3A_84 = tpu.memref_slice %arg9[%dma_start3A_77] : memref<2x!tpu.dma_semaphore, #tpu.memory_space<semaphore_mem>> -> memref<1x!tpu.dma_semaphore, #tpu.memory_space<semaphore_mem>>
    %dma_start3A_85 = tpu.memref_squeeze %dma_start3A_84 : memref<1x!tpu.dma_semaphore, #tpu.memory_space<semaphore_mem>> -> memref<!tpu.dma_semaphore, #tpu.memory_space<semaphore_mem>>
    tpu.enqueue_indirect_dma source(%dma_start3A_83 : memref<10240x128xf32, #tpu.memory_space<hbm>>) target(%arg6 : memref<128x128xf32, #tpu.memory_space<vmem>>) offsets(%dma_start3A_80 : memref<128xi32, #tpu.memory_space<vmem>>) semaphore(%dma_start3A_85 : memref<!tpu.dma_semaphore, #tpu.memory_space<semaphore_mem>>)
    %dma_start3A_86 = arith.constant 0 : i32
    %dma_start3A_87 = arith.constant 1 : i32
    %dma_start3A_88 = arith.constant 0 : i32
    %dma_start3A_89 = arith.constant 1 : i32
    %dma_start3A_90 = arith.constant 0 : i32
    %dma_start3A_91 = tpu.memref_slice %arg8[%dma_start3A_86, %dma_start3A_87, %dma_start3A_88, %dma_start3A_90] : memref<2x2x2x128xi32, #tpu.memory_space<vmem>> -> memref<1x1x1x128xi32, #tpu.memory_space<vmem>>
    %dma_start3A_92 = tpu.memref_squeeze %dma_start3A_91 : memref<1x1x1x128xi32, #tpu.memory_space<vmem>> -> memref<128xi32, #tpu.memory_space<vmem>>
    %dma_start3A_93 = arith.constant 0 : i32
    %dma_start3A_94 = arith.constant 0 : i32
    %dma_start3A_95 = tpu.memref_slice %arg2[%dma_start3A_93, %dma_start3A_94] : memref<10240x128xf32, #tpu.memory_space<hbm>> -> memref<10240x128xf32, #tpu.memory_space<hbm>>
    %dma_start3A_96 = tpu.memref_slice %arg9[%dma_start3A_89] : memref<2x!tpu.dma_semaphore, #tpu.memory_space<semaphore_mem>> -> memref<1x!tpu.dma_semaphore, #tpu.memory_space<semaphore_mem>>
    %dma_start3A_97 = tpu.memref_squeeze %dma_start3A_96 : memref<1x!tpu.dma_semaphore, #tpu.memory_space<semaphore_mem>> -> memref<!tpu.dma_semaphore, #tpu.memory_space<semaphore_mem>>
    tpu.enqueue_indirect_dma source(%dma_start3A_95 : memref<10240x128xf32, #tpu.memory_space<hbm>>) target(%arg7 : memref<128x128xf32, #tpu.memory_space<vmem>>) offsets(%dma_start3A_92 : memref<128xi32, #tpu.memory_space<vmem>>) semaphore(%dma_start3A_97 : memref<!tpu.dma_semaphore, #tpu.memory_space<semaphore_mem>>)
    %add3A_98 = arith.constant 2 : i32
    %add3A_99 = arith.addi %select_n3A, %add3A_98 : i32
    %dma_start3A_100 = arith.constant 1 : i32
    %dma_start3A_101 = arith.constant 1 : i32
    %dma_start3A_102 = arith.constant 0 : i32
    %dma_start3A_103 = arith.constant 0 : i32
    %dma_start3A_104 = arith.constant 0 : i32
    %dma_start3A_105 = tpu.memref_slice %arg8[%dma_start3A_100, %dma_start3A_102, %dma_start3A_103, %dma_start3A_104] : memref<2x2x2x128xi32, #tpu.memory_space<vmem>> -> memref<1x2x2x128xi32, #tpu.memory_space<vmem>>
    %dma_start3A_106 = tpu.memref_squeeze %dma_start3A_105 : memref<1x2x2x128xi32, #tpu.memory_space<vmem>> -> memref<2x2x128xi32, #tpu.memory_space<vmem>>
    %dma_start3A_107 = arith.constant 0 : i32
    %dma_start3A_108 = arith.constant 0 : i32
    %dma_start3A_109 = tpu.memref_slice %arg3[%add3A_99, %dma_start3A_107, %dma_start3A_108] : memref<2560x2x128xi32, #tpu.memory_space<hbm>> -> memref<2x2x128xi32, #tpu.memory_space<hbm>>
    %dma_start3A_110 = tpu.memref_slice %arg11[%dma_start3A_101] : memref<2x!tpu.dma_semaphore, #tpu.memory_space<semaphore_mem>> -> memref<1x!tpu.dma_semaphore, #tpu.memory_space<semaphore_mem>>
    %dma_start3A_111 = tpu.memref_squeeze %dma_start3A_110 : memref<1x!tpu.dma_semaphore, #tpu.memory_space<semaphore_mem>> -> memref<!tpu.dma_semaphore, #tpu.memory_space<semaphore_mem>>
    %dma_start3A_112 = arith.constant 0 : i32
    %dma_start3A_113 = arith.constant 0 : i32
    %dma_start3A_114 = arith.constant 0 : i32
    %dma_start3A_115 = tpu.memref_slice %arg8[%dma_start3A_100, %dma_start3A_112, %dma_start3A_113, %dma_start3A_114] : memref<2x2x2x128xi32, #tpu.memory_space<vmem>> -> memref<1x2x2x128xi32, #tpu.memory_space<vmem>>
    %dma_start3A_116 = tpu.memref_squeeze %dma_start3A_115 : memref<1x2x2x128xi32, #tpu.memory_space<vmem>> -> memref<2x2x128xi32, #tpu.memory_space<vmem>>
    %dma_start3A_117 = arith.constant 0 : i32
    %dma_start3A_118 = arith.constant 0 : i32
    %dma_start3A_119 = tpu.memref_slice %arg3[%add3A_99, %dma_start3A_117, %dma_start3A_118] : memref<2560x2x128xi32, #tpu.memory_space<hbm>> -> memref<2x2x128xi32, #tpu.memory_space<hbm>>
    tpu.enqueue_dma source(%dma_start3A_119 : memref<2x2x128xi32, #tpu.memory_space<hbm>>) target(%dma_start3A_116 : memref<2x2x128xi32, #tpu.memory_space<vmem>>) target_semaphore(%dma_start3A_111 : memref<!tpu.dma_semaphore, #tpu.memory_space<semaphore_mem>>)
    %dma_wait3A_120 = arith.constant 0 : i32
    %dma_wait3A_121 = arith.constant 0 : i32
    %dma_wait3A_122 = arith.constant 0 : i32
    %dma_wait3A_123 = arith.constant 0 : i32
    %dma_wait3A_124 = arith.constant 0 : i32
    %dma_wait3A_125 = tpu.memref_slice %arg8[%dma_wait3A_120, %dma_wait3A_121, %dma_wait3A_122, %dma_wait3A_124] : memref<2x2x2x128xi32, #tpu.memory_space<vmem>> -> memref<1x1x1x128xi32, #tpu.memory_space<vmem>>
    %dma_wait3A_126 = tpu.memref_squeeze %dma_wait3A_125 : memref<1x1x1x128xi32, #tpu.memory_space<vmem>> -> memref<128xi32, #tpu.memory_space<vmem>>
    %dma_wait3A_127 = arith.constant 0 : i32
    %dma_wait3A_128 = arith.constant 0 : i32
    %dma_wait3A_129 = tpu.memref_slice %arg2[%dma_wait3A_127, %dma_wait3A_128] : memref<10240x128xf32, #tpu.memory_space<hbm>> -> memref<10240x128xf32, #tpu.memory_space<hbm>>
    %dma_wait3A_130 = tpu.memref_slice %arg9[%dma_wait3A_123] : memref<2x!tpu.dma_semaphore, #tpu.memory_space<semaphore_mem>> -> memref<1x!tpu.dma_semaphore, #tpu.memory_space<semaphore_mem>>
    %dma_wait3A_131 = tpu.memref_squeeze %dma_wait3A_130 : memref<1x!tpu.dma_semaphore, #tpu.memory_space<semaphore_mem>> -> memref<!tpu.dma_semaphore, #tpu.memory_space<semaphore_mem>>
    tpu.wait_indirect_dma semaphore(%dma_wait3A_131 : memref<!tpu.dma_semaphore, #tpu.memory_space<semaphore_mem>>) src(%dma_wait3A_129 : memref<10240x128xf32, #tpu.memory_space<hbm>>) dst(%arg6 : memref<128x128xf32, #tpu.memory_space<vmem>>)
    %dma_start3A_132 = arith.constant 0 : i32
    %dma_start3A_133 = arith.constant 0 : i32
    %dma_start3A_134 = arith.constant 1 : i32
    %dma_start3A_135 = arith.constant 0 : i32
    %dma_start3A_136 = arith.constant 0 : i32
    %dma_start3A_137 = tpu.memref_slice %arg8[%dma_start3A_132, %dma_start3A_133, %dma_start3A_134, %dma_start3A_136] : memref<2x2x2x128xi32, #tpu.memory_space<vmem>> -> memref<1x1x1x128xi32, #tpu.memory_space<vmem>>
    %dma_start3A_138 = tpu.memref_squeeze %dma_start3A_137 : memref<1x1x1x128xi32, #tpu.memory_space<vmem>> -> memref<128xi32, #tpu.memory_space<vmem>>
    %dma_start3A_139 = arith.constant 0 : i32
    %dma_start3A_140 = arith.constant 0 : i32
    %dma_start3A_141 = tpu.memref_slice %arg5[%dma_start3A_139, %dma_start3A_140] : memref<10240x128xf32, #tpu.memory_space<vmem_shared>> -> memref<10240x128xf32, #tpu.memory_space<vmem_shared>>
    %dma_start3A_142 = tpu.memref_slice %arg10[%dma_start3A_135] : memref<2x!tpu.dma_semaphore, #tpu.memory_space<semaphore_mem>> -> memref<1x!tpu.dma_semaphore, #tpu.memory_space<semaphore_mem>>
    %dma_start3A_143 = tpu.memref_squeeze %dma_start3A_142 : memref<1x!tpu.dma_semaphore, #tpu.memory_space<semaphore_mem>> -> memref<!tpu.dma_semaphore, #tpu.memory_space<semaphore_mem>>
    tpu.enqueue_indirect_dma source(%arg6 : memref<128x128xf32, #tpu.memory_space<vmem>>) target(%dma_start3A_141 : memref<10240x128xf32, #tpu.memory_space<vmem_shared>>) offsets(%dma_start3A_138 : memref<128xi32, #tpu.memory_space<vmem>>) semaphore(%dma_start3A_143 : memref<!tpu.dma_semaphore, #tpu.memory_space<semaphore_mem>>) {add = true}
    %dma_wait3A_144 = arith.constant 0 : i32
    %dma_wait3A_145 = arith.constant 1 : i32
    %dma_wait3A_146 = arith.constant 0 : i32
    %dma_wait3A_147 = arith.constant 1 : i32
    %dma_wait3A_148 = arith.constant 0 : i32
    %dma_wait3A_149 = tpu.memref_slice %arg8[%dma_wait3A_144, %dma_wait3A_145, %dma_wait3A_146, %dma_wait3A_148] : memref<2x2x2x128xi32, #tpu.memory_space<vmem>> -> memref<1x1x1x128xi32, #tpu.memory_space<vmem>>
    %dma_wait3A_150 = tpu.memref_squeeze %dma_wait3A_149 : memref<1x1x1x128xi32, #tpu.memory_space<vmem>> -> memref<128xi32, #tpu.memory_space<vmem>>
    %dma_wait3A_151 = arith.constant 0 : i32
    %dma_wait3A_152 = arith.constant 0 : i32
    %dma_wait3A_153 = tpu.memref_slice %arg2[%dma_wait3A_151, %dma_wait3A_152] : memref<10240x128xf32, #tpu.memory_space<hbm>> -> memref<10240x128xf32, #tpu.memory_space<hbm>>
    %dma_wait3A_154 = tpu.memref_slice %arg9[%dma_wait3A_147] : memref<2x!tpu.dma_semaphore, #tpu.memory_space<semaphore_mem>> -> memref<1x!tpu.dma_semaphore, #tpu.memory_space<semaphore_mem>>
    %dma_wait3A_155 = tpu.memref_squeeze %dma_wait3A_154 : memref<1x!tpu.dma_semaphore, #tpu.memory_space<semaphore_mem>> -> memref<!tpu.dma_semaphore, #tpu.memory_space<semaphore_mem>>
    tpu.wait_indirect_dma semaphore(%dma_wait3A_155 : memref<!tpu.dma_semaphore, #tpu.memory_space<semaphore_mem>>) src(%dma_wait3A_153 : memref<10240x128xf32, #tpu.memory_space<hbm>>) dst(%arg7 : memref<128x128xf32, #tpu.memory_space<vmem>>)
    %dma_start3A_156 = arith.constant 0 : i32
    %dma_start3A_157 = arith.constant 1 : i32
    %dma_start3A_158 = arith.constant 1 : i32
    %dma_start3A_159 = arith.constant 1 : i32
    %dma_start3A_160 = arith.constant 0 : i32
    %dma_start3A_161 = tpu.memref_slice %arg8[%dma_start3A_156, %dma_start3A_157, %dma_start3A_158, %dma_start3A_160] : memref<2x2x2x128xi32, #tpu.memory_space<vmem>> -> memref<1x1x1x128xi32, #tpu.memory_space<vmem>>
    %dma_start3A_162 = tpu.memref_squeeze %dma_start3A_161 : memref<1x1x1x128xi32, #tpu.memory_space<vmem>> -> memref<128xi32, #tpu.memory_space<vmem>>
    %dma_start3A_163 = arith.constant 0 : i32
    %dma_start3A_164 = arith.constant 0 : i32
    %dma_start3A_165 = tpu.memref_slice %arg5[%dma_start3A_163, %dma_start3A_164] : memref<10240x128xf32, #tpu.memory_space<vmem_shared>> -> memref<10240x128xf32, #tpu.memory_space<vmem_shared>>
    %dma_start3A_166 = tpu.memref_slice %arg10[%dma_start3A_159] : memref<2x!tpu.dma_semaphore, #tpu.memory_space<semaphore_mem>> -> memref<1x!tpu.dma_semaphore, #tpu.memory_space<semaphore_mem>>
    %dma_start3A_167 = tpu.memref_squeeze %dma_start3A_166 : memref<1x!tpu.dma_semaphore, #tpu.memory_space<semaphore_mem>> -> memref<!tpu.dma_semaphore, #tpu.memory_space<semaphore_mem>>
    tpu.enqueue_indirect_dma source(%arg7 : memref<128x128xf32, #tpu.memory_space<vmem>>) target(%dma_start3A_165 : memref<10240x128xf32, #tpu.memory_space<vmem_shared>>) offsets(%dma_start3A_162 : memref<128xi32, #tpu.memory_space<vmem>>) semaphore(%dma_start3A_167 : memref<!tpu.dma_semaphore, #tpu.memory_space<semaphore_mem>>) {add = true}
    %while3A = arith.constant 0 : i32
    %while3A_168 = arith.constant 1 : i32
    %while3A_169 = arith.subi %select_n3A_33, %while3A_168 : i32
    %while3A_170 = arith.addi %while3A_168, %while3A_169 : i32
    %while3A_171 = arith.constant 1 : i32
    %while3A_172 = arith.divsi %while3A_169, %while3A_171 : i32
    %while3A_173 = arith.muli %while3A_172, %while3A_171 : i32
    %while3A_174 = arith.addi %while3A_168, %while3A_173 : i32
    %while3A_175 = arith.constant 1 : i32
    scf.for %while3A_206 = %while3A_168 to %while3A_174 step %while3A_175  : i32 {
      %rem3A = arith.constant 2 : i32
      %rem3A_207 = arith.remsi %while3A_206, %rem3A : i32
      %dma_wait3A_208 = arith.constant 0 : i32
      %dma_wait3A_209 = arith.constant 0 : i32
      %dma_wait3A_210 = arith.constant 0 : i32
      %dma_wait3A_211 = tpu.memref_slice %arg8[%rem3A_207, %dma_wait3A_208, %dma_wait3A_209, %dma_wait3A_210] : memref<2x2x2x128xi32, #tpu.memory_space<vmem>> -> memref<1x2x2x128xi32, #tpu.memory_space<vmem>>
      %dma_wait3A_212 = tpu.memref_squeeze %dma_wait3A_211 : memref<1x2x2x128xi32, #tpu.memory_space<vmem>> -> memref<2x2x128xi32, #tpu.memory_space<vmem>>
      %dma_wait3A_213 = arith.constant 0 : i32
      %dma_wait3A_214 = arith.constant 0 : i32
      %dma_wait3A_215 = tpu.memref_slice %arg3[%select_n3A, %dma_wait3A_213, %dma_wait3A_214] : memref<2560x2x128xi32, #tpu.memory_space<hbm>> -> memref<2x2x128xi32, #tpu.memory_space<hbm>>
      %dma_wait3A_216 = tpu.memref_slice %arg11[%rem3A_207] : memref<2x!tpu.dma_semaphore, #tpu.memory_space<semaphore_mem>> -> memref<1x!tpu.dma_semaphore, #tpu.memory_space<semaphore_mem>>
      %dma_wait3A_217 = tpu.memref_squeeze %dma_wait3A_216 : memref<1x!tpu.dma_semaphore, #tpu.memory_space<semaphore_mem>> -> memref<!tpu.dma_semaphore, #tpu.memory_space<semaphore_mem>>
      %dma_wait3A_218 = arith.constant 0 : i32
      %dma_wait3A_219 = arith.constant 0 : i32
      %dma_wait3A_220 = arith.constant 0 : i32
      %dma_wait3A_221 = tpu.memref_slice %arg8[%rem3A_207, %dma_wait3A_218, %dma_wait3A_219, %dma_wait3A_220] : memref<2x2x2x128xi32, #tpu.memory_space<vmem>> -> memref<1x2x2x128xi32, #tpu.memory_space<vmem>>
      %dma_wait3A_222 = tpu.memref_squeeze %dma_wait3A_221 : memref<1x2x2x128xi32, #tpu.memory_space<vmem>> -> memref<2x2x128xi32, #tpu.memory_space<vmem>>
      %dma_wait3A_223 = arith.constant 0 : i32
      %dma_wait3A_224 = arith.constant 0 : i32
      %dma_wait3A_225 = tpu.memref_slice %arg3[%select_n3A, %dma_wait3A_223, %dma_wait3A_224] : memref<2560x2x128xi32, #tpu.memory_space<hbm>> -> memref<2x2x128xi32, #tpu.memory_space<hbm>>
      tpu.wait_dma2 semaphore(%dma_wait3A_217 : memref<!tpu.dma_semaphore, #tpu.memory_space<semaphore_mem>>) src(%dma_wait3A_225 : memref<2x2x128xi32, #tpu.memory_space<hbm>>) dst(%dma_wait3A_222 : memref<2x2x128xi32, #tpu.memory_space<vmem>>)
      %dma_wait3A_226 = arith.constant 0 : i32
      %dma_wait3A_227 = arith.constant 1 : i32
      %dma_wait3A_228 = arith.constant 0 : i32
      %dma_wait3A_229 = arith.constant 0 : i32
      %dma_wait3A_230 = tpu.memref_slice %arg8[%rem3A_207, %dma_wait3A_226, %dma_wait3A_227, %dma_wait3A_229] : memref<2x2x2x128xi32, #tpu.memory_space<vmem>> -> memref<1x1x1x128xi32, #tpu.memory_space<vmem>>
      %dma_wait3A_231 = tpu.memref_squeeze %dma_wait3A_230 : memref<1x1x1x128xi32, #tpu.memory_space<vmem>> -> memref<128xi32, #tpu.memory_space<vmem>>
      %dma_wait3A_232 = arith.constant 0 : i32
      %dma_wait3A_233 = arith.constant 0 : i32
      %dma_wait3A_234 = tpu.memref_slice %arg5[%dma_wait3A_232, %dma_wait3A_233] : memref<10240x128xf32, #tpu.memory_space<vmem_shared>> -> memref<10240x128xf32, #tpu.memory_space<vmem_shared>>
      %dma_wait3A_235 = tpu.memref_slice %arg10[%dma_wait3A_228] : memref<2x!tpu.dma_semaphore, #tpu.memory_space<semaphore_mem>> -> memref<1x!tpu.dma_semaphore, #tpu.memory_space<semaphore_mem>>
      %dma_wait3A_236 = tpu.memref_squeeze %dma_wait3A_235 : memref<1x!tpu.dma_semaphore, #tpu.memory_space<semaphore_mem>> -> memref<!tpu.dma_semaphore, #tpu.memory_space<semaphore_mem>>
      tpu.wait_indirect_dma semaphore(%dma_wait3A_236 : memref<!tpu.dma_semaphore, #tpu.memory_space<semaphore_mem>>) src(%arg6 : memref<128x128xf32, #tpu.memory_space<vmem>>) dst(%dma_wait3A_234 : memref<10240x128xf32, #tpu.memory_space<vmem_shared>>)
      %dma_start3A_237 = arith.constant 0 : i32
      %dma_start3A_238 = arith.constant 0 : i32
      %dma_start3A_239 = arith.constant 0 : i32
      %dma_start3A_240 = arith.constant 0 : i32
      %dma_start3A_241 = tpu.memref_slice %arg8[%rem3A_207, %dma_start3A_237, %dma_start3A_238, %dma_start3A_240] : memref<2x2x2x128xi32, #tpu.memory_space<vmem>> -> memref<1x1x1x128xi32, #tpu.memory_space<vmem>>
      %dma_start3A_242 = tpu.memref_squeeze %dma_start3A_241 : memref<1x1x1x128xi32, #tpu.memory_space<vmem>> -> memref<128xi32, #tpu.memory_space<vmem>>
      %dma_start3A_243 = arith.constant 0 : i32
      %dma_start3A_244 = arith.constant 0 : i32
      %dma_start3A_245 = tpu.memref_slice %arg2[%dma_start3A_243, %dma_start3A_244] : memref<10240x128xf32, #tpu.memory_space<hbm>> -> memref<10240x128xf32, #tpu.memory_space<hbm>>
      %dma_start3A_246 = tpu.memref_slice %arg9[%dma_start3A_239] : memref<2x!tpu.dma_semaphore, #tpu.memory_space<semaphore_mem>> -> memref<1x!tpu.dma_semaphore, #tpu.memory_space<semaphore_mem>>
      %dma_start3A_247 = tpu.memref_squeeze %dma_start3A_246 : memref<1x!tpu.dma_semaphore, #tpu.memory_space<semaphore_mem>> -> memref<!tpu.dma_semaphore, #tpu.memory_space<semaphore_mem>>
      tpu.enqueue_indirect_dma source(%dma_start3A_245 : memref<10240x128xf32, #tpu.memory_space<hbm>>) target(%arg6 : memref<128x128xf32, #tpu.memory_space<vmem>>) offsets(%dma_start3A_242 : memref<128xi32, #tpu.memory_space<vmem>>) semaphore(%dma_start3A_247 : memref<!tpu.dma_semaphore, #tpu.memory_space<semaphore_mem>>)
      %dma_wait3A_248 = arith.constant 1 : i32
      %dma_wait3A_249 = arith.constant 1 : i32
      %dma_wait3A_250 = arith.constant 1 : i32
      %dma_wait3A_251 = arith.constant 0 : i32
      %dma_wait3A_252 = tpu.memref_slice %arg8[%rem3A_207, %dma_wait3A_248, %dma_wait3A_249, %dma_wait3A_251] : memref<2x2x2x128xi32, #tpu.memory_space<vmem>> -> memref<1x1x1x128xi32, #tpu.memory_space<vmem>>
      %dma_wait3A_253 = tpu.memref_squeeze %dma_wait3A_252 : memref<1x1x1x128xi32, #tpu.memory_space<vmem>> -> memref<128xi32, #tpu.memory_space<vmem>>
      %dma_wait3A_254 = arith.constant 0 : i32
      %dma_wait3A_255 = arith.constant 0 : i32
      %dma_wait3A_256 = tpu.memref_slice %arg5[%dma_wait3A_254, %dma_wait3A_255] : memref<10240x128xf32, #tpu.memory_space<vmem_shared>> -> memref<10240x128xf32, #tpu.memory_space<vmem_shared>>
      %dma_wait3A_257 = tpu.memref_slice %arg10[%dma_wait3A_250] : memref<2x!tpu.dma_semaphore, #tpu.memory_space<semaphore_mem>> -> memref<1x!tpu.dma_semaphore, #tpu.memory_space<semaphore_mem>>
      %dma_wait3A_258 = tpu.memref_squeeze %dma_wait3A_257 : memref<1x!tpu.dma_semaphore, #tpu.memory_space<semaphore_mem>> -> memref<!tpu.dma_semaphore, #tpu.memory_space<semaphore_mem>>
      tpu.wait_indirect_dma semaphore(%dma_wait3A_258 : memref<!tpu.dma_semaphore, #tpu.memory_space<semaphore_mem>>) src(%arg7 : memref<128x128xf32, #tpu.memory_space<vmem>>) dst(%dma_wait3A_256 : memref<10240x128xf32, #tpu.memory_space<vmem_shared>>)
      %dma_start3A_259 = arith.constant 1 : i32
      %dma_start3A_260 = arith.constant 0 : i32
      %dma_start3A_261 = arith.constant 1 : i32
      %dma_start3A_262 = arith.constant 0 : i32
      %dma_start3A_263 = tpu.memref_slice %arg8[%rem3A_207, %dma_start3A_259, %dma_start3A_260, %dma_start3A_262] : memref<2x2x2x128xi32, #tpu.memory_space<vmem>> -> memref<1x1x1x128xi32, #tpu.memory_space<vmem>>
      %dma_start3A_264 = tpu.memref_squeeze %dma_start3A_263 : memref<1x1x1x128xi32, #tpu.memory_space<vmem>> -> memref<128xi32, #tpu.memory_space<vmem>>
      %dma_start3A_265 = arith.constant 0 : i32
      %dma_start3A_266 = arith.constant 0 : i32
      %dma_start3A_267 = tpu.memref_slice %arg2[%dma_start3A_265, %dma_start3A_266] : memref<10240x128xf32, #tpu.memory_space<hbm>> -> memref<10240x128xf32, #tpu.memory_space<hbm>>
      %dma_start3A_268 = tpu.memref_slice %arg9[%dma_start3A_261] : memref<2x!tpu.dma_semaphore, #tpu.memory_space<semaphore_mem>> -> memref<1x!tpu.dma_semaphore, #tpu.memory_space<semaphore_mem>>
      %dma_start3A_269 = tpu.memref_squeeze %dma_start3A_268 : memref<1x!tpu.dma_semaphore, #tpu.memory_space<semaphore_mem>> -> memref<!tpu.dma_semaphore, #tpu.memory_space<semaphore_mem>>
      tpu.enqueue_indirect_dma source(%dma_start3A_267 : memref<10240x128xf32, #tpu.memory_space<hbm>>) target(%arg7 : memref<128x128xf32, #tpu.memory_space<vmem>>) offsets(%dma_start3A_264 : memref<128xi32, #tpu.memory_space<vmem>>) semaphore(%dma_start3A_269 : memref<!tpu.dma_semaphore, #tpu.memory_space<semaphore_mem>>)
      %sub3A = arith.constant 1 : i32
      %sub3A_270 = arith.subi %select_n3A_33, %sub3A : i32
      %lt3A = arith.cmpi slt, %while3A_206, %sub3A_270 : i32
      %convert_element_type3A = arith.extui %lt3A : i1 to i32
      %cond3A = arith.constant 0 : i32
      %cond3A_271 = arith.cmpi ne, %convert_element_type3A, %cond3A : i32
      scf.if %cond3A_271 {
        %add3A_316 = arith.constant 1 : i32
        %add3A_317 = arith.addi %while3A_206, %add3A_316 : i32
        %sub3A_318 = arith.constant 1 : i32
        %sub3A_319 = arith.subi %sub3A_318, %rem3A_207 : i32
        %mul3A_320 = arith.constant 2 : i32
        %mul3A_321 = arith.muli %add3A_317, %mul3A_320 : i32
        %add3A_322 = arith.addi %select_n3A, %mul3A_321 : i32
        %dma_start3A_323 = arith.constant 0 : i32
        %dma_start3A_324 = arith.constant 0 : i32
        %dma_start3A_325 = arith.constant 0 : i32
        %dma_start3A_326 = tpu.memref_slice %arg8[%sub3A_319, %dma_start3A_323, %dma_start3A_324, %dma_start3A_325] : memref<2x2x2x128xi32, #tpu.memory_space<vmem>> -> memref<1x2x2x128xi32, #tpu.memory_space<vmem>>
        %dma_start3A_327 = tpu.memref_squeeze %dma_start3A_326 : memref<1x2x2x128xi32, #tpu.memory_space<vmem>> -> memref<2x2x128xi32, #tpu.memory_space<vmem>>
        %dma_start3A_328 = arith.constant 0 : i32
        %dma_start3A_329 = arith.constant 0 : i32
        %dma_start3A_330 = tpu.memref_slice %arg3[%add3A_322, %dma_start3A_328, %dma_start3A_329] : memref<2560x2x128xi32, #tpu.memory_space<hbm>> -> memref<2x2x128xi32, #tpu.memory_space<hbm>>
        %dma_start3A_331 = tpu.memref_slice %arg11[%sub3A_319] : memref<2x!tpu.dma_semaphore, #tpu.memory_space<semaphore_mem>> -> memref<1x!tpu.dma_semaphore, #tpu.memory_space<semaphore_mem>>
        %dma_start3A_332 = tpu.memref_squeeze %dma_start3A_331 : memref<1x!tpu.dma_semaphore, #tpu.memory_space<semaphore_mem>> -> memref<!tpu.dma_semaphore, #tpu.memory_space<semaphore_mem>>
        %dma_start3A_333 = arith.constant 0 : i32
        %dma_start3A_334 = arith.constant 0 : i32
        %dma_start3A_335 = arith.constant 0 : i32
        %dma_start3A_336 = tpu.memref_slice %arg8[%sub3A_319, %dma_start3A_333, %dma_start3A_334, %dma_start3A_335] : memref<2x2x2x128xi32, #tpu.memory_space<vmem>> -> memref<1x2x2x128xi32, #tpu.memory_space<vmem>>
        %dma_start3A_337 = tpu.memref_squeeze %dma_start3A_336 : memref<1x2x2x128xi32, #tpu.memory_space<vmem>> -> memref<2x2x128xi32, #tpu.memory_space<vmem>>
        %dma_start3A_338 = arith.constant 0 : i32
        %dma_start3A_339 = arith.constant 0 : i32
        %dma_start3A_340 = tpu.memref_slice %arg3[%add3A_322, %dma_start3A_338, %dma_start3A_339] : memref<2560x2x128xi32, #tpu.memory_space<hbm>> -> memref<2x2x128xi32, #tpu.memory_space<hbm>>
        tpu.enqueue_dma source(%dma_start3A_340 : memref<2x2x128xi32, #tpu.memory_space<hbm>>) target(%dma_start3A_337 : memref<2x2x128xi32, #tpu.memory_space<vmem>>) target_semaphore(%dma_start3A_332 : memref<!tpu.dma_semaphore, #tpu.memory_space<semaphore_mem>>)
      } else {
      }
      %dma_wait3A_272 = arith.constant 0 : i32
      %dma_wait3A_273 = arith.constant 0 : i32
      %dma_wait3A_274 = arith.constant 0 : i32
      %dma_wait3A_275 = arith.constant 0 : i32
      %dma_wait3A_276 = tpu.memref_slice %arg8[%rem3A_207, %dma_wait3A_272, %dma_wait3A_273, %dma_wait3A_275] : memref<2x2x2x128xi32, #tpu.memory_space<vmem>> -> memref<1x1x1x128xi32, #tpu.memory_space<vmem>>
      %dma_wait3A_277 = tpu.memref_squeeze %dma_wait3A_276 : memref<1x1x1x128xi32, #tpu.memory_space<vmem>> -> memref<128xi32, #tpu.memory_space<vmem>>
      %dma_wait3A_278 = arith.constant 0 : i32
      %dma_wait3A_279 = arith.constant 0 : i32
      %dma_wait3A_280 = tpu.memref_slice %arg2[%dma_wait3A_278, %dma_wait3A_279] : memref<10240x128xf32, #tpu.memory_space<hbm>> -> memref<10240x128xf32, #tpu.memory_space<hbm>>
      %dma_wait3A_281 = tpu.memref_slice %arg9[%dma_wait3A_274] : memref<2x!tpu.dma_semaphore, #tpu.memory_space<semaphore_mem>> -> memref<1x!tpu.dma_semaphore, #tpu.memory_space<semaphore_mem>>
      %dma_wait3A_282 = tpu.memref_squeeze %dma_wait3A_281 : memref<1x!tpu.dma_semaphore, #tpu.memory_space<semaphore_mem>> -> memref<!tpu.dma_semaphore, #tpu.memory_space<semaphore_mem>>
      tpu.wait_indirect_dma semaphore(%dma_wait3A_282 : memref<!tpu.dma_semaphore, #tpu.memory_space<semaphore_mem>>) src(%dma_wait3A_280 : memref<10240x128xf32, #tpu.memory_space<hbm>>) dst(%arg6 : memref<128x128xf32, #tpu.memory_space<vmem>>)
      %dma_start3A_283 = arith.constant 0 : i32
      %dma_start3A_284 = arith.constant 1 : i32
      %dma_start3A_285 = arith.constant 0 : i32
      %dma_start3A_286 = arith.constant 0 : i32
      %dma_start3A_287 = tpu.memref_slice %arg8[%rem3A_207, %dma_start3A_283, %dma_start3A_284, %dma_start3A_286] : memref<2x2x2x128xi32, #tpu.memory_space<vmem>> -> memref<1x1x1x128xi32, #tpu.memory_space<vmem>>
      %dma_start3A_288 = tpu.memref_squeeze %dma_start3A_287 : memref<1x1x1x128xi32, #tpu.memory_space<vmem>> -> memref<128xi32, #tpu.memory_space<vmem>>
      %dma_start3A_289 = arith.constant 0 : i32
      %dma_start3A_290 = arith.constant 0 : i32
      %dma_start3A_291 = tpu.memref_slice %arg5[%dma_start3A_289, %dma_start3A_290] : memref<10240x128xf32, #tpu.memory_space<vmem_shared>> -> memref<10240x128xf32, #tpu.memory_space<vmem_shared>>
      %dma_start3A_292 = tpu.memref_slice %arg10[%dma_start3A_285] : memref<2x!tpu.dma_semaphore, #tpu.memory_space<semaphore_mem>> -> memref<1x!tpu.dma_semaphore, #tpu.memory_space<semaphore_mem>>
      %dma_start3A_293 = tpu.memref_squeeze %dma_start3A_292 : memref<1x!tpu.dma_semaphore, #tpu.memory_space<semaphore_mem>> -> memref<!tpu.dma_semaphore, #tpu.memory_space<semaphore_mem>>
      tpu.enqueue_indirect_dma source(%arg6 : memref<128x128xf32, #tpu.memory_space<vmem>>) target(%dma_start3A_291 : memref<10240x128xf32, #tpu.memory_space<vmem_shared>>) offsets(%dma_start3A_288 : memref<128xi32, #tpu.memory_space<vmem>>) semaphore(%dma_start3A_293 : memref<!tpu.dma_semaphore, #tpu.memory_space<semaphore_mem>>) {add = true}
      %dma_wait3A_294 = arith.constant 1 : i32
      %dma_wait3A_295 = arith.constant 0 : i32
      %dma_wait3A_296 = arith.constant 1 : i32
      %dma_wait3A_297 = arith.constant 0 : i32
      %dma_wait3A_298 = tpu.memref_slice %arg8[%rem3A_207, %dma_wait3A_294, %dma_wait3A_295, %dma_wait3A_297] : memref<2x2x2x128xi32, #tpu.memory_space<vmem>> -> memref<1x1x1x128xi32, #tpu.memory_space<vmem>>
      %dma_wait3A_299 = tpu.memref_squeeze %dma_wait3A_298 : memref<1x1x1x128xi32, #tpu.memory_space<vmem>> -> memref<128xi32, #tpu.memory_space<vmem>>
      %dma_wait3A_300 = arith.constant 0 : i32
      %dma_wait3A_301 = arith.constant 0 : i32
      %dma_wait3A_302 = tpu.memref_slice %arg2[%dma_wait3A_300, %dma_wait3A_301] : memref<10240x128xf32, #tpu.memory_space<hbm>> -> memref<10240x128xf32, #tpu.memory_space<hbm>>
      %dma_wait3A_303 = tpu.memref_slice %arg9[%dma_wait3A_296] : memref<2x!tpu.dma_semaphore, #tpu.memory_space<semaphore_mem>> -> memref<1x!tpu.dma_semaphore, #tpu.memory_space<semaphore_mem>>
      %dma_wait3A_304 = tpu.memref_squeeze %dma_wait3A_303 : memref<1x!tpu.dma_semaphore, #tpu.memory_space<semaphore_mem>> -> memref<!tpu.dma_semaphore, #tpu.memory_space<semaphore_mem>>
      tpu.wait_indirect_dma semaphore(%dma_wait3A_304 : memref<!tpu.dma_semaphore, #tpu.memory_space<semaphore_mem>>) src(%dma_wait3A_302 : memref<10240x128xf32, #tpu.memory_space<hbm>>) dst(%arg7 : memref<128x128xf32, #tpu.memory_space<vmem>>)
      %dma_start3A_305 = arith.constant 1 : i32
      %dma_start3A_306 = arith.constant 1 : i32
      %dma_start3A_307 = arith.constant 1 : i32
      %dma_start3A_308 = arith.constant 0 : i32
      %dma_start3A_309 = tpu.memref_slice %arg8[%rem3A_207, %dma_start3A_305, %dma_start3A_306, %dma_start3A_308] : memref<2x2x2x128xi32, #tpu.memory_space<vmem>> -> memref<1x1x1x128xi32, #tpu.memory_space<vmem>>
      %dma_start3A_310 = tpu.memref_squeeze %dma_start3A_309 : memref<1x1x1x128xi32, #tpu.memory_space<vmem>> -> memref<128xi32, #tpu.memory_space<vmem>>
      %dma_start3A_311 = arith.constant 0 : i32
      %dma_start3A_312 = arith.constant 0 : i32
      %dma_start3A_313 = tpu.memref_slice %arg5[%dma_start3A_311, %dma_start3A_312] : memref<10240x128xf32, #tpu.memory_space<vmem_shared>> -> memref<10240x128xf32, #tpu.memory_space<vmem_shared>>
      %dma_start3A_314 = tpu.memref_slice %arg10[%dma_start3A_307] : memref<2x!tpu.dma_semaphore, #tpu.memory_space<semaphore_mem>> -> memref<1x!tpu.dma_semaphore, #tpu.memory_space<semaphore_mem>>
      %dma_start3A_315 = tpu.memref_squeeze %dma_start3A_314 : memref<1x!tpu.dma_semaphore, #tpu.memory_space<semaphore_mem>> -> memref<!tpu.dma_semaphore, #tpu.memory_space<semaphore_mem>>
      tpu.enqueue_indirect_dma source(%arg7 : memref<128x128xf32, #tpu.memory_space<vmem>>) target(%dma_start3A_313 : memref<10240x128xf32, #tpu.memory_space<vmem_shared>>) offsets(%dma_start3A_310 : memref<128xi32, #tpu.memory_space<vmem>>) semaphore(%dma_start3A_315 : memref<!tpu.dma_semaphore, #tpu.memory_space<semaphore_mem>>) {add = true}
    }
    %while3A_176 = arith.constant 1 : i32
    scf.for %while3A_206 = %while3A_174 to %while3A_170 step %while3A_176  : i32 {
      %rem3A = arith.constant 2 : i32
      %rem3A_207 = arith.remsi %while3A_206, %rem3A : i32
      %dma_wait3A_208 = arith.constant 0 : i32
      %dma_wait3A_209 = arith.constant 0 : i32
      %dma_wait3A_210 = arith.constant 0 : i32
      %dma_wait3A_211 = tpu.memref_slice %arg8[%rem3A_207, %dma_wait3A_208, %dma_wait3A_209, %dma_wait3A_210] : memref<2x2x2x128xi32, #tpu.memory_space<vmem>> -> memref<1x2x2x128xi32, #tpu.memory_space<vmem>>
      %dma_wait3A_212 = tpu.memref_squeeze %dma_wait3A_211 : memref<1x2x2x128xi32, #tpu.memory_space<vmem>> -> memref<2x2x128xi32, #tpu.memory_space<vmem>>
      %dma_wait3A_213 = arith.constant 0 : i32
      %dma_wait3A_214 = arith.constant 0 : i32
      %dma_wait3A_215 = tpu.memref_slice %arg3[%select_n3A, %dma_wait3A_213, %dma_wait3A_214] : memref<2560x2x128xi32, #tpu.memory_space<hbm>> -> memref<2x2x128xi32, #tpu.memory_space<hbm>>
      %dma_wait3A_216 = tpu.memref_slice %arg11[%rem3A_207] : memref<2x!tpu.dma_semaphore, #tpu.memory_space<semaphore_mem>> -> memref<1x!tpu.dma_semaphore, #tpu.memory_space<semaphore_mem>>
      %dma_wait3A_217 = tpu.memref_squeeze %dma_wait3A_216 : memref<1x!tpu.dma_semaphore, #tpu.memory_space<semaphore_mem>> -> memref<!tpu.dma_semaphore, #tpu.memory_space<semaphore_mem>>
      %dma_wait3A_218 = arith.constant 0 : i32
      %dma_wait3A_219 = arith.constant 0 : i32
      %dma_wait3A_220 = arith.constant 0 : i32
      %dma_wait3A_221 = tpu.memref_slice %arg8[%rem3A_207, %dma_wait3A_218, %dma_wait3A_219, %dma_wait3A_220] : memref<2x2x2x128xi32, #tpu.memory_space<vmem>> -> memref<1x2x2x128xi32, #tpu.memory_space<vmem>>
      %dma_wait3A_222 = tpu.memref_squeeze %dma_wait3A_221 : memref<1x2x2x128xi32, #tpu.memory_space<vmem>> -> memref<2x2x128xi32, #tpu.memory_space<vmem>>
      %dma_wait3A_223 = arith.constant 0 : i32
      %dma_wait3A_224 = arith.constant 0 : i32
      %dma_wait3A_225 = tpu.memref_slice %arg3[%select_n3A, %dma_wait3A_223, %dma_wait3A_224] : memref<2560x2x128xi32, #tpu.memory_space<hbm>> -> memref<2x2x128xi32, #tpu.memory_space<hbm>>
      tpu.wait_dma2 semaphore(%dma_wait3A_217 : memref<!tpu.dma_semaphore, #tpu.memory_space<semaphore_mem>>) src(%dma_wait3A_225 : memref<2x2x128xi32, #tpu.memory_space<hbm>>) dst(%dma_wait3A_222 : memref<2x2x128xi32, #tpu.memory_space<vmem>>)
      %dma_wait3A_226 = arith.constant 0 : i32
      %dma_wait3A_227 = arith.constant 1 : i32
      %dma_wait3A_228 = arith.constant 0 : i32
      %dma_wait3A_229 = arith.constant 0 : i32
      %dma_wait3A_230 = tpu.memref_slice %arg8[%rem3A_207, %dma_wait3A_226, %dma_wait3A_227, %dma_wait3A_229] : memref<2x2x2x128xi32, #tpu.memory_space<vmem>> -> memref<1x1x1x128xi32, #tpu.memory_space<vmem>>
      %dma_wait3A_231 = tpu.memref_squeeze %dma_wait3A_230 : memref<1x1x1x128xi32, #tpu.memory_space<vmem>> -> memref<128xi32, #tpu.memory_space<vmem>>
      %dma_wait3A_232 = arith.constant 0 : i32
      %dma_wait3A_233 = arith.constant 0 : i32
      %dma_wait3A_234 = tpu.memref_slice %arg5[%dma_wait3A_232, %dma_wait3A_233] : memref<10240x128xf32, #tpu.memory_space<vmem_shared>> -> memref<10240x128xf32, #tpu.memory_space<vmem_shared>>
      %dma_wait3A_235 = tpu.memref_slice %arg10[%dma_wait3A_228] : memref<2x!tpu.dma_semaphore, #tpu.memory_space<semaphore_mem>> -> memref<1x!tpu.dma_semaphore, #tpu.memory_space<semaphore_mem>>
      %dma_wait3A_236 = tpu.memref_squeeze %dma_wait3A_235 : memref<1x!tpu.dma_semaphore, #tpu.memory_space<semaphore_mem>> -> memref<!tpu.dma_semaphore, #tpu.memory_space<semaphore_mem>>
      tpu.wait_indirect_dma semaphore(%dma_wait3A_236 : memref<!tpu.dma_semaphore, #tpu.memory_space<semaphore_mem>>) src(%arg6 : memref<128x128xf32, #tpu.memory_space<vmem>>) dst(%dma_wait3A_234 : memref<10240x128xf32, #tpu.memory_space<vmem_shared>>)
      %dma_start3A_237 = arith.constant 0 : i32
      %dma_start3A_238 = arith.constant 0 : i32
      %dma_start3A_239 = arith.constant 0 : i32
      %dma_start3A_240 = arith.constant 0 : i32
      %dma_start3A_241 = tpu.memref_slice %arg8[%rem3A_207, %dma_start3A_237, %dma_start3A_238, %dma_start3A_240] : memref<2x2x2x128xi32, #tpu.memory_space<vmem>> -> memref<1x1x1x128xi32, #tpu.memory_space<vmem>>
      %dma_start3A_242 = tpu.memref_squeeze %dma_start3A_241 : memref<1x1x1x128xi32, #tpu.memory_space<vmem>> -> memref<128xi32, #tpu.memory_space<vmem>>
      %dma_start3A_243 = arith.constant 0 : i32
      %dma_start3A_244 = arith.constant 0 : i32
      %dma_start3A_245 = tpu.memref_slice %arg2[%dma_start3A_243, %dma_start3A_244] : memref<10240x128xf32, #tpu.memory_space<hbm>> -> memref<10240x128xf32, #tpu.memory_space<hbm>>
      %dma_start3A_246 = tpu.memref_slice %arg9[%dma_start3A_239] : memref<2x!tpu.dma_semaphore, #tpu.memory_space<semaphore_mem>> -> memref<1x!tpu.dma_semaphore, #tpu.memory_space<semaphore_mem>>
      %dma_start3A_247 = tpu.memref_squeeze %dma_start3A_246 : memref<1x!tpu.dma_semaphore, #tpu.memory_space<semaphore_mem>> -> memref<!tpu.dma_semaphore, #tpu.memory_space<semaphore_mem>>
      tpu.enqueue_indirect_dma source(%dma_start3A_245 : memref<10240x128xf32, #tpu.memory_space<hbm>>) target(%arg6 : memref<128x128xf32, #tpu.memory_space<vmem>>) offsets(%dma_start3A_242 : memref<128xi32, #tpu.memory_space<vmem>>) semaphore(%dma_start3A_247 : memref<!tpu.dma_semaphore, #tpu.memory_space<semaphore_mem>>)
      %dma_wait3A_248 = arith.constant 1 : i32
      %dma_wait3A_249 = arith.constant 1 : i32
      %dma_wait3A_250 = arith.constant 1 : i32
      %dma_wait3A_251 = arith.constant 0 : i32
      %dma_wait3A_252 = tpu.memref_slice %arg8[%rem3A_207, %dma_wait3A_248, %dma_wait3A_249, %dma_wait3A_251] : memref<2x2x2x128xi32, #tpu.memory_space<vmem>> -> memref<1x1x1x128xi32, #tpu.memory_space<vmem>>
      %dma_wait3A_253 = tpu.memref_squeeze %dma_wait3A_252 : memref<1x1x1x128xi32, #tpu.memory_space<vmem>> -> memref<128xi32, #tpu.memory_space<vmem>>
      %dma_wait3A_254 = arith.constant 0 : i32
      %dma_wait3A_255 = arith.constant 0 : i32
      %dma_wait3A_256 = tpu.memref_slice %arg5[%dma_wait3A_254, %dma_wait3A_255] : memref<10240x128xf32, #tpu.memory_space<vmem_shared>> -> memref<10240x128xf32, #tpu.memory_space<vmem_shared>>
      %dma_wait3A_257 = tpu.memref_slice %arg10[%dma_wait3A_250] : memref<2x!tpu.dma_semaphore, #tpu.memory_space<semaphore_mem>> -> memref<1x!tpu.dma_semaphore, #tpu.memory_space<semaphore_mem>>
      %dma_wait3A_258 = tpu.memref_squeeze %dma_wait3A_257 : memref<1x!tpu.dma_semaphore, #tpu.memory_space<semaphore_mem>> -> memref<!tpu.dma_semaphore, #tpu.memory_space<semaphore_mem>>
      tpu.wait_indirect_dma semaphore(%dma_wait3A_258 : memref<!tpu.dma_semaphore, #tpu.memory_space<semaphore_mem>>) src(%arg7 : memref<128x128xf32, #tpu.memory_space<vmem>>) dst(%dma_wait3A_256 : memref<10240x128xf32, #tpu.memory_space<vmem_shared>>)
      %dma_start3A_259 = arith.constant 1 : i32
      %dma_start3A_260 = arith.constant 0 : i32
      %dma_start3A_261 = arith.constant 1 : i32
      %dma_start3A_262 = arith.constant 0 : i32
      %dma_start3A_263 = tpu.memref_slice %arg8[%rem3A_207, %dma_start3A_259, %dma_start3A_260, %dma_start3A_262] : memref<2x2x2x128xi32, #tpu.memory_space<vmem>> -> memref<1x1x1x128xi32, #tpu.memory_space<vmem>>
      %dma_start3A_264 = tpu.memref_squeeze %dma_start3A_263 : memref<1x1x1x128xi32, #tpu.memory_space<vmem>> -> memref<128xi32, #tpu.memory_space<vmem>>
      %dma_start3A_265 = arith.constant 0 : i32
      %dma_start3A_266 = arith.constant 0 : i32
      %dma_start3A_267 = tpu.memref_slice %arg2[%dma_start3A_265, %dma_start3A_266] : memref<10240x128xf32, #tpu.memory_space<hbm>> -> memref<10240x128xf32, #tpu.memory_space<hbm>>
      %dma_start3A_268 = tpu.memref_slice %arg9[%dma_start3A_261] : memref<2x!tpu.dma_semaphore, #tpu.memory_space<semaphore_mem>> -> memref<1x!tpu.dma_semaphore, #tpu.memory_space<semaphore_mem>>
      %dma_start3A_269 = tpu.memref_squeeze %dma_start3A_268 : memref<1x!tpu.dma_semaphore, #tpu.memory_space<semaphore_mem>> -> memref<!tpu.dma_semaphore, #tpu.memory_space<semaphore_mem>>
      tpu.enqueue_indirect_dma source(%dma_start3A_267 : memref<10240x128xf32, #tpu.memory_space<hbm>>) target(%arg7 : memref<128x128xf32, #tpu.memory_space<vmem>>) offsets(%dma_start3A_264 : memref<128xi32, #tpu.memory_space<vmem>>) semaphore(%dma_start3A_269 : memref<!tpu.dma_semaphore, #tpu.memory_space<semaphore_mem>>)
      %sub3A = arith.constant 1 : i32
      %sub3A_270 = arith.subi %select_n3A_33, %sub3A : i32
      %lt3A = arith.cmpi slt, %while3A_206, %sub3A_270 : i32
      %convert_element_type3A = arith.extui %lt3A : i1 to i32
      %cond3A = arith.constant 0 : i32
      %cond3A_271 = arith.cmpi ne, %convert_element_type3A, %cond3A : i32
      scf.if %cond3A_271 {
        %add3A_316 = arith.constant 1 : i32
        %add3A_317 = arith.addi %while3A_206, %add3A_316 : i32
        %sub3A_318 = arith.constant 1 : i32
        %sub3A_319 = arith.subi %sub3A_318, %rem3A_207 : i32
        %mul3A_320 = arith.constant 2 : i32
        %mul3A_321 = arith.muli %add3A_317, %mul3A_320 : i32
        %add3A_322 = arith.addi %select_n3A, %mul3A_321 : i32
        %dma_start3A_323 = arith.constant 0 : i32
        %dma_start3A_324 = arith.constant 0 : i32
        %dma_start3A_325 = arith.constant 0 : i32
        %dma_start3A_326 = tpu.memref_slice %arg8[%sub3A_319, %dma_start3A_323, %dma_start3A_324, %dma_start3A_325] : memref<2x2x2x128xi32, #tpu.memory_space<vmem>> -> memref<1x2x2x128xi32, #tpu.memory_space<vmem>>
        %dma_start3A_327 = tpu.memref_squeeze %dma_start3A_326 : memref<1x2x2x128xi32, #tpu.memory_space<vmem>> -> memref<2x2x128xi32, #tpu.memory_space<vmem>>
        %dma_start3A_328 = arith.constant 0 : i32
        %dma_start3A_329 = arith.constant 0 : i32
        %dma_start3A_330 = tpu.memref_slice %arg3[%add3A_322, %dma_start3A_328, %dma_start3A_329] : memref<2560x2x128xi32, #tpu.memory_space<hbm>> -> memref<2x2x128xi32, #tpu.memory_space<hbm>>
        %dma_start3A_331 = tpu.memref_slice %arg11[%sub3A_319] : memref<2x!tpu.dma_semaphore, #tpu.memory_space<semaphore_mem>> -> memref<1x!tpu.dma_semaphore, #tpu.memory_space<semaphore_mem>>
        %dma_start3A_332 = tpu.memref_squeeze %dma_start3A_331 : memref<1x!tpu.dma_semaphore, #tpu.memory_space<semaphore_mem>> -> memref<!tpu.dma_semaphore, #tpu.memory_space<semaphore_mem>>
        %dma_start3A_333 = arith.constant 0 : i32
        %dma_start3A_334 = arith.constant 0 : i32
        %dma_start3A_335 = arith.constant 0 : i32
        %dma_start3A_336 = tpu.memref_slice %arg8[%sub3A_319, %dma_start3A_333, %dma_start3A_334, %dma_start3A_335] : memref<2x2x2x128xi32, #tpu.memory_space<vmem>> -> memref<1x2x2x128xi32, #tpu.memory_space<vmem>>
        %dma_start3A_337 = tpu.memref_squeeze %dma_start3A_336 : memref<1x2x2x128xi32, #tpu.memory_space<vmem>> -> memref<2x2x128xi32, #tpu.memory_space<vmem>>
        %dma_start3A_338 = arith.constant 0 : i32
        %dma_start3A_339 = arith.constant 0 : i32
        %dma_start3A_340 = tpu.memref_slice %arg3[%add3A_322, %dma_start3A_338, %dma_start3A_339] : memref<2560x2x128xi32, #tpu.memory_space<hbm>> -> memref<2x2x128xi32, #tpu.memory_space<hbm>>
        tpu.enqueue_dma source(%dma_start3A_340 : memref<2x2x128xi32, #tpu.memory_space<hbm>>) target(%dma_start3A_337 : memref<2x2x128xi32, #tpu.memory_space<vmem>>) target_semaphore(%dma_start3A_332 : memref<!tpu.dma_semaphore, #tpu.memory_space<semaphore_mem>>)
      } else {
      }
      %dma_wait3A_272 = arith.constant 0 : i32
      %dma_wait3A_273 = arith.constant 0 : i32
      %dma_wait3A_274 = arith.constant 0 : i32
      %dma_wait3A_275 = arith.constant 0 : i32
      %dma_wait3A_276 = tpu.memref_slice %arg8[%rem3A_207, %dma_wait3A_272, %dma_wait3A_273, %dma_wait3A_275] : memref<2x2x2x128xi32, #tpu.memory_space<vmem>> -> memref<1x1x1x128xi32, #tpu.memory_space<vmem>>
      %dma_wait3A_277 = tpu.memref_squeeze %dma_wait3A_276 : memref<1x1x1x128xi32, #tpu.memory_space<vmem>> -> memref<128xi32, #tpu.memory_space<vmem>>
      %dma_wait3A_278 = arith.constant 0 : i32
      %dma_wait3A_279 = arith.constant 0 : i32
      %dma_wait3A_280 = tpu.memref_slice %arg2[%dma_wait3A_278, %dma_wait3A_279] : memref<10240x128xf32, #tpu.memory_space<hbm>> -> memref<10240x128xf32, #tpu.memory_space<hbm>>
      %dma_wait3A_281 = tpu.memref_slice %arg9[%dma_wait3A_274] : memref<2x!tpu.dma_semaphore, #tpu.memory_space<semaphore_mem>> -> memref<1x!tpu.dma_semaphore, #tpu.memory_space<semaphore_mem>>
      %dma_wait3A_282 = tpu.memref_squeeze %dma_wait3A_281 : memref<1x!tpu.dma_semaphore, #tpu.memory_space<semaphore_mem>> -> memref<!tpu.dma_semaphore, #tpu.memory_space<semaphore_mem>>
      tpu.wait_indirect_dma semaphore(%dma_wait3A_282 : memref<!tpu.dma_semaphore, #tpu.memory_space<semaphore_mem>>) src(%dma_wait3A_280 : memref<10240x128xf32, #tpu.memory_space<hbm>>) dst(%arg6 : memref<128x128xf32, #tpu.memory_space<vmem>>)
      %dma_start3A_283 = arith.constant 0 : i32
      %dma_start3A_284 = arith.constant 1 : i32
      %dma_start3A_285 = arith.constant 0 : i32
      %dma_start3A_286 = arith.constant 0 : i32
      %dma_start3A_287 = tpu.memref_slice %arg8[%rem3A_207, %dma_start3A_283, %dma_start3A_284, %dma_start3A_286] : memref<2x2x2x128xi32, #tpu.memory_space<vmem>> -> memref<1x1x1x128xi32, #tpu.memory_space<vmem>>
      %dma_start3A_288 = tpu.memref_squeeze %dma_start3A_287 : memref<1x1x1x128xi32, #tpu.memory_space<vmem>> -> memref<128xi32, #tpu.memory_space<vmem>>
      %dma_start3A_289 = arith.constant 0 : i32
      %dma_start3A_290 = arith.constant 0 : i32
      %dma_start3A_291 = tpu.memref_slice %arg5[%dma_start3A_289, %dma_start3A_290] : memref<10240x128xf32, #tpu.memory_space<vmem_shared>> -> memref<10240x128xf32, #tpu.memory_space<vmem_shared>>
      %dma_start3A_292 = tpu.memref_slice %arg10[%dma_start3A_285] : memref<2x!tpu.dma_semaphore, #tpu.memory_space<semaphore_mem>> -> memref<1x!tpu.dma_semaphore, #tpu.memory_space<semaphore_mem>>
      %dma_start3A_293 = tpu.memref_squeeze %dma_start3A_292 : memref<1x!tpu.dma_semaphore, #tpu.memory_space<semaphore_mem>> -> memref<!tpu.dma_semaphore, #tpu.memory_space<semaphore_mem>>
      tpu.enqueue_indirect_dma source(%arg6 : memref<128x128xf32, #tpu.memory_space<vmem>>) target(%dma_start3A_291 : memref<10240x128xf32, #tpu.memory_space<vmem_shared>>) offsets(%dma_start3A_288 : memref<128xi32, #tpu.memory_space<vmem>>) semaphore(%dma_start3A_293 : memref<!tpu.dma_semaphore, #tpu.memory_space<semaphore_mem>>) {add = true}
      %dma_wait3A_294 = arith.constant 1 : i32
      %dma_wait3A_295 = arith.constant 0 : i32
      %dma_wait3A_296 = arith.constant 1 : i32
      %dma_wait3A_297 = arith.constant 0 : i32
      %dma_wait3A_298 = tpu.memref_slice %arg8[%rem3A_207, %dma_wait3A_294, %dma_wait3A_295, %dma_wait3A_297] : memref<2x2x2x128xi32, #tpu.memory_space<vmem>> -> memref<1x1x1x128xi32, #tpu.memory_space<vmem>>
      %dma_wait3A_299 = tpu.memref_squeeze %dma_wait3A_298 : memref<1x1x1x128xi32, #tpu.memory_space<vmem>> -> memref<128xi32, #tpu.memory_space<vmem>>
      %dma_wait3A_300 = arith.constant 0 : i32
      %dma_wait3A_301 = arith.constant 0 : i32
      %dma_wait3A_302 = tpu.memref_slice %arg2[%dma_wait3A_300, %dma_wait3A_301] : memref<10240x128xf32, #tpu.memory_space<hbm>> -> memref<10240x128xf32, #tpu.memory_space<hbm>>
      %dma_wait3A_303 = tpu.memref_slice %arg9[%dma_wait3A_296] : memref<2x!tpu.dma_semaphore, #tpu.memory_space<semaphore_mem>> -> memref<1x!tpu.dma_semaphore, #tpu.memory_space<semaphore_mem>>
      %dma_wait3A_304 = tpu.memref_squeeze %dma_wait3A_303 : memref<1x!tpu.dma_semaphore, #tpu.memory_space<semaphore_mem>> -> memref<!tpu.dma_semaphore, #tpu.memory_space<semaphore_mem>>
      tpu.wait_indirect_dma semaphore(%dma_wait3A_304 : memref<!tpu.dma_semaphore, #tpu.memory_space<semaphore_mem>>) src(%dma_wait3A_302 : memref<10240x128xf32, #tpu.memory_space<hbm>>) dst(%arg7 : memref<128x128xf32, #tpu.memory_space<vmem>>)
      %dma_start3A_305 = arith.constant 1 : i32
      %dma_start3A_306 = arith.constant 1 : i32
      %dma_start3A_307 = arith.constant 1 : i32
      %dma_start3A_308 = arith.constant 0 : i32
      %dma_start3A_309 = tpu.memref_slice %arg8[%rem3A_207, %dma_start3A_305, %dma_start3A_306, %dma_start3A_308] : memref<2x2x2x128xi32, #tpu.memory_space<vmem>> -> memref<1x1x1x128xi32, #tpu.memory_space<vmem>>
      %dma_start3A_310 = tpu.memref_squeeze %dma_start3A_309 : memref<1x1x1x128xi32, #tpu.memory_space<vmem>> -> memref<128xi32, #tpu.memory_space<vmem>>
      %dma_start3A_311 = arith.constant 0 : i32
      %dma_start3A_312 = arith.constant 0 : i32
      %dma_start3A_313 = tpu.memref_slice %arg5[%dma_start3A_311, %dma_start3A_312] : memref<10240x128xf32, #tpu.memory_space<vmem_shared>> -> memref<10240x128xf32, #tpu.memory_space<vmem_shared>>
      %dma_start3A_314 = tpu.memref_slice %arg10[%dma_start3A_307] : memref<2x!tpu.dma_semaphore, #tpu.memory_space<semaphore_mem>> -> memref<1x!tpu.dma_semaphore, #tpu.memory_space<semaphore_mem>>
      %dma_start3A_315 = tpu.memref_squeeze %dma_start3A_314 : memref<1x!tpu.dma_semaphore, #tpu.memory_space<semaphore_mem>> -> memref<!tpu.dma_semaphore, #tpu.memory_space<semaphore_mem>>
      tpu.enqueue_indirect_dma source(%arg7 : memref<128x128xf32, #tpu.memory_space<vmem>>) target(%dma_start3A_313 : memref<10240x128xf32, #tpu.memory_space<vmem_shared>>) offsets(%dma_start3A_310 : memref<128xi32, #tpu.memory_space<vmem>>) semaphore(%dma_start3A_315 : memref<!tpu.dma_semaphore, #tpu.memory_space<semaphore_mem>>) {add = true}
    }
    %dma_wait3A_177 = arith.constant 0 : i32
    %dma_wait3A_178 = arith.constant 0 : i32
    %dma_wait3A_179 = arith.constant 1 : i32
    %dma_wait3A_180 = arith.constant 0 : i32
    %dma_wait3A_181 = arith.constant 0 : i32
    %dma_wait3A_182 = tpu.memref_slice %arg8[%dma_wait3A_177, %dma_wait3A_178, %dma_wait3A_179, %dma_wait3A_181] : memref<2x2x2x128xi32, #tpu.memory_space<vmem>> -> memref<1x1x1x128xi32, #tpu.memory_space<vmem>>
    %dma_wait3A_183 = tpu.memref_squeeze %dma_wait3A_182 : memref<1x1x1x128xi32, #tpu.memory_space<vmem>> -> memref<128xi32, #tpu.memory_space<vmem>>
    %dma_wait3A_184 = arith.constant 0 : i32
    %dma_wait3A_185 = arith.constant 0 : i32
    %dma_wait3A_186 = tpu.memref_slice %arg5[%dma_wait3A_184, %dma_wait3A_185] : memref<10240x128xf32, #tpu.memory_space<vmem_shared>> -> memref<10240x128xf32, #tpu.memory_space<vmem_shared>>
    %dma_wait3A_187 = tpu.memref_slice %arg10[%dma_wait3A_180] : memref<2x!tpu.dma_semaphore, #tpu.memory_space<semaphore_mem>> -> memref<1x!tpu.dma_semaphore, #tpu.memory_space<semaphore_mem>>
    %dma_wait3A_188 = tpu.memref_squeeze %dma_wait3A_187 : memref<1x!tpu.dma_semaphore, #tpu.memory_space<semaphore_mem>> -> memref<!tpu.dma_semaphore, #tpu.memory_space<semaphore_mem>>
    tpu.wait_indirect_dma semaphore(%dma_wait3A_188 : memref<!tpu.dma_semaphore, #tpu.memory_space<semaphore_mem>>) src(%arg6 : memref<128x128xf32, #tpu.memory_space<vmem>>) dst(%dma_wait3A_186 : memref<10240x128xf32, #tpu.memory_space<vmem_shared>>)
    %dma_wait3A_189 = arith.constant 0 : i32
    %dma_wait3A_190 = arith.constant 1 : i32
    %dma_wait3A_191 = arith.constant 1 : i32
    %dma_wait3A_192 = arith.constant 1 : i32
    %dma_wait3A_193 = arith.constant 0 : i32
    %dma_wait3A_194 = tpu.memref_slice %arg8[%dma_wait3A_189, %dma_wait3A_190, %dma_wait3A_191, %dma_wait3A_193] : memref<2x2x2x128xi32, #tpu.memory_space<vmem>> -> memref<1x1x1x128xi32, #tpu.memory_space<vmem>>
    %dma_wait3A_195 = tpu.memref_squeeze %dma_wait3A_194 : memref<1x1x1x128xi32, #tpu.memory_space<vmem>> -> memref<128xi32, #tpu.memory_space<vmem>>
    %dma_wait3A_196 = arith.constant 0 : i32
    %dma_wait3A_197 = arith.constant 0 : i32
    %dma_wait3A_198 = tpu.memref_slice %arg5[%dma_wait3A_196, %dma_wait3A_197] : memref<10240x128xf32, #tpu.memory_space<vmem_shared>> -> memref<10240x128xf32, #tpu.memory_space<vmem_shared>>
    %dma_wait3A_199 = tpu.memref_slice %arg10[%dma_wait3A_192] : memref<2x!tpu.dma_semaphore, #tpu.memory_space<semaphore_mem>> -> memref<1x!tpu.dma_semaphore, #tpu.memory_space<semaphore_mem>>
    %dma_wait3A_200 = tpu.memref_squeeze %dma_wait3A_199 : memref<1x!tpu.dma_semaphore, #tpu.memory_space<semaphore_mem>> -> memref<!tpu.dma_semaphore, #tpu.memory_space<semaphore_mem>>
    tpu.wait_indirect_dma semaphore(%dma_wait3A_200 : memref<!tpu.dma_semaphore, #tpu.memory_space<semaphore_mem>>) src(%arg7 : memref<128x128xf32, #tpu.memory_space<vmem>>) dst(%dma_wait3A_198 : memref<10240x128xf32, #tpu.memory_space<vmem_shared>>)
    %barrier3A_201 = arith.constant 0 : index
    tpu.barrier barrier_id(%barrier3A_201)
    %mul3A_202 = arith.constant 640 : i32
    %mul3A_203 = arith.muli %arg1, %mul3A_202 : i32
    %mul3A_204 = arith.constant 640 : i32
    %mul3A_205 = arith.muli %arg1, %mul3A_204 : i32
    "tpu.region"() ({
      %run_scoped3A = tpu.sem_alloc : memref<!tpu.dma_semaphore, #tpu.memory_space<semaphore_mem>>
      %dma_start3A_206 = arith.constant 0 : i32
      %dma_start3A_207 = tpu.memref_slice %arg4[%arg0, %mul3A_205, %dma_start3A_206] : memref<2x10240x128xf32, #tpu.memory_space<hbm>> -> memref<1x640x128xf32, #tpu.memory_space<hbm>>
      %dma_start3A_208 = tpu.memref_squeeze %dma_start3A_207 : memref<1x640x128xf32, #tpu.memory_space<hbm>> -> memref<640x128xf32, #tpu.memory_space<hbm>>
      %dma_start3A_209 = arith.constant 0 : i32
      %dma_start3A_210 = tpu.memref_slice %arg5[%mul3A_203, %dma_start3A_209] : memref<10240x128xf32, #tpu.memory_space<vmem_shared>> -> memref<640x128xf32, #tpu.memory_space<vmem_shared>>
      tpu.enqueue_dma source(%dma_start3A_210 : memref<640x128xf32, #tpu.memory_space<vmem_shared>>) target(%dma_start3A_208 : memref<640x128xf32, #tpu.memory_space<hbm>>) target_semaphore(%run_scoped3A : memref<!tpu.dma_semaphore, #tpu.memory_space<semaphore_mem>>)
      %dma_wait3A_211 = arith.constant 0 : i32
      %dma_wait3A_212 = tpu.memref_slice %arg4[%arg0, %mul3A_205, %dma_wait3A_211] : memref<2x10240x128xf32, #tpu.memory_space<hbm>> -> memref<1x640x128xf32, #tpu.memory_space<hbm>>
      %dma_wait3A_213 = tpu.memref_squeeze %dma_wait3A_212 : memref<1x640x128xf32, #tpu.memory_space<hbm>> -> memref<640x128xf32, #tpu.memory_space<hbm>>
      %dma_wait3A_214 = arith.constant 0 : i32
      %dma_wait3A_215 = tpu.memref_slice %arg5[%mul3A_203, %dma_wait3A_214] : memref<10240x128xf32, #tpu.memory_space<vmem_shared>> -> memref<640x128xf32, #tpu.memory_space<vmem_shared>>
      tpu.wait_dma2 semaphore(%run_scoped3A : memref<!tpu.dma_semaphore, #tpu.memory_space<semaphore_mem>>) src(%dma_wait3A_215 : memref<640x128xf32, #tpu.memory_space<vmem_shared>>) dst(%dma_wait3A_213 : memref<640x128xf32, #tpu.memory_space<hbm>>)
      tpu.yield
    }) : () -> ()
    return
  }
}

module attributes {stable_mosaic.version = 14 : i64} {
  func.func @_tc1a_body(%arg0: i32, %arg1: memref<512x128xf32, #tpu.memory_space<vmem>>, %arg2: memref<128x128xf32, #tpu.memory_space<vmem>>, %arg3: memref<512x128xf32, #tpu.memory_space<vmem>>) attributes {dimension_semantics = [#tpu.dimension_semantics<arbitrary>], iteration_bounds = array<i64: 20>, scalar_prefetch = 0 : i64, scratch_operands = 0 : i64, tpu.core_type = #tpu.core_type<tc>, window_params = [{transform_indices = @transform_0, window_bounds = array<i64: 512, 128>}, {pipeline_mode = #tpu.pipeline_mode<synchronous>, transform_indices = @transform_1, window_bounds = array<i64: 128, 128>}, {transform_indices = @transform_2, window_bounds = array<i64: 512, 128>}]} {
    %get3A = arith.constant 0 : index
    %get3A_0 = arith.constant 0 : index
    %get3A_1 = vector.load %arg1[%get3A, %get3A_0] : memref<512x128xf32, #tpu.memory_space<vmem>>, vector<512x128xf32>
    %get3A_2 = arith.constant 0 : index
    %get3A_3 = arith.constant 0 : index
    %get3A_4 = vector.load %arg2[%get3A_2, %get3A_3] : memref<128x128xf32, #tpu.memory_space<vmem>>, vector<128x128xf32>
    %dot_general3A = arith.constant dense<0.000000e+00> : vector<512x128xf32>
    %dot_general3A_5 = tpu.matmul %get3A_1, %get3A_4, %dot_general3A {dimension_numbers = #tpu.dot_dimension_numbers<[1], [0], [0], [1], [0, 0, 1, 1], [], []>, transpose_lhs_hint = false} : vector<512x128xf32>, vector<128x128xf32>, vector<512x128xf32> -> vector<512x128xf32>
    %swap3A = arith.constant 0 : index
    %swap3A_6 = arith.constant 0 : index
    %swap3A_7 = vector.load %arg3[%swap3A, %swap3A_6] : memref<512x128xf32, #tpu.memory_space<vmem>>, vector<512x128xf32>
    tpu.vector_store %arg3[%swap3A, %swap3A_6], %dot_general3A_5 {strides = array<i32>} : memref<512x128xf32, #tpu.memory_space<vmem>>, vector<512x128xf32>,
    return
  }
  func.func @transform_0(%arg0: i32) -> (i32, i32) {
    %c0_i32 = arith.constant 0 : i32
    %c0_i32_0 = arith.constant 0 : i32
    return %arg0, %c0_i32 : i32, i32
  }
  func.func @transform_1(%arg0: i32) -> (i32, i32) {
    %c0_i32 = arith.constant 0 : i32
    %c0_i32_0 = arith.constant 0 : i32
    %c0_i32_1 = arith.constant 0 : i32
    return %c0_i32, %c0_i32_0 : i32, i32
  }
  func.func @transform_2(%arg0: i32) -> (i32, i32) {
    %c0_i32 = arith.constant 0 : i32
    %c0_i32_0 = arith.constant 0 : i32
    return %arg0, %c0_i32 : i32, i32
  }
}

module attributes {stable_mosaic.version = 14 : i64} {
  func.func @_tc1b_body(%arg0: i32, %arg1: memref<512x128xf32, #tpu.memory_space<vmem>>, %arg2: memref<32x512xf32, #tpu.memory_space<vmem>>, %arg3: memref<512x128xf32, #tpu.memory_space<vmem>>, %arg4: memref<512x1xf32, #tpu.memory_space<vmem>>) attributes {dimension_semantics = [#tpu.dimension_semantics<arbitrary>], iteration_bounds = array<i64: 20>, scalar_prefetch = 0 : i64, scratch_operands = 0 : i64, tpu.core_type = #tpu.core_type<tc>, window_params = [{transform_indices = @transform_0, window_bounds = array<i64: 512, 128>}, {transform_indices = @transform_1, window_bounds = array<i64: 32, 512>}, {transform_indices = @transform_2, window_bounds = array<i64: 512, 128>}, {transform_indices = @transform_3, window_bounds = array<i64: 512, 1>}]} {
    %get3A = arith.constant 0 : index
    %get3A_0 = arith.constant 0 : index
    %get3A_1 = vector.load %arg2[%get3A, %get3A_0] : memref<32x512xf32, #tpu.memory_space<vmem>>, vector<32x512xf32>
    %reduce_sum3A = arith.constant dense<0.000000e+00> : vector<512xf32>
    %reduce_sum3A_2 = vector.multi_reduction <add>, %get3A_1, %reduce_sum3A [0] : vector<32x512xf32> to vector<512xf32>
    %add3A = arith.constant 1.000000e+00 : f32
    %add3A_3 = vector.broadcast %add3A : f32 to vector<512xf32>
    %add3A_4 = arith.addf %reduce_sum3A_2, %add3A_3 : vector<512xf32>
    %rsqrt3A = math.rsqrt %add3A_4 : vector<512xf32>
    %get3A_5 = arith.constant 0 : index
    %get3A_6 = arith.constant 0 : index
    %get3A_7 = vector.load %arg1[%get3A_5, %get3A_6] : memref<512x128xf32, #tpu.memory_space<vmem>>, vector<512x128xf32>
    %broadcast_in_dim3A = vector.shape_cast %rsqrt3A : vector<512xf32> to vector<512x1xf32>
    %mul3A = vector.broadcast %broadcast_in_dim3A : vector<512x1xf32> to vector<512x128xf32>
    %mul3A_8 = arith.mulf %get3A_7, %mul3A : vector<512x128xf32>
    %swap3A = arith.constant 0 : index
    %swap3A_9 = arith.constant 0 : index
    %swap3A_10 = vector.load %arg3[%swap3A, %swap3A_9] : memref<512x128xf32, #tpu.memory_space<vmem>>, vector<512x128xf32>
    tpu.vector_store %arg3[%swap3A, %swap3A_9], %mul3A_8 {strides = array<i32>} : memref<512x128xf32, #tpu.memory_space<vmem>>, vector<512x128xf32>,
    %broadcast_in_dim3A_11 = vector.shape_cast %rsqrt3A : vector<512xf32> to vector<512x1xf32>
    %swap3A_12 = arith.constant 0 : index
    %swap3A_13 = arith.constant 0 : index
    %swap3A_14 = vector.load %arg4[%swap3A_12, %swap3A_13] : memref<512x1xf32, #tpu.memory_space<vmem>>, vector<512x1xf32>
    tpu.vector_store %arg4[%swap3A_12, %swap3A_13], %broadcast_in_dim3A_11 {strides = array<i32>} : memref<512x1xf32, #tpu.memory_space<vmem>>, vector<512x1xf32>,
    return
  }
  func.func @transform_0(%arg0: i32) -> (i32, i32) {
    %c0_i32 = arith.constant 0 : i32
    %c0_i32_0 = arith.constant 0 : i32
    return %arg0, %c0_i32 : i32, i32
  }
  func.func @transform_1(%arg0: i32) -> (i32, i32) {
    %c0_i32 = arith.constant 0 : i32
    %c0_i32_0 = arith.constant 0 : i32
    return %c0_i32, %arg0 : i32, i32
  }
  func.func @transform_2(%arg0: i32) -> (i32, i32) {
    %c0_i32 = arith.constant 0 : i32
    %c0_i32_0 = arith.constant 0 : i32
    return %arg0, %c0_i32 : i32, i32
  }
  func.func @transform_3(%arg0: i32) -> (i32, i32) {
    %c0_i32 = arith.constant 0 : i32
    %c0_i32_0 = arith.constant 0 : i32
    return %arg0, %c0_i32 : i32, i32
  }
}

module attributes {stable_mosaic.version = 14 : i64} {
  func.func @_tc2a_body(%arg0: i32, %arg1: memref<512x128xf32, #tpu.memory_space<vmem>>, %arg2: memref<512x128xf32, #tpu.memory_space<vmem>>, %arg3: memref<512x128xf32, #tpu.memory_space<vmem>>, %arg4: memref<512x1xf32, #tpu.memory_space<vmem>>, %arg5: memref<1x128xf32, #tpu.memory_space<vmem>>, %arg6: memref<512x128xf32, #tpu.memory_space<vmem>>, %arg7: memref<1x2x128xf32, #tpu.memory_space<vmem>>) attributes {dimension_semantics = [#tpu.dimension_semantics<arbitrary>], iteration_bounds = array<i64: 20>, scalar_prefetch = 0 : i64, scratch_operands = 0 : i64, tpu.core_type = #tpu.core_type<tc>, window_params = [{transform_indices = @transform_0, window_bounds = array<i64: 512, 128>}, {transform_indices = @transform_1, window_bounds = array<i64: 512, 128>}, {transform_indices = @transform_2, window_bounds = array<i64: 512, 128>}, {transform_indices = @transform_3, window_bounds = array<i64: 512, 1>}, {pipeline_mode = #tpu.pipeline_mode<synchronous>, transform_indices = @transform_4, window_bounds = array<i64: 1, 128>}, {transform_indices = @transform_5, window_bounds = array<i64: 512, 128>}, {transform_indices = @transform_6, window_bounds = array<i64: 1, 2, 128>}]} {
    %get3A = arith.constant 0 : index
    %get3A_0 = arith.constant 0 : index
    %get3A_1 = vector.load %arg4[%get3A, %get3A_0] : memref<512x1xf32, #tpu.memory_space<vmem>>, vector<512x1xf32>
    %get3A_2 = arith.constant 0 : index
    %get3A_3 = arith.constant 0 : index
    %get3A_4 = vector.load %arg1[%get3A_2, %get3A_3] : memref<512x128xf32, #tpu.memory_space<vmem>>, vector<512x128xf32>
    %get3A_5 = arith.constant 0 : index
    %get3A_6 = arith.constant 0 : index
    %get3A_7 = vector.load %arg2[%get3A_5, %get3A_6] : memref<512x128xf32, #tpu.memory_space<vmem>>, vector<512x128xf32>
    %add3A = arith.addf %get3A_4, %get3A_7 : vector<512x128xf32>
    %get3A_8 = arith.constant 0 : index
    %get3A_9 = arith.constant 0 : index
    %get3A_10 = vector.load %arg3[%get3A_8, %get3A_9] : memref<512x128xf32, #tpu.memory_space<vmem>>, vector<512x128xf32>
    %add3A_11 = arith.addf %add3A, %get3A_10 : vector<512x128xf32>
    %mul3A = vector.broadcast %get3A_1 : vector<512x1xf32> to vector<512x128xf32>
    %mul3A_12 = arith.mulf %mul3A, %add3A_11 : vector<512x128xf32>
    %get3A_13 = arith.constant 0 : index
    %get3A_14 = arith.constant 0 : index
    %get3A_15 = vector.load %arg5[%get3A_13, %get3A_14] : memref<1x128xf32, #tpu.memory_space<vmem>>, vector<1x128xf32>
    %add3A_16 = vector.broadcast %get3A_15 : vector<1x128xf32> to vector<512x128xf32>
    %add3A_17 = arith.addf %mul3A_12, %add3A_16 : vector<512x128xf32>
    %mul3A_18 = arith.constant 512 : i32
    %mul3A_19 = arith.muli %arg0, %mul3A_18 : i32
    %iota3A = tpu.iota {dimensions = array<i32: 0>} : vector<512x1xi32>
    %add3A_20 = vector.broadcast %mul3A_19 : i32 to vector<512x1xi32>
    %add3A_21 = arith.addi %add3A_20, %iota3A : vector<512x1xi32>
    %lt3A = arith.constant 10000 : i32
    %lt3A_22 = vector.broadcast %lt3A : i32 to vector<512x1xi32>
    %lt3A_23 = arith.cmpi slt, %add3A_21, %lt3A_22 : vector<512x1xi32>
    %jit3A = arith.constant 0.000000e+00 : f32
    %broadcast_in_dim3A = vector.shape_cast %lt3A_23 : vector<512x1xi1> to vector<512x1xi1>
    %broadcast_in_dim3A_24 = vector.broadcast %broadcast_in_dim3A : vector<512x1xi1> to vector<512x128xi1>
    %broadcast_in_dim3A_25 = vector.broadcast %jit3A : f32 to vector<512x128xf32>
    %select_n3A = arith.select %broadcast_in_dim3A_24, %add3A_17, %broadcast_in_dim3A_25 : vector<512x128xi1>, vector<512x128xf32>
    %reduce_sum3A = arith.constant dense<0.000000e+00> : vector<128xf32>
    %reduce_sum3A_26 = vector.multi_reduction <add>, %select_n3A, %reduce_sum3A [0] : vector<512x128xf32> to vector<128xf32>
    %mul3A_27 = arith.mulf %select_n3A, %select_n3A : vector<512x128xf32>
    %reduce_sum3A_28 = arith.constant dense<0.000000e+00> : vector<128xf32>
    %reduce_sum3A_29 = vector.multi_reduction <add>, %mul3A_27, %reduce_sum3A_28 [0] : vector<512x128xf32> to vector<128xf32>
    %stack3A = vector.shape_cast %reduce_sum3A_26 : vector<128xf32> to vector<1x128xf32>
    %stack3A_30 = vector.shape_cast %reduce_sum3A_29 : vector<128xf32> to vector<1x128xf32>
    %stack3A_31 = tpu.concatenate %stack3A, %stack3A_30 in 0 : vector<1x128xf32>, vector<1x128xf32> -> vector<2x128xf32>
    %broadcast_in_dim3A_32 = vector.shape_cast %stack3A_31 : vector<2x128xf32> to vector<1x2x128xf32>
    %swap3A = arith.constant 0 : index
    %swap3A_33 = arith.constant 0 : index
    %swap3A_34 = arith.constant 0 : index
    %swap3A_35 = vector.load %arg7[%swap3A, %swap3A_33, %swap3A_34] : memref<1x2x128xf32, #tpu.memory_space<vmem>>, vector<1x2x128xf32>
    tpu.vector_store %arg7[%swap3A, %swap3A_33, %swap3A_34], %broadcast_in_dim3A_32 {strides = array<i32>} : memref<1x2x128xf32, #tpu.memory_space<vmem>>, vector<1x2x128xf32>,
    %swap3A_36 = arith.constant 0 : index
    %swap3A_37 = arith.constant 0 : index
    %swap3A_38 = vector.load %arg6[%swap3A_36, %swap3A_37] : memref<512x128xf32, #tpu.memory_space<vmem>>, vector<512x128xf32>
    tpu.vector_store %arg6[%swap3A_36, %swap3A_37], %add3A_17 {strides = array<i32>} : memref<512x128xf32, #tpu.memory_space<vmem>>, vector<512x128xf32>,
    return
  }
  func.func @transform_0(%arg0: i32) -> (i32, i32) {
    %c0_i32 = arith.constant 0 : i32
    %c0_i32_0 = arith.constant 0 : i32
    return %arg0, %c0_i32 : i32, i32
  }
  func.func @transform_1(%arg0: i32) -> (i32, i32) {
    %c0_i32 = arith.constant 0 : i32
    %c0_i32_0 = arith.constant 0 : i32
    return %arg0, %c0_i32 : i32, i32
  }
  func.func @transform_2(%arg0: i32) -> (i32, i32) {
    %c0_i32 = arith.constant 0 : i32
    %c0_i32_0 = arith.constant 0 : i32
    return %arg0, %c0_i32 : i32, i32
  }
  func.func @transform_3(%arg0: i32) -> (i32, i32) {
    %c0_i32 = arith.constant 0 : i32
    %c0_i32_0 = arith.constant 0 : i32
    return %arg0, %c0_i32 : i32, i32
  }
  func.func @transform_4(%arg0: i32) -> (i32, i32) {
    %c0_i32 = arith.constant 0 : i32
    %c0_i32_0 = arith.constant 0 : i32
    %c0_i32_1 = arith.constant 0 : i32
    return %c0_i32, %c0_i32_0 : i32, i32
  }
  func.func @transform_5(%arg0: i32) -> (i32, i32) {
    %c0_i32 = arith.constant 0 : i32
    %c0_i32_0 = arith.constant 0 : i32
    return %arg0, %c0_i32 : i32, i32
  }
  func.func @transform_6(%arg0: i32) -> (i32, i32, i32) {
    %c0_i32 = arith.constant 0 : i32
    %c0_i32_0 = arith.constant 0 : i32
    %c0_i32_1 = arith.constant 0 : i32
    return %arg0, %c0_i32, %c0_i32_0 : i32, i32, i32
  }
}

module attributes {stable_mosaic.version = 14 : i64} {
  func.func @_tc2b_body(%arg0: i32, %arg1: memref<512x128xf32, #tpu.memory_space<vmem>>, %arg2: memref<20x2x128xf32, #tpu.memory_space<vmem>>, %arg3: memref<512x1xf32, #tpu.memory_space<vmem>>, %arg4: memref<1x128xf32, #tpu.memory_space<vmem>>, %arg5: memref<1x128xf32, #tpu.memory_space<vmem>>, %arg6: memref<128x128xf32, #tpu.memory_space<vmem>>, %arg7: memref<512x128xf32, #tpu.memory_space<vmem>>) attributes {dimension_semantics = [#tpu.dimension_semantics<arbitrary>], iteration_bounds = array<i64: 20>, scalar_prefetch = 0 : i64, scratch_operands = 0 : i64, tpu.core_type = #tpu.core_type<tc>, window_params = [{transform_indices = @transform_0, window_bounds = array<i64: 512, 128>}, {pipeline_mode = #tpu.pipeline_mode<synchronous>, transform_indices = @transform_1, window_bounds = array<i64: 20, 2, 128>}, {transform_indices = @transform_2, window_bounds = array<i64: 512, 1>}, {pipeline_mode = #tpu.pipeline_mode<synchronous>, transform_indices = @transform_3, window_bounds = array<i64: 1, 128>}, {pipeline_mode = #tpu.pipeline_mode<synchronous>, transform_indices = @transform_4, window_bounds = array<i64: 1, 128>}, {pipeline_mode = #tpu.pipeline_mode<synchronous>, transform_indices = @transform_5, window_bounds = array<i64: 128, 128>}, {transform_indices = @transform_6, window_bounds = array<i64: 512, 128>}]} {
    %get3A = arith.constant 0 : index
    %get3A_0 = arith.constant 0 : index
    %get3A_1 = arith.constant 0 : index
    %get3A_2 = vector.load %arg2[%get3A, %get3A_0, %get3A_1] : memref<20x2x128xf32, #tpu.memory_space<vmem>>, vector<20x2x128xf32>
    %reduce_sum3A = arith.constant dense<0.000000e+00> : vector<2x128xf32>
    %reduce_sum3A_3 = vector.multi_reduction <add>, %get3A_2, %reduce_sum3A [0] : vector<20x2x128xf32> to vector<2x128xf32>
    %slice3A = vector.extract_strided_slice %reduce_sum3A_3 {offsets = [0, 0], sizes = [1, 128], strides = [1, 1]} : vector<2x128xf32> to vector<1x128xf32>
    %squeeze3A = vector.shape_cast %slice3A : vector<1x128xf32> to vector<128xf32>
    %div3A = arith.constant 1.000000e+04 : f32
    %div3A_4 = vector.broadcast %div3A : f32 to vector<128xf32>
    %div3A_5 = arith.divf %squeeze3A, %div3A_4 : vector<128xf32>
    %slice3A_6 = vector.extract_strided_slice %reduce_sum3A_3 {offsets = [1, 0], sizes = [1, 128], strides = [1, 1]} : vector<2x128xf32> to vector<1x128xf32>
    %squeeze3A_7 = vector.shape_cast %slice3A_6 : vector<1x128xf32> to vector<128xf32>
    %div3A_8 = arith.constant 1.000000e+04 : f32
    %div3A_9 = vector.broadcast %div3A_8 : f32 to vector<128xf32>
    %div3A_10 = arith.divf %squeeze3A_7, %div3A_9 : vector<128xf32>
    %mul3A = arith.mulf %div3A_5, %div3A_5 : vector<128xf32>
    %sub3A = arith.subf %div3A_10, %mul3A : vector<128xf32>
    %add3A = arith.constant 9.99999974E-6 : f32
    %add3A_11 = vector.broadcast %add3A : f32 to vector<128xf32>
    %add3A_12 = arith.addf %sub3A, %add3A_11 : vector<128xf32>
    %rsqrt3A = math.rsqrt %add3A_12 : vector<128xf32>
    %get3A_13 = arith.constant 0 : index
    %get3A_14 = arith.constant 0 : index
    %get3A_15 = vector.load %arg1[%get3A_13, %get3A_14] : memref<512x128xf32, #tpu.memory_space<vmem>>, vector<512x128xf32>
    %broadcast_in_dim3A = vector.shape_cast %div3A_5 : vector<128xf32> to vector<1x128xf32>
    %sub3A_16 = vector.broadcast %broadcast_in_dim3A : vector<1x128xf32> to vector<512x128xf32>
    %sub3A_17 = arith.subf %get3A_15, %sub3A_16 : vector<512x128xf32>
    %broadcast_in_dim3A_18 = vector.shape_cast %rsqrt3A : vector<128xf32> to vector<1x128xf32>
    %mul3A_19 = vector.broadcast %broadcast_in_dim3A_18 : vector<1x128xf32> to vector<512x128xf32>
    %mul3A_20 = arith.mulf %sub3A_17, %mul3A_19 : vector<512x128xf32>
    %get3A_21 = arith.constant 0 : index
    %get3A_22 = arith.constant 0 : index
    %get3A_23 = vector.load %arg4[%get3A_21, %get3A_22] : memref<1x128xf32, #tpu.memory_space<vmem>>, vector<1x128xf32>
    %mul3A_24 = vector.broadcast %get3A_23 : vector<1x128xf32> to vector<512x128xf32>
    %mul3A_25 = arith.mulf %mul3A_20, %mul3A_24 : vector<512x128xf32>
    %get3A_26 = arith.constant 0 : index
    %get3A_27 = arith.constant 0 : index
    %get3A_28 = vector.load %arg5[%get3A_26, %get3A_27] : memref<1x128xf32, #tpu.memory_space<vmem>>, vector<1x128xf32>
    %add3A_29 = vector.broadcast %get3A_28 : vector<1x128xf32> to vector<512x128xf32>
    %add3A_30 = arith.addf %mul3A_25, %add3A_29 : vector<512x128xf32>
    %max3A = arith.constant 0.000000e+00 : f32
    %max3A_31 = vector.broadcast %max3A : f32 to vector<512x128xf32>
    %max3A_32 = arith.maximumf %add3A_30, %max3A_31 : vector<512x128xf32>
    %mul3A_33 = arith.constant 512 : i32
    %mul3A_34 = arith.muli %arg0, %mul3A_33 : i32
    %iota3A = tpu.iota {dimensions = array<i32: 0>} : vector<512x1xi32>
    %add3A_35 = vector.broadcast %mul3A_34 : i32 to vector<512x1xi32>
    %add3A_36 = arith.addi %add3A_35, %iota3A : vector<512x1xi32>
    %lt3A = arith.constant 10000 : i32
    %lt3A_37 = vector.broadcast %lt3A : i32 to vector<512x1xi32>
    %lt3A_38 = arith.cmpi slt, %add3A_36, %lt3A_37 : vector<512x1xi32>
    %jit3A = arith.constant 0.000000e+00 : f32
    %broadcast_in_dim3A_39 = vector.shape_cast %lt3A_38 : vector<512x1xi1> to vector<512x1xi1>
    %broadcast_in_dim3A_40 = vector.broadcast %broadcast_in_dim3A_39 : vector<512x1xi1> to vector<512x128xi1>
    %broadcast_in_dim3A_41 = vector.broadcast %jit3A : f32 to vector<512x128xf32>
    %select_n3A = arith.select %broadcast_in_dim3A_40, %max3A_32, %broadcast_in_dim3A_41 : vector<512x128xi1>, vector<512x128xf32>
    %get3A_42 = arith.constant 0 : index
    %get3A_43 = arith.constant 0 : index
    %get3A_44 = vector.load %arg6[%get3A_42, %get3A_43] : memref<128x128xf32, #tpu.memory_space<vmem>>, vector<128x128xf32>
    %dot_general3A = arith.constant dense<0.000000e+00> : vector<512x128xf32>
    %dot_general3A_45 = tpu.matmul %select_n3A, %get3A_44, %dot_general3A {dimension_numbers = #tpu.dot_dimension_numbers<[1], [0], [0], [1], [0, 0, 1, 1], [], []>, transpose_lhs_hint = false} : vector<512x128xf32>, vector<128x128xf32>, vector<512x128xf32> -> vector<512x128xf32>
    %get3A_46 = arith.constant 0 : index
    %get3A_47 = arith.constant 0 : index
    %get3A_48 = vector.load %arg3[%get3A_46, %get3A_47] : memref<512x1xf32, #tpu.memory_space<vmem>>, vector<512x1xf32>
    %mul3A_49 = vector.broadcast %get3A_48 : vector<512x1xf32> to vector<512x128xf32>
    %mul3A_50 = arith.mulf %dot_general3A_45, %mul3A_49 : vector<512x128xf32>
    %swap3A = arith.constant 0 : index
    %swap3A_51 = arith.constant 0 : index
    %swap3A_52 = vector.load %arg7[%swap3A, %swap3A_51] : memref<512x128xf32, #tpu.memory_space<vmem>>, vector<512x128xf32>
    tpu.vector_store %arg7[%swap3A, %swap3A_51], %mul3A_50 {strides = array<i32>} : memref<512x128xf32, #tpu.memory_space<vmem>>, vector<512x128xf32>,
    return
  }
  func.func @transform_0(%arg0: i32) -> (i32, i32) {
    %c0_i32 = arith.constant 0 : i32
    %c0_i32_0 = arith.constant 0 : i32
    return %arg0, %c0_i32 : i32, i32
  }
  func.func @transform_1(%arg0: i32) -> (i32, i32, i32) {
    %c0_i32 = arith.constant 0 : i32
    %c0_i32_0 = arith.constant 0 : i32
    %c0_i32_1 = arith.constant 0 : i32
    %c0_i32_2 = arith.constant 0 : i32
    return %c0_i32, %c0_i32_0, %c0_i32_1 : i32, i32, i32
  }
  func.func @transform_2(%arg0: i32) -> (i32, i32) {
    %c0_i32 = arith.constant 0 : i32
    %c0_i32_0 = arith.constant 0 : i32
    return %arg0, %c0_i32 : i32, i32
  }
  func.func @transform_3(%arg0: i32) -> (i32, i32) {
    %c0_i32 = arith.constant 0 : i32
    %c0_i32_0 = arith.constant 0 : i32
    %c0_i32_1 = arith.constant 0 : i32
    return %c0_i32, %c0_i32_0 : i32, i32
  }
  func.func @transform_4(%arg0: i32) -> (i32, i32) {
    %c0_i32 = arith.constant 0 : i32
    %c0_i32_0 = arith.constant 0 : i32
    %c0_i32_1 = arith.constant 0 : i32
    return %c0_i32, %c0_i32_0 : i32, i32
  }
  func.func @transform_5(%arg0: i32) -> (i32, i32) {
    %c0_i32 = arith.constant 0 : i32
    %c0_i32_0 = arith.constant 0 : i32
    %c0_i32_1 = arith.constant 0 : i32
    return %c0_i32, %c0_i32_0 : i32, i32
  }
  func.func @transform_6(%arg0: i32) -> (i32, i32) {
    %c0_i32 = arith.constant 0 : i32
    %c0_i32_0 = arith.constant 0 : i32
    return %arg0, %c0_i32 : i32, i32
  }
}

module attributes {stable_mosaic.version = 14 : i64} {
  func.func @_tc3_body(%arg0: i32, %arg1: memref<1000x128xf32, #tpu.memory_space<vmem>>, %arg2: memref<1000x128xf32, #tpu.memory_space<vmem>>, %arg3: memref<1000x128xf32, #tpu.memory_space<vmem>>, %arg4: memref<1000x1xf32, #tpu.memory_space<vmem>>, %arg5: memref<1x128xf32, #tpu.memory_space<vmem>>, %arg6: memref<1000x128xf32, #tpu.memory_space<vmem>>) attributes {dimension_semantics = [#tpu.dimension_semantics<arbitrary>], iteration_bounds = array<i64: 10>, scalar_prefetch = 0 : i64, scratch_operands = 0 : i64, tpu.core_type = #tpu.core_type<tc>, window_params = [{transform_indices = @transform_0, window_bounds = array<i64: 1000, 128>}, {transform_indices = @transform_1, window_bounds = array<i64: 1000, 128>}, {transform_indices = @transform_2, window_bounds = array<i64: 1000, 128>}, {transform_indices = @transform_3, window_bounds = array<i64: 1000, 1>}, {pipeline_mode = #tpu.pipeline_mode<synchronous>, transform_indices = @transform_4, window_bounds = array<i64: 1, 128>}, {transform_indices = @transform_5, window_bounds = array<i64: 1000, 128>}]} {
    %get3A = arith.constant 0 : index
    %get3A_0 = arith.constant 0 : index
    %get3A_1 = vector.load %arg4[%get3A, %get3A_0] : memref<1000x1xf32, #tpu.memory_space<vmem>>, vector<1000x1xf32>
    %get3A_2 = arith.constant 0 : index
    %get3A_3 = arith.constant 0 : index
    %get3A_4 = vector.load %arg1[%get3A_2, %get3A_3] : memref<1000x128xf32, #tpu.memory_space<vmem>>, vector<1000x128xf32>
    %get3A_5 = arith.constant 0 : index
    %get3A_6 = arith.constant 0 : index
    %get3A_7 = vector.load %arg2[%get3A_5, %get3A_6] : memref<1000x128xf32, #tpu.memory_space<vmem>>, vector<1000x128xf32>
    %add3A = arith.addf %get3A_4, %get3A_7 : vector<1000x128xf32>
    %get3A_8 = arith.constant 0 : index
    %get3A_9 = arith.constant 0 : index
    %get3A_10 = vector.load %arg3[%get3A_8, %get3A_9] : memref<1000x128xf32, #tpu.memory_space<vmem>>, vector<1000x128xf32>
    %add3A_11 = arith.addf %add3A, %get3A_10 : vector<1000x128xf32>
    %mul3A = vector.broadcast %get3A_1 : vector<1000x1xf32> to vector<1000x128xf32>
    %mul3A_12 = arith.mulf %mul3A, %add3A_11 : vector<1000x128xf32>
    %get3A_13 = arith.constant 0 : index
    %get3A_14 = arith.constant 0 : index
    %get3A_15 = vector.load %arg5[%get3A_13, %get3A_14] : memref<1x128xf32, #tpu.memory_space<vmem>>, vector<1x128xf32>
    %add3A_16 = vector.broadcast %get3A_15 : vector<1x128xf32> to vector<1000x128xf32>
    %add3A_17 = arith.addf %mul3A_12, %add3A_16 : vector<1000x128xf32>
    %swap3A = arith.constant 0 : index
    %swap3A_18 = arith.constant 0 : index
    %swap3A_19 = vector.load %arg6[%swap3A, %swap3A_18] : memref<1000x128xf32, #tpu.memory_space<vmem>>, vector<1000x128xf32>
    tpu.vector_store %arg6[%swap3A, %swap3A_18], %add3A_17 {strides = array<i32>} : memref<1000x128xf32, #tpu.memory_space<vmem>>, vector<1000x128xf32>,
    return
  }
  func.func @transform_0(%arg0: i32) -> (i32, i32) {
    %c0_i32 = arith.constant 0 : i32
    %c0_i32_0 = arith.constant 0 : i32
    return %arg0, %c0_i32 : i32, i32
  }
  func.func @transform_1(%arg0: i32) -> (i32, i32) {
    %c0_i32 = arith.constant 0 : i32
    %c0_i32_0 = arith.constant 0 : i32
    return %arg0, %c0_i32 : i32, i32
  }
  func.func @transform_2(%arg0: i32) -> (i32, i32) {
    %c0_i32 = arith.constant 0 : i32
    %c0_i32_0 = arith.constant 0 : i32
    return %arg0, %c0_i32 : i32, i32
  }
  func.func @transform_3(%arg0: i32) -> (i32, i32) {
    %c0_i32 = arith.constant 0 : i32
    %c0_i32_0 = arith.constant 0 : i32
    return %arg0, %c0_i32 : i32, i32
  }
  func.func @transform_4(%arg0: i32) -> (i32, i32) {
    %c0_i32 = arith.constant 0 : i32
    %c0_i32_0 = arith.constant 0 : i32
    %c0_i32_1 = arith.constant 0 : i32
    return %c0_i32, %c0_i32_0 : i32, i32
  }
  func.func @transform_5(%arg0: i32) -> (i32, i32) {
    %c0_i32 = arith.constant 0 : i32
    %c0_i32_0 = arith.constant 0 : i32
    return %arg0, %c0_i32 : i32, i32
  }
}

</mosaic_0001>

<sc_bundles>
// kernel: kernel.10.cloned.1.call-start
scs
__scs_entry_jumppad:
0x0: {  	(pc) =	sbr.rel $0x88, $3  }
0x1: {  	(tag) =	ssettag $0x0;
	lr =	simm.s32 $0x1  }
0x2: {  	[smem:$0x3F99] =	sst lr;
	_ =	strace $0xD0000000  }
0x3: {  	_ = 	snop  }
0x4: {  	_ = 	snop  }
0x5: {  	_ = 	snop  }
0x6: {  	_ = 	snop  }
0x7: {  	_ = 	snop  }
__scs_overlays_trampoline_lowered:
0x8: {  	[smem:$0x3FA8] =	sst s0  }
0x9: {  	[smem:$0x3FA9] =	sst s1  }
0xa: {  	[smem:$0x3FAA] =	sst s2  }
0xb: {  	[smem:$0x3FAB] =	sst s3  }
0xc: {  	[smem:$0x3FAC] =	sst s4  }
0xd: {  	[smem:$0x3FAD] =	sst s5  }
0xe: {  	[smem:$0x3FAE] =	sst s6  }
0xf: {  	[smem:$0x3FAF] =	sst s7  }
0x10: {  	[smem:$0x3FB0] =	sst s8  }
0x11: {  	[smem:$0x3FB1] =	sst s9;
	s0 =	simm.s32 @!p0 $0x0  }
0x12: {  	s1 =	sld [smem:$0x3F97];
	s0 =	simm.s32 @p0 $0x1  }
0x13: {  	[smem:$0x3FB2] =	sst s0;
	s0 =	simm.s32 @!p1 $0x0  }
0x14: {  	s2 =	sld [smem:$0x3F96];
	s0 =	simm.s32 @p1 $0x1  }
0x15: {  	[smem:$0x3FB3] =	sst s0;
	s0 =	simm.s32 @!p2 $0x0  }
0x16: {  	s3 =	sld [smem:$0x3FDB];
	s0 =	simm.s32 @p2 $0x1  }
0x17: {  	s4 =	simm.s32 $0x1BF5;
	[smem:$0x3FB5] =	sst s0  }
0x18: {  	s0 =	sld [smem:$0x3F98];
	_ =	swait.ge [sflag:s4], $0x0  }
0x19: {  	s7 =	sld [smem:$0x3F99]  }
0x1a: {  	s8 =	sadd.s32 $0xFFFFE003, lr  }
0x1b: {  	s9 =	sadd.s32 $0xFFFFFEF7, lr;
	s5 =	simm.s32 $0xFFFFFFFF;
	p2 =	slt.u32 s8, $0xFFFFF086  }
0x1c: {  	p1 =	slt.u32 s9, $0xF7A;
	s5 =	simm.s32 @!p2 $0x0  }
0x1d: {  	s5 =	simm.s32 @p1 $0x1;
	p0 =	seq.s32 s7, s2  }
0x1e: {  	s7 =	smul.u32 @!p0 $0xF7A, s2;
	p2 =	seq.s32 @!p0 s5, $0x0  }
0x1f: {  	s9 =	smul.u32 $0xF7A, s1;
	s8 =	simm.s32 @!p0 $0x1BF5;
	p2 =	por !p2, p0  }
0x20: {  	[sflag:s8] =	ssyncset.s32 @!p0 $0xFFFFF086;
	s6 =	sadd.s32 @!p0 s3, s7;
	s7 =	simm.s32 @!p0 $0x108  }
0x21: {  	s3 =	sadd.s32 s3, s9;
	s6 =	sadd.s32 @!p0 $0x88, s6;
	s7 =	simm.s32 @p2 $0x1082  }
0x22: {  	[simem:s7], [sflag:s8] =	dma.local @!p0 [hbm:s6], $0xF7A  }
0x23: {  	s9 =	sor.u32 $0xD0000000, s2;
	s6 =	simm.s32 $0x108;
	_ =	swait.ge @!p0 [sflag:s8], $0x0  }
0x24: {  	s3 =	sadd.s32 $0x88, s3;
	s6 =	simm.s32 @!p1 $0x1082;
	[sflag:s4] =	ssyncset.s32 $0xFFFFF086  }
0x25: {  	[simem:s6], [sflag:s4] =	dma.local [hbm:s3], $0xF7A  }
0x26: {  	[smem:$0x3F99] =	sst s1;
	(tag) =	ssettag s2;
	_ =	strace s9  }
0x27: {  	s1 =	sld [smem:$0x3FA9]  }
0x28: {  	s2 =	sld [smem:$0x3FAA]  }
0x29: {  	s4 =	sld [smem:$0x3FAC]  }
0x2a: {  	p0 =	seq.s32 s5, $0x0;
	s5 =	sld [smem:$0x3FAD]  }
0x2b: {  	s6 =	sld [smem:$0x3FAE]  }
0x2c: {  	s7 =	sld [smem:$0x3FAF]  }
0x2d: {  	s3 =	simm.s32 $0x108;
	s8 =	sld [smem:$0x3FB0]  }
0x2e: {  	s3 =	simm.s32 @!p0 $0x1082;
	s9 =	sld [smem:$0x3FB1]  }
0x2f: {  	lr =	sadd.s32 s0, s3;
	s0 =	sld [smem:$0x3FA8]  }
0x30: {  	s3 =	sld [smem:$0x3FAB]  }
0x31: {  	[smem:$0x3FB4] =	sst s10  }
0x32: {  	s10 =	sld [smem:$0x3FB2];
	_ =	sdelay $0x3  }
0x33: {  	p0 =	seq.s32 s10, $0x1;
	s10 =	sld [smem:$0x3FB4];
	_ =	sdelay $0x3  }
0x34: {  	[smem:$0x3FB4] =	sst s10  }
0x35: {  	s10 =	sld [smem:$0x3FB3];
	_ =	sdelay $0x3  }
0x36: {  	p1 =	seq.s32 s10, $0x1;
	s10 =	sld [smem:$0x3FB4];
	_ =	sdelay $0x3  }
0x37: {  	[smem:$0x3FB4] =	sst s10  }
0x38: {  	s10 =	sld [smem:$0x3FB5]  }
0x39: {  	_ = 	snop;
	(pc) =	sbr.ind lr, $3  }
0x3a: {  	_ = 	snop  }
0x3b: {  	_ = 	snop  }
0x3c: {  	p2 =	seq.s32 s10, $0x1;
	s10 =	sld [smem:$0x3FB4]  }
0x3d: {  	_ =	shalt  }
0x3e: {  	_ =	shalt  }
0x3f: {  	_ =	shalt  }
0x40: {  	_ =	shalt  }
0x41: {  	_ =	shalt  }
0x42: {  	_ =	shalt  }
0x43: {  	_ =	shalt  }
0x44: {  	_ =	shalt  }
0x45: {  	_ =	shalt  }
0x46: {  	_ =	shalt  }
0x47: {  	_ =	shalt  }
0x48: {  	_ =	shalt  }
0x49: {  	_ =	shalt  }
0x4a: {  	_ =	shalt  }
0x4b: {  	_ =	shalt  }
0x4c: {  	_ =	shalt  }
0x4d: {  	_ =	shalt  }
0x4e: {  	_ =	shalt  }
0x4f: {  	_ =	shalt  }
0x50: {  	_ =	shalt  }
0x51: {  	_ =	shalt  }
0x52: {  	_ =	shalt  }
0x53: {  	_ =	shalt  }
0x54: {  	_ =	shalt  }
0x55: {  	_ =	shalt  }
0x56: {  	_ =	shalt  }
0x57: {  	_ =	shalt  }
0x58: {  	_ =	shalt  }
0x59: {  	_ =	shalt  }
0x5a: {  	_ =	shalt  }
0x5b: {  	_ =	shalt  }
0x5c: {  	_ =	shalt  }
0x5d: {  	_ =	shalt  }
0x5e: {  	_ =	shalt  }
0x5f: {  	_ =	shalt  }
0x60: {  	_ =	shalt  }
0x61: {  	_ =	shalt  }
0x62: {  	_ =	shalt  }
0x63: {  	_ =	shalt  }
0x64: {  	_ =	shalt  }
0x65: {  	_ =	shalt  }
0x66: {  	_ =	shalt  }
0x67: {  	_ =	shalt  }
0x68: {  	_ =	shalt  }
0x69: {  	_ =	shalt  }
0x6a: {  	_ =	shalt  }
0x6b: {  	_ =	shalt  }
0x6c: {  	_ =	shalt  }
0x6d: {  	_ =	shalt  }
0x6e: {  	_ =	shalt  }
0x6f: {  	_ =	shalt  }
0x70: {  	_ =	shalt  }
0x71: {  	_ =	shalt  }
0x72: {  	_ =	shalt  }
0x73: {  	_ =	shalt  }
0x74: {  	_ =	shalt  }
0x75: {  	_ =	shalt  }
0x76: {  	_ =	shalt  }
0x77: {  	_ =	shalt  }
0x78: {  	_ =	shalt  }
0x79: {  	_ =	shalt  }
0x7a: {  	_ =	shalt  }
0x7b: {  	_ =	shalt  }
0x7c: {  	_ =	shalt  }
0x7d: {  	_ =	shalt  }
0x7e: {  	_ =	shalt  }
0x7f: {  	_ =	shalt  }
0x80: {  	_ =	shalt  }
0x81: {  	_ =	shalt  }
0x82: {  	_ =	shalt  }
0x83: {  	_ =	shalt  }
0x84: {  	_ =	shalt  }
0x85: {  	_ =	shalt  }
0x86: {  	_ =	shalt  }
0x87: {  	_ =	shalt  }
.Lfunc_end0:
.L_simem_size_0:
called_computation_lowered:
.L_overlay_start_0:
0x88: {  	s2 =	sld [smem:$0x3FD9]  }
0x89: {  	s3 =	sld [smem:$0x3FFE];
	_ =	sdelay $0x1  }
0x8a: {  	s1 =	srdreg.scid  }
0x8b: {  	s0 =	sand.u32 $0x1, s1  }
0x8c: {  	s16 =	sshll.u32 s0, $0xA;
	s2 =	sadd.s32 s3, s2  }
0x8d: {  	s2 =	sadd.s32 s2, s16  }
0x8e: {  	[smem:$0x3FC0] =	sst s2  }
0x8f: {  	_ = 	snop  }
0x90: {  	(tm) =	ssettm $0x1  }
0x91: {  	s17 =	sld [smem:$0x3FFB];
	_ =	sdelay $0x3  }
0x92: {  	_ =	strace s17  }
0x93: {  	s2 =	sld [smem:$0x3FFC];
	_ =	sdelay $0x3  }
0x94: {  	_ =	strace s2  }
0x95: {  	s2 =	sld [smem:$0x3FFD];
	_ =	sdelay $0x3  }
0x96: {  	_ =	strace s2  }
0x97: {  	_ =	strace $0x8FFFFFFF  }
0x98: {  	s18 =	sld [smem:$0x3FDB];
	_ =	sdelay $0x1  }
0x99: {  	s19 =	simm.s32 $_scs_section_size  }
0x9a: {  	s4 =	simm.s32 $_size__tile_overlayer_lowered;
	s5 =	simm.s32 $_tile_overlayer_lowered  }
0x9b: {  	s22 =	simm.s32 $0x1BFF;
	s21 =	sshll.u32 s5, $0x1;
	s2 =	sadd.s32 s19, s18  }
0x9c: {  	s6 =	simm.s32 $0x0;
	s20 =	sshll.u32 s4, $0x1;
	s4 =	sadd.s32 s21, s2  }
0x9d: {  	[timem:s6], [sflag:s22] =	dma.local [hbm:s4], s20  }
0x9e: {  	_ =	swait.ge [sflag:s22], s20  }
0x9f: {  	s3 =	ssub.s32 $0x0, s20;
	[sflag:s22] =	ssyncset.done $0x0  }
0xa0: {  	[sflag:s22] =	ssyncadd.s32 s3;
	_ =	sdelay $0x1  }
0xa1: {  	s23 =	simm.s32 $0x1B8B  }
0xa2: {  	_ =	swait.ge [sflag:s23], $0x1  }
0xa3: {  	[sflag:s23] =	ssyncset.done $0x0  }
0xa4: {  	s25 =	simm.s32 $0x1B8E;
	s24 =	sld [smem:$0x3FFE];
	[sflag:s23] =	ssyncadd.s32 $0xFFFFFFFF  }
0xa5: {  	s26 =	simm.s32 $execute0_lowered;
	[smem:$0x3FD2] =	sst s25  }
0xa6: {  	s4 =	sshll.u32 s26, $0x1;
	_ =	strace $0x80000046;
	[dreg:$0x1] =	wrdreg $0xFFFFFFFF  }
0xa7: {  	s28 =	simm.s32 $_size_execute0_lowered;
	s2 =	sadd.s32 s2, s4;
	[dreg:$0x0] =	wrdreg $0x0  }
0xa8: {  	s4 =	sshll.u32 s28, $0x1;
	[dreg:$0x2] =	wrdreg s2  }
0xa9: {  	[dreg:$0x3] =	wrdreg s4  }
0xaa: {  	[dreg:$0x4] =	wrdreg $0xC0  }
0xab: {  	_ =	task [dreg:s6], $0x5FFFF  }
0xac: {  	[dreg:$0x1] =	wrdreg $0xFFFFFFFF  }
0xad: {  	[dreg:$0x0] =	wrdreg $0x60  }
0xae: {  	[dreg:$0x2] =	wrdreg s24  }
0xaf: {  	[dreg:$0x3] =	wrdreg $0x9  }
0xb0: {  	_ =	task.clear_ibuf [dreg:s6], $0x4FFFF;
	_ =	strace $0x90000046  }
0xb1: {  	s29 =	simm.s32 $0x9;
	_ =	strace $0x80000048  }
0xb2: {  	_ =	swait.ge [sflag:s29], $0x1  }
0xb3: {  	[sflag:s29] =	ssyncadd.s32 $0xFFFFFFFF  }
0xb4: {  	_ =	strace $0x90000048  }
0xb5: {  	_ =	sfence  }
0xb6: {  	s30 =	sld [smem:$0x0];
	_ =	sdelay $0x2  }
0xb7: {  	s31 =	sshll.u32 s1, $0xD;
	s1 =	sshrl.u32 s1, $0x2  }
0xb8: {  	s3 =	sand.u32 $0x4000, s31;
	s1 =	sadd.s32 s1, s30  }
0xb9: {  	s0 =	sor.u32 s3, s0;
	s1 =	sshll.u32 s1, $0x11  }
0xba: {  	s0 =	sor.u32 s1, s0  }
0xbb: {  	s0 =	sadd.s32 $0x8F2B, s0  }
0xbc: {  	[sflag:s0] =	ssyncadd.remote.s32 $0x1  }
0xbd: {  	_ =	sfence.sel $0xFFFF  }
0xbe: {  	[dreg:$0x0] =	wrdreg $0xFFFFFFFF;
	(pc) =	sbr.abs _section_cstart, $3  }
0xbf: {  	[dreg:$0x1] =	wrdreg $0xFFFFFFFF  }
0xc0: {  	_ =	task.clear_ibuf [dreg:s6], $0x2FFFF;
	_ =	strace $0x9FFFFFFF  }
0xc1: {  	(tm) =	ssettm $0x7FFFFFFF  }
tec
execute0_lowered:
.L_overlay_start_1:
0x0: {  	(tag) =	ssettag $0x1  }
0x1: {  	s1 =	srdreg.scid  }
0x2: {  	s0 =	stileid.u32;
	s5 =	rddreg [dreg:$0x0]  }
0x3: {  	s2 =	simm.s32 $0x0;
	s8 =	simm.s32 $0x80;
	s9 =	simm.s32 $0x400  }
0x4: {  	s10 =	simm.s32 $0x0;
	s3 =	sand.u32 $0x1, s1;
	s29 =	sshll.u32 s0, $0x1  }
0x5: {  	s30 =	sshrl.u32 s0, $0x2;
	s1 =	rddreg [dreg:$0x1];
	s4 =	sor.u32 s3, s29  }
0x6: {  	[smem:$0x7FF] =	sst s2;
	s6 =	smul.u32 $0x14000, s30;
	s7 =	sshll.u32 s4, $0x7  }
0x7: {  	s3 =	ssub.s32 $0x2, s3;
	s4 =	smul.u32 $0x500, s4;
	s7 =	sand.u32 $0x380, s7  }
0x8: {  	_ =	strace $0x80000047;
	s31 =	sshrl.u32 s3, $0x1;
	s6 =	sor.u32 s6, s7  }
0x9: {  	s4 =	sadd.s32 s4, s5;
	s7 =	simm.s32 $0x1;
	s6 =	sshrl.u32 s6, $0x3  }
0xa: {  	s5 =	sadd.s32 s6, s5;
	s6 =	ssub.s32 s3, s31;
	s3 =	sadd.s32 $0x3C00, s4  }
0xb: {  	v0 =	vimm.f32 $0.0e+00;
	v1 =	vimm.f32 $1.000000000e+00;
	s4 =	sadd.s32 $0xDC00, s5;
	s5 =	smax.u32 s6, $0x1;
	s6 =	simm.s32 $0x2800  }
.LBB2_1:
0xc: {  	s11 =	simm.s32 $0x40;
	s12 =	simm.s32 $0x0  }
.LBB2_2:
0xd: {  	p0 =	sne.s32 s11, $0x9FC0;
	[tilespmem:s12+$0x0] =	vst v0;
	s12 =	smov.u32 s11;
	s11 =	sadd.s32 $0x40, s11  }
.Ltmp0:
0xe: {  	(pc) =	sbr.rel @p0 .LBB2_2-.Ltmp0, $2  }
0xf: {  	_ =	sdelay $0x2  }
0x10: {  	s12 =	sshra.s32 s12, $0x2  }
0x11: {  	[tilespmem:s12+$0x0] =	vst v0;
	s11 =	simm.s32 $0x0  }
0x12: {  	[tilespmem:s6], [sflag:$0x1] =	stream.linear.gather [hbm4b:s3+s11], $0x2800, $0x38;
	[tilespmem:$0x5000] =	vst v63  }
0x13: {  	_ =	swait.ge [sflag:s7], $0x2800  }
0x14: {  	[sflag:s7] =	ssyncset.done $0x0  }
0x15: {  	s12 =	simm.s32 $0x0;
	s11 =	simm.s32 $0x40;
	[sflag:s7] =	ssyncadd.s32 $0xFFFFD800  }
.LBB2_4:
0x16: {  	p0 =	sne.s32 s11, $0x9FC0;
	v2 =	vld [tilespmem:s12+$0x2800];
	_ =	sdelay $0x3  }
.Ltmp1:
0x17: {  	(pc) =	sbr.rel @p0 .LBB2_4-.Ltmp1, $2  }
0x18: {  	_ =	sdelay $0x2  }
0x19: {  	s12 =	sshra.s32 s11, $0x2;
	s11 =	sadd.s32 $0x40, s11;
	[tilespmem:v2+s2+$0x0] =	vst.idx.add.f32.msk $0xffff, v1  }
0x1a: {  	v2 =	vld [tilespmem:s12+$0x2800];
	_ =	sdelay $0x5  }
0x1b: {  	s10 =	sadd.s32 $0x1, s10  }
0x1c: {  	p0 =	sne.s32 s10, s5  }
.Ltmp2:
0x1d: {  	[tilespmem:v2+s2+$0x0] =	vst.idx.add.f32.msk $0xffff, v1;
	(pc) =	sbr.rel @p0 .LBB2_1-.Ltmp2, $4  }
0x1e: {  	[hbm4b:s4+s8] =	stream.strided.scatter [tilespmem:s2], [sflag:$0x1], $0x2800, s9, s8, $0x38;
	[tilespmem:$0x5000] =	vst v63  }
0x1f: {  	_ =	swait.ge [sflag:s7], $0x2800  }
0x20: {  	[sflag:s7] =	ssyncset.done $0x0  }
0x21: {  	[sflag:s7] =	ssyncadd.s32 $0xFFFFD800  }
0x22: {  	_ =	sfence.sel $0x180000  }
0x23: {  	[bflag:$0x0] =	sbarrier.arrive $0xFFFF  }
0x24: {  	p0 =	sne.s32 s0, $0x0;
	_ =	strace $0x90000047  }
0x25: {  	s0 =	sadd.s32 @!p0 $0x100000, s1;
	[bflag:$0x2] =	sbarrier.arrive $0xFFFF  }
0x26: {  	[sflag:s0] =	ssyncadd.tile.s32 @!p0 $0x1;
	_ =	shalt  }
.Lfunc_end2:
_tile_overlayer_lowered:
.L_overlay_start_2:
0x27: {  	(tag) =	ssettag $0x2  }
0x28: {  	s0 =	rddreg [dreg:$0x0];
	s2 =	stileid.u32  }
0x29: {  	s1 =	rddreg [dreg:$0x1];
	p0 =	sne.s32 s2, $0x0  }
0x2a: {  	s3 =	rddreg [dreg:$0x2];
	[bflag:$0x3] =	sbarrier.arrive $0xFFFF;
	s2 =	simm.s32 @!p0 $0x1C01  }
0x2b: {  	[timem:s3], [sflag:s2] =	dma.local @!p0 [hbm:s0], s1  }
0x2c: {  	s0 =	simm.s32 @!p0 $0x1  }
0x2d: {  	_ =	swait.ge @!p0 [sflag:s0], s1  }
0x2e: {  	s1 =	ssub.s32 @!p0 $0x0, s1;
	[sflag:s0] =	ssyncset.done @!p0 $0x0  }
0x2f: {  	[sflag:s0] =	ssyncadd.s32 @!p0 s1  }
0x30: {  	[bflag:$0x3] =	sbarrier.arrive $0xFFFF  }
0x31: {  	_ =	shalt  }

// kernel: kernel.13.cloned.1.call-start
scs
__scs_entry_jumppad:
0x0: {  	(pc) =	sbr.rel $0x88, $3  }
0x1: {  	(tag) =	ssettag $0x0;
	lr =	simm.s32 $0x1  }
0x2: {  	[smem:$0x3F99] =	sst lr;
	_ =	strace $0xD0000000  }
0x3: {  	_ = 	snop  }
0x4: {  	_ = 	snop  }
0x5: {  	_ = 	snop  }
0x6: {  	_ = 	snop  }
0x7: {  	_ = 	snop  }
__scs_overlays_trampoline_lowered:
0x8: {  	[smem:$0x3FA8] =	sst s0  }
0x9: {  	[smem:$0x3FA9] =	sst s1  }
0xa: {  	[smem:$0x3FAA] =	sst s2  }
0xb: {  	[smem:$0x3FAB] =	sst s3  }
0xc: {  	[smem:$0x3FAC] =	sst s4  }
0xd: {  	[smem:$0x3FAD] =	sst s5  }
0xe: {  	[smem:$0x3FAE] =	sst s6  }
0xf: {  	[smem:$0x3FAF] =	sst s7  }
0x10: {  	[smem:$0x3FB0] =	sst s8  }
0x11: {  	[smem:$0x3FB1] =	sst s9;
	s0 =	simm.s32 @!p0 $0x0  }
0x12: {  	s1 =	sld [smem:$0x3F97];
	s0 =	simm.s32 @p0 $0x1  }
0x13: {  	[smem:$0x3FB2] =	sst s0;
	s0 =	simm.s32 @!p1 $0x0  }
0x14: {  	s2 =	sld [smem:$0x3F96];
	s0 =	simm.s32 @p1 $0x1  }
0x15: {  	[smem:$0x3FB3] =	sst s0;
	s0 =	simm.s32 @!p2 $0x0  }
0x16: {  	s3 =	sld [smem:$0x3FDB];
	s0 =	simm.s32 @p2 $0x1  }
0x17: {  	s4 =	simm.s32 $0x1BF5;
	[smem:$0x3FB5] =	sst s0  }
0x18: {  	s0 =	sld [smem:$0x3F98];
	_ =	swait.ge [sflag:s4], $0x0  }
0x19: {  	s7 =	sld [smem:$0x3F99]  }
0x1a: {  	s8 =	sadd.s32 $0xFFFFE003, lr  }
0x1b: {  	s9 =	sadd.s32 $0xFFFFFEF7, lr;
	s5 =	simm.s32 $0xFFFFFFFF;
	p2 =	slt.u32 s8, $0xFFFFF086  }
0x1c: {  	p1 =	slt.u32 s9, $0xF7A;
	s5 =	simm.s32 @!p2 $0x0  }
0x1d: {  	s5 =	simm.s32 @p1 $0x1;
	p0 =	seq.s32 s7, s2  }
0x1e: {  	s7 =	smul.u32 @!p0 $0xF7A, s2;
	p2 =	seq.s32 @!p0 s5, $0x0  }
0x1f: {  	s9 =	smul.u32 $0xF7A, s1;
	s8 =	simm.s32 @!p0 $0x1BF5;
	p2 =	por !p2, p0  }
0x20: {  	[sflag:s8] =	ssyncset.s32 @!p0 $0xFFFFF086;
	s6 =	sadd.s32 @!p0 s3, s7;
	s7 =	simm.s32 @!p0 $0x108  }
0x21: {  	s3 =	sadd.s32 s3, s9;
	s6 =	sadd.s32 @!p0 $0x88, s6;
	s7 =	simm.s32 @p2 $0x1082  }
0x22: {  	[simem:s7], [sflag:s8] =	dma.local @!p0 [hbm:s6], $0xF7A  }
0x23: {  	s9 =	sor.u32 $0xD0000000, s2;
	s6 =	simm.s32 $0x108;
	_ =	swait.ge @!p0 [sflag:s8], $0x0  }
0x24: {  	s3 =	sadd.s32 $0x88, s3;
	s6 =	simm.s32 @!p1 $0x1082;
	[sflag:s4] =	ssyncset.s32 $0xFFFFF086  }
0x25: {  	[simem:s6], [sflag:s4] =	dma.local [hbm:s3], $0xF7A  }
0x26: {  	[smem:$0x3F99] =	sst s1;
	(tag) =	ssettag s2;
	_ =	strace s9  }
0x27: {  	s1 =	sld [smem:$0x3FA9]  }
0x28: {  	s2 =	sld [smem:$0x3FAA]  }
0x29: {  	s4 =	sld [smem:$0x3FAC]  }
0x2a: {  	p0 =	seq.s32 s5, $0x0;
	s5 =	sld [smem:$0x3FAD]  }
0x2b: {  	s6 =	sld [smem:$0x3FAE]  }
0x2c: {  	s7 =	sld [smem:$0x3FAF]  }
0x2d: {  	s3 =	simm.s32 $0x108;
	s8 =	sld [smem:$0x3FB0]  }
0x2e: {  	s3 =	simm.s32 @!p0 $0x1082;
	s9 =	sld [smem:$0x3FB1]  }
0x2f: {  	lr =	sadd.s32 s0, s3;
	s0 =	sld [smem:$0x3FA8]  }
0x30: {  	s3 =	sld [smem:$0x3FAB]  }
0x31: {  	[smem:$0x3FB4] =	sst s10  }
0x32: {  	s10 =	sld [smem:$0x3FB2];
	_ =	sdelay $0x3  }
0x33: {  	p0 =	seq.s32 s10, $0x1;
	s10 =	sld [smem:$0x3FB4];
	_ =	sdelay $0x3  }
0x34: {  	[smem:$0x3FB4] =	sst s10  }
0x35: {  	s10 =	sld [smem:$0x3FB3];
	_ =	sdelay $0x3  }
0x36: {  	p1 =	seq.s32 s10, $0x1;
	s10 =	sld [smem:$0x3FB4];
	_ =	sdelay $0x3  }
0x37: {  	[smem:$0x3FB4] =	sst s10  }
0x38: {  	s10 =	sld [smem:$0x3FB5]  }
0x39: {  	_ = 	snop;
	(pc) =	sbr.ind lr, $3  }
0x3a: {  	_ = 	snop  }
0x3b: {  	_ = 	snop  }
0x3c: {  	p2 =	seq.s32 s10, $0x1;
	s10 =	sld [smem:$0x3FB4]  }
0x3d: {  	_ =	shalt  }
0x3e: {  	_ =	shalt  }
0x3f: {  	_ =	shalt  }
0x40: {  	_ =	shalt  }
0x41: {  	_ =	shalt  }
0x42: {  	_ =	shalt  }
0x43: {  	_ =	shalt  }
0x44: {  	_ =	shalt  }
0x45: {  	_ =	shalt  }
0x46: {  	_ =	shalt  }
0x47: {  	_ =	shalt  }
0x48: {  	_ =	shalt  }
0x49: {  	_ =	shalt  }
0x4a: {  	_ =	shalt  }
0x4b: {  	_ =	shalt  }
0x4c: {  	_ =	shalt  }
0x4d: {  	_ =	shalt  }
0x4e: {  	_ =	shalt  }
0x4f: {  	_ =	shalt  }
0x50: {  	_ =	shalt  }
0x51: {  	_ =	shalt  }
0x52: {  	_ =	shalt  }
0x53: {  	_ =	shalt  }
0x54: {  	_ =	shalt  }
0x55: {  	_ =	shalt  }
0x56: {  	_ =	shalt  }
0x57: {  	_ =	shalt  }
0x58: {  	_ =	shalt  }
0x59: {  	_ =	shalt  }
0x5a: {  	_ =	shalt  }
0x5b: {  	_ =	shalt  }
0x5c: {  	_ =	shalt  }
0x5d: {  	_ =	shalt  }
0x5e: {  	_ =	shalt  }
0x5f: {  	_ =	shalt  }
0x60: {  	_ =	shalt  }
0x61: {  	_ =	shalt  }
0x62: {  	_ =	shalt  }
0x63: {  	_ =	shalt  }
0x64: {  	_ =	shalt  }
0x65: {  	_ =	shalt  }
0x66: {  	_ =	shalt  }
0x67: {  	_ =	shalt  }
0x68: {  	_ =	shalt  }
0x69: {  	_ =	shalt  }
0x6a: {  	_ =	shalt  }
0x6b: {  	_ =	shalt  }
0x6c: {  	_ =	shalt  }
0x6d: {  	_ =	shalt  }
0x6e: {  	_ =	shalt  }
0x6f: {  	_ =	shalt  }
0x70: {  	_ =	shalt  }
0x71: {  	_ =	shalt  }
0x72: {  	_ =	shalt  }
0x73: {  	_ =	shalt  }
0x74: {  	_ =	shalt  }
0x75: {  	_ =	shalt  }
0x76: {  	_ =	shalt  }
0x77: {  	_ =	shalt  }
0x78: {  	_ =	shalt  }
0x79: {  	_ =	shalt  }
0x7a: {  	_ =	shalt  }
0x7b: {  	_ =	shalt  }
0x7c: {  	_ =	shalt  }
0x7d: {  	_ =	shalt  }
0x7e: {  	_ =	shalt  }
0x7f: {  	_ =	shalt  }
0x80: {  	_ =	shalt  }
0x81: {  	_ =	shalt  }
0x82: {  	_ =	shalt  }
0x83: {  	_ =	shalt  }
0x84: {  	_ =	shalt  }
0x85: {  	_ =	shalt  }
0x86: {  	_ =	shalt  }
0x87: {  	_ =	shalt  }
.Lfunc_end0:
.L_simem_size_0:
called_computation.1_lowered:
.L_overlay_start_0:
0x88: {  	s2 =	sld [smem:$0x3FD9]  }
0x89: {  	s3 =	sld [smem:$0x3FFE];
	_ =	sdelay $0x1  }
0x8a: {  	s1 =	srdreg.scid  }
0x8b: {  	s0 =	sand.u32 $0x1, s1  }
0x8c: {  	s17 =	sshll.u32 s0, $0xA;
	s2 =	sadd.s32 s3, s2  }
0x8d: {  	s2 =	sadd.s32 s2, s17  }
0x8e: {  	[smem:$0x3FC0] =	sst s2  }
0x8f: {  	_ = 	snop  }
0x90: {  	s2 =	sld [smem:$0x3FD0];
	(tm) =	ssettm $0x1  }
0x91: {  	s18 =	sld [smem:$0x3FFB];
	_ =	sdelay $0x3  }
0x92: {  	_ =	strace s18  }
0x93: {  	s3 =	sld [smem:$0x3FFC];
	_ =	sdelay $0x3  }
0x94: {  	_ =	strace s3  }
0x95: {  	s3 =	sld [smem:$0x3FFD];
	_ =	sdelay $0x3  }
0x96: {  	_ =	strace s3  }
0x97: {  	_ =	strace $0x8FFFFFFF  }
0x98: {  	s19 =	sld [smem:$0x3FDB];
	_ =	sdelay $0x1  }
0x99: {  	s4 =	simm.s32 $_scs_section_size  }
0x9a: {  	s5 =	simm.s32 $_size__tile_overlayer_lowered;
	s6 =	simm.s32 $_tile_overlayer_lowered  }
0x9b: {  	s22 =	simm.s32 $0x1BFF;
	s21 =	sshll.u32 s6, $0x1;
	s3 =	sadd.s32 s4, s19  }
0x9c: {  	s7 =	simm.s32 $0x0;
	s20 =	sshll.u32 s5, $0x1;
	s5 =	sadd.s32 s21, s3  }
0x9d: {  	[timem:s7], [sflag:s22] =	dma.local [hbm:s5], s20  }
0x9e: {  	_ =	swait.ge [sflag:s22], s20  }
0x9f: {  	s4 =	ssub.s32 $0x0, s20;
	[sflag:s22] =	ssyncset.done $0x0  }
0xa0: {  	[sflag:s22] =	ssyncadd.s32 s4;
	_ =	sdelay $0x1  }
0xa1: {  	s23 =	simm.s32 $0x1B8B  }
0xa2: {  	_ =	swait.ge [sflag:s23], $0x1  }
0xa3: {  	[sflag:s23] =	ssyncset.done $0x0  }
0xa4: {  	s25 =	simm.s32 $0x1B8E;
	s24 =	sld [smem:$0x3FFE];
	[sflag:s23] =	ssyncadd.s32 $0xFFFFFFFF  }
0xa5: {  	s26 =	simm.s32 $execute0_lowered;
	[smem:$0x3FD2] =	sst s25  }
0xa6: {  	s5 =	sshll.u32 s26, $0x1;
	_ =	strace $0x80000049;
	[dreg:$0x1] =	wrdreg $0xFFFFFFFF  }
0xa7: {  	s28 =	simm.s32 $_size_execute0_lowered;
	s3 =	sadd.s32 s3, s5;
	[dreg:$0x0] =	wrdreg $0x0  }
0xa8: {  	s5 =	sshll.u32 s28, $0x1;
	[dreg:$0x2] =	wrdreg s3  }
0xa9: {  	[dreg:$0x3] =	wrdreg s5  }
0xaa: {  	[dreg:$0x4] =	wrdreg $0xC0  }
0xab: {  	_ =	task [dreg:s7], $0x5FFFF  }
0xac: {  	[dreg:$0x1] =	wrdreg $0xFFFFFFFF  }
0xad: {  	[dreg:$0x0] =	wrdreg $0x60  }
0xae: {  	[dreg:$0x2] =	wrdreg s24  }
0xaf: {  	[dreg:$0x3] =	wrdreg s2  }
0xb0: {  	[dreg:$0x4] =	wrdreg $0x0  }
0xb1: {  	[dreg:$0x5] =	wrdreg $0x9  }
0xb2: {  	_ =	task.clear_ibuf [dreg:s7], $0x6FFFF;
	_ =	strace $0x90000049  }
0xb3: {  	s29 =	simm.s32 $0x9;
	_ =	strace $0x8000004B  }
0xb4: {  	_ =	swait.ge [sflag:s29], $0x1  }
0xb5: {  	[sflag:s29] =	ssyncadd.s32 $0xFFFFFFFF  }
0xb6: {  	_ =	strace $0x9000004B  }
0xb7: {  	_ =	sfence  }
0xb8: {  	s30 =	sld [smem:$0x0];
	_ =	sdelay $0x2  }
0xb9: {  	s31 =	sshll.u32 s1, $0xD;
	s1 =	sshrl.u32 s1, $0x2  }
0xba: {  	s3 =	sand.u32 $0x4000, s31;
	s1 =	sadd.s32 s1, s30  }
0xbb: {  	s0 =	sor.u32 s3, s0;
	s1 =	sshll.u32 s1, $0x11  }
0xbc: {  	s0 =	sor.u32 s1, s0  }
0xbd: {  	s0 =	sadd.s32 $0x8F2B, s0  }
0xbe: {  	[sflag:s0] =	ssyncadd.remote.s32 $0x1  }
0xbf: {  	_ =	sfence.sel $0xFFFF  }
0xc0: {  	[dreg:$0x0] =	wrdreg $0xFFFFFFFF;
	(pc) =	sbr.abs _section_cstart, $3  }
0xc1: {  	[dreg:$0x1] =	wrdreg $0xFFFFFFFF  }
0xc2: {  	_ =	task.clear_ibuf [dreg:s7], $0x2FFFF;
	_ =	strace $0x9FFFFFFF  }
0xc3: {  	(tm) =	ssettm $0x7FFFFFFF  }
tec
execute0_lowered:
.L_overlay_start_1:
0x0: {  	(tag) =	ssettag $0x1  }
0x1: {  	s0 =	rddreg [dreg:$0x0]  }
0x2: {  	s1 =	rddreg [dreg:$0x1]  }
0x3: {  	s3 =	srdreg.scid;
	s2 =	rddreg [dreg:$0x2]  }
0x4: {  	s22 =	stileid.u32;
	s7 =	simm.s32 $0x0;
	s17 =	simm.s32 $0x14000  }
0x5: {  	s18 =	simm.s32 $0x7;
	s19 =	simm.s32 $0x1C000;
	s5 =	smul.u32 $0x14000, s22  }
0x6: {  	s20 =	simm.s32 $0x5;
	s21 =	simm.s32 $0x80;
	s23 =	smul.u32 $0x50000, s22  }
0x7: {  	s29 =	simm.s32 $0x3;
	s30 =	simm.s32 $0x4;
	s9 =	smul.u32 $0xE, s22  }
0x8: {  	s6 =	sand.u32 $0x1, s3;
	[smem:$0x7FF] =	sst s7;
	s7 =	smul.u32 $0x92, s22  }
0x9: {  	s31 =	simm.s32 $0x1;
	s4 =	smul.u32 $0x140000, s6;
	s8 =	ssub.s32 $0x2, s6  }
0xa: {  	_ =	strace $0x8000004A;
	p0 =	seq.s32 s6, $0x0;
	s10 =	sshrl.u32 s8, $0x1  }
0xb: {  	s24 =	sshrl.u32 s23, $0x2;
	s9 =	sadd.s32 $0x920, s9;
	s23 =	simm.s32 $0x18000  }
0xc: {  	s5 =	sadd.s32 s5, s4;
	s4 =	sadd.s32 $0x3C00, s0;
	s15 =	ssub.s32 s8, s10  }
0xd: {  	s9 =	smov.u32 @p0 s7;
	s8 =	simm.s32 $0x49;
	s5 =	sshrl.u32 s5, $0x3  }
0xe: {  	s28 =	sshll.u32 s9, $0x5;
	s8 =	simm.s32 @!p0 $0x7;
	s15 =	smax.u32 s15, $0x1  }
0xf: {  	s0 =	sadd.s32 s5, s0;
	s5 =	sadd.s32 s24, s2;
	s10 =	sadd.s32 s1, s28  }
0x10: {  	s13 =	sadd.s32 $0xFFFFFFFF, s8;
	s25 =	sadd.s32 $0x4000, s5;
	s26 =	sadd.s32 $0x8000, s5  }
0x11: {  	s9 =	sadd.s32 $0xC000, s5;
	s11 =	sadd.s32 $0x10000, s5;
	s12 =	sadd.s32 $0x40, s10  }
0x12: {  	s14 =	sadd.s32 $0x53C00, s0;
	s22 =	sadd.s32 $0x80, s10;
	[dreg:$0x4] =	wrdreg s25  }
0x13: {  	v0 =	vimm.f32 $0.0e+00;
	s0 =	simm.s32 $0x0;
	[dreg:$0x5] =	wrdreg s26;
	s26 =	simm.s32 $0x2  }
.LBB2_1:
0x14: {  	s1 =	simm.s32 $0x0;
	s16 =	simm.s32 $0x200  }
.LBB2_2:
0x15: {  	p0 =	sne.s32 s16, $0xFE00;
	[tilespmem:s1+$0x14070] =	vst v0  }
0x16: {  	[tilespmem:s1+$0x14000] =	vst v0  }
0x17: {  	[tilespmem:s1+$0x14010] =	vst v0  }
.Ltmp0:
0x18: {  	[tilespmem:s1+$0x14020] =	vst v0;
	(pc) =	sbr.rel @p0 .LBB2_2-.Ltmp0, $4  }
0x19: {  	[tilespmem:s1+$0x14030] =	vst v0  }
0x1a: {  	[tilespmem:s1+$0x14040] =	vst v0  }
0x1b: {  	[tilespmem:s1+$0x14050] =	vst v0  }
0x1c: {  	[tilespmem:s1+$0x14060] =	vst v0;
	s1 =	sshra.s32 s16, $0x2;
	s16 =	sadd.s32 $0x200, s16  }
0x1d: {  	[tilespmem:s1+$0x14070] =	vst v0  }
0x1e: {  	[tilespmem:s1+$0x14000] =	vst v0  }
0x1f: {  	[tilespmem:s1+$0x14010] =	vst v0  }
0x20: {  	[tilespmem:s1+$0x14020] =	vst v0  }
0x21: {  	[tilespmem:s1+$0x14030] =	vst v0  }
0x22: {  	[tilespmem:s1+$0x14040] =	vst v0  }
0x23: {  	[tilespmem:s1+$0x14050] =	vst v0  }
0x24: {  	[tilespmem:s1+$0x14060] =	vst v0  }
0x25: {  	[spmem:s5] =	stream.linear.scatter [tilespmem:s17], [sflag:$0x7], $0x4000, $0x38;
	[tilespmem:$0x1C400] =	vst v63  }
0x26: {  	_ =	swait.ge [sflag:s18], $0x4000  }
0x27: {  	[sflag:s18] =	ssyncset.done $0x0  }
0x28: {  	s3 =	rddreg [dreg:$0x4];
	[sflag:s18] =	ssyncadd.s32 $0xFFFFC000  }
0x29: {  	[spmem:s3] =	stream.linear.scatter [tilespmem:s17], [sflag:$0x7], $0x4000, $0x38;
	[tilespmem:$0x1C400] =	vst v63  }
0x2a: {  	_ =	swait.ge [sflag:s18], $0x4000  }
0x2b: {  	[sflag:s18] =	ssyncset.done $0x0  }
0x2c: {  	s6 =	rddreg [dreg:$0x5];
	[sflag:s18] =	ssyncadd.s32 $0xFFFFC000  }
0x2d: {  	[spmem:s6] =	stream.linear.scatter [tilespmem:s17], [sflag:$0x7], $0x4000, $0x38;
	[tilespmem:$0x1C400] =	vst v63  }
0x2e: {  	_ =	swait.ge [sflag:s18], $0x4000  }
0x2f: {  	[sflag:s18] =	ssyncset.done $0x0  }
0x30: {  	[sflag:s18] =	ssyncadd.s32 $0xFFFFC000  }
0x31: {  	[spmem:s9] =	stream.linear.scatter [tilespmem:s17], [sflag:$0x7], $0x4000, $0x38;
	[tilespmem:$0x1C400] =	vst v63  }
0x32: {  	_ =	swait.ge [sflag:s18], $0x4000  }
0x33: {  	[sflag:s18] =	ssyncset.done $0x0  }
0x34: {  	[sflag:s18] =	ssyncadd.s32 $0xFFFFC000  }
0x35: {  	[spmem:s11] =	stream.linear.scatter [tilespmem:s17], [sflag:$0x7], $0x4000, $0x38;
	[tilespmem:$0x1C400] =	vst v63  }
0x36: {  	_ =	swait.ge [sflag:s18], $0x4000  }
0x37: {  	[sflag:s18] =	ssyncset.done $0x0  }
0x38: {  	[sflag:s18] =	ssyncadd.s32 $0xFFFFC000  }
0x39: {  	s7 =	simm.s32 $0x0;
	[bflag:$0x0] =	sbarrier.arrive $0xFFFF  }
0x3a: {  	[tilespmem:s19], [sflag:$0x5] =	stream.linear.gather [hbm4b:s10+s7], $0x200, $0x38;
	[tilespmem:$0x1C400] =	vst v63  }
0x3b: {  	_ =	swait.ge [sflag:s20], $0x200  }
0x3c: {  	[sflag:s20] =	ssyncset.done $0x0  }
0x3d: {  	[sflag:s20] =	ssyncadd.s32 $0xFFFFFE00  }
0x3e: {  	[tilespmem:s17], [sflag:$0x1] =	stream.indirect.gather [hbm4b:s4+s21], $0x80, s19, s21, $0xb8;
	[tilespmem:$0x1C400] =	vst v63  }
0x3f: {  	s3 =	simm.s32 $0x1C100  }
0x40: {  	[tilespmem:s23], [sflag:$0x2] =	stream.indirect.gather [hbm4b:s4+s21], $0x80, s3, s21, $0xb8;
	[tilespmem:$0x1C400] =	vst v63  }
0x41: {  	s16 =	simm.s32 $0x1C200;
	s25 =	simm.s32 $0x1  }
0x42: {  	[tilespmem:s16], [sflag:$0x6] =	stream.linear.gather [hbm4b:s12+s7], $0x200, $0x38;
	[tilespmem:$0x1C400] =	vst v63  }
0x43: {  	_ =	swait.ge [sflag:s25], $0x4000  }
0x44: {  	[sflag:s25] =	ssyncset.done $0x0  }
0x45: {  	s24 =	simm.s32 $0x1C080;
	p1 =	sne.s32 s8, $0x2;
	[sflag:s25] =	ssyncadd.s32 $0xFFFFC000  }
0x46: {  	[spmem:s2] =	stream.indirect.scatter.add.f32 [tilespmem:s17], [sflag:$0x3], $0x80, s24, s21, $0xb8;
	[tilespmem:$0x1C400] =	vst v63  }
.Ltmp1:
0x47: {  	_ = 	snop;
	(pc) =	sbr.rel @!p1 .LBB2_4-.Ltmp1, $4  }
0x48: {  	_ =	swait.ge [sflag:s26], $0x4000  }
0x49: {  	s28 =	simm.s32 $0x1C180;
	s1 =	simm.s32 $0x2;
	[sflag:s26] =	ssyncset.done $0x0  }
0x4a: {  	p0 =	por $0x0, $0x0;
	s24 =	sand.u32 $0x1, s25;
	[sflag:s26] =	ssyncadd.s32 $0xFFFFC000  }
0x4b: {  	[spmem:s2] =	stream.indirect.scatter.add.f32 [tilespmem:s23], [sflag:$0x4], $0x80, s28, s21, $0xb8;
	[tilespmem:$0x1C400] =	vst v63  }
0x4c: {  	s16 =	sadd.s32 $0x5, s24  }
0x4d: {  	_ =	swait.ge [sflag:s16], $0x200  }
0x4e: {  	[sflag:s16] =	ssyncset.done $0x0  }
0x4f: {  	[sflag:s16] =	ssyncadd.s32 $0xFFFFFE00  }
0x50: {  	_ =	swait.ge [sflag:s29], $0x4000  }
0x51: {  	s3 =	sshll.u32 s24, $0x9;
	[sflag:s29] =	ssyncset.done $0x0  }
0x52: {  	s25 =	sor.u32 $0x1C000, s3;
	[sflag:s29] =	ssyncadd.s32 $0xFFFFC000  }
0x53: {  	[tilespmem:s17], [sflag:$0x1] =	stream.indirect.gather [hbm4b:s4+s21], $0x80, s25, s21, $0xb8;
	[tilespmem:$0x1C400] =	vst v63  }
0x54: {  	p0 =	sle.u32 s13, $0x1;
	_ =	swait.ge [sflag:s30], $0x4000  }
0x55: {  	p1 =	sne.s32 s8, $0x3;
	s24 =	sxor.u32 @!p0 $0x1, s24;
	[sflag:s30] =	ssyncset.done $0x0  }
0x56: {  	s6 =	sor.u32 $0x1C100, s3;
	s28 =	sshll.u32 @!p0 s24, $0x9;
	[sflag:s30] =	ssyncadd.s32 $0xFFFFC000  }
0x57: {  	[tilespmem:s23], [sflag:$0x2] =	stream.indirect.gather [hbm4b:s4+s21], $0x80, s6, s21, $0xb8;
	[tilespmem:$0x1C400] =	vst v63  }
0x58: {  	s24 =	sadd.s32 @!p0 $0x5, s24;
	s25 =	sor.u32 @!p0 $0x1C000, s28;
	s28 =	simm.s32 @!p0 $0x0  }
0x59: {  	[tilespmem:s25], [sflag:s24] =	stream.linear.gather @!p0 [hbm4b:s22+s28], $0x200, $0x38;
	[tilespmem:$0x1C400] =	vst v63  }
.Ltmp2:
0x5a: {  	_ =	swait.ge [sflag:s31], $0x4000;
	(pc) =	sbr.rel @!p1 .LBB2_6-.Ltmp2, $4  }
0x5b: {  	s7 =	sadd.s32 $0x1C080, s3;
	s16 =	sadd.s32 $0x40, s22;
	[sflag:s31] =	ssyncset.done $0x0  }
0x5c: {  	s25 =	simm.s32 $0x3;
	s28 =	sadd.s32 $0x1C180, s3;
	[sflag:s31] =	ssyncadd.s32 $0xFFFFC000  }
0x5d: {  	[spmem:s2] =	stream.indirect.scatter.add.f32 [tilespmem:s17], [sflag:$0x3], $0x80, s7, s21, $0xb8;
	[tilespmem:$0x1C400] =	vst v63  }
0x5e: {  	s24 =	sand.u32 $0x1, s1;
	p0 =	por $0x1, $0x1;
	_ =	swait.ge [sflag:s26], $0x4000  }
.LBB2_7:
0x5f: {  	s3 =	sadd.s32 $0x5, s24  }
0x60: {  	[sflag:s26] =	ssyncset.done $0x0;
	s6 =	smov.u32 s25;
	s25 =	sadd.s32 $0x1, s25  }
0x61: {  	p1 =	sne.s32 s8, s25;
	[sflag:s26] =	ssyncadd.s32 $0xFFFFC000  }
0x62: {  	[spmem:s2] =	stream.indirect.scatter.add.f32 [tilespmem:s23], [sflag:$0x4], $0x80, s28, s21, $0xb8;
	[tilespmem:$0x1C400] =	vst v63  }
0x63: {  	_ =	swait.ge [sflag:s3], $0x200  }
0x64: {  	[sflag:s3] =	ssyncset.done $0x0  }
0x65: {  	[sflag:s3] =	ssyncadd.s32 $0xFFFFFE00  }
0x66: {  	s3 =	sshll.u32 s24, $0x9;
	_ =	swait.ge [sflag:s29], $0x4000  }
0x67: {  	s7 =	sor.u32 $0x1C000, s3;
	s28 =	sadd.s32 $0x1C180, s3;
	[sflag:s29] =	ssyncset.done $0x0  }
0x68: {  	[sflag:s29] =	ssyncadd.s32 $0xFFFFC000  }
0x69: {  	[tilespmem:s17], [sflag:$0x1] =	stream.indirect.gather [hbm4b:s4+s21], $0x80, s7, s21, $0xb8;
	[tilespmem:$0x1C400] =	vst v63  }
0x6a: {  	p2 =	sge.u32 s1, s13;
	s1 =	smov.u32 s6;
	_ =	swait.ge [sflag:s30], $0x4000  }
0x6b: {  	s6 =	sor.u32 $0x1C100, s3;
	s7 =	sxor.u32 @!p2 $0x1, s24;
	[sflag:s30] =	ssyncset.done $0x0  }
0x6c: {  	s24 =	sshll.u32 @!p2 s7, $0x9;
	s7 =	sadd.s32 @!p2 $0x5, s7;
	[sflag:s30] =	ssyncadd.s32 $0xFFFFC000  }
0x6d: {  	[tilespmem:s23], [sflag:$0x2] =	stream.indirect.gather [hbm4b:s4+s21], $0x80, s6, s21, $0xb8;
	[tilespmem:$0x1C400] =	vst v63  }
0x6e: {  	s6 =	sor.u32 @!p2 $0x1C000, s24;
	s24 =	simm.s32 @!p2 $0x0  }
0x6f: {  	[tilespmem:s6], [sflag:s7] =	stream.linear.gather @!p2 [hbm4b:s16+s24], $0x200, $0x38;
	[tilespmem:$0x1C400] =	vst v63  }
.Ltmp3:
0x70: {  	_ =	swait.ge [sflag:s31], $0x4000;
	(pc) =	sbr.rel @p1 .LBB2_7-.Ltmp3, $4  }
0x71: {  	s3 =	sadd.s32 $0x1C080, s3;
	[sflag:s31] =	ssyncset.done $0x0  }
0x72: {  	[sflag:s31] =	ssyncadd.s32 $0xFFFFC000  }
0x73: {  	[spmem:s2] =	stream.indirect.scatter.add.f32 [tilespmem:s17], [sflag:$0x3], $0x80, s3, s21, $0xb8;
	[tilespmem:$0x1C400] =	vst v63  }
0x74: {  	s24 =	sand.u32 $0x1, s1;
	s16 =	sadd.s32 $0x40, s16;
	_ =	swait.ge [sflag:s26], $0x4000  }
0x75: {  	s25 =	smov.u32 s1  }
.LBB2_9:
0x76: {  	[sflag:s26] =	ssyncset.done @p0 $0x0  }
0x77: {  	s1 =	sadd.s32 $0x5, s24;
	[sflag:s26] =	ssyncadd.s32 @p0 $0xFFFFC000  }
0x78: {  	[spmem:s2] =	stream.indirect.scatter.add.f32 @p0 [tilespmem:s23], [sflag:$0x4], $0x80, s28, s21, $0xb8;
	[tilespmem:$0x1C400] =	vst v63  }
0x79: {  	_ =	swait.ge [sflag:s1], $0x200  }
0x7a: {  	[sflag:s1] =	ssyncset.done $0x0  }
0x7b: {  	[sflag:s1] =	ssyncadd.s32 $0xFFFFFE00  }
0x7c: {  	_ =	swait.ge [sflag:s29], $0x4000  }
0x7d: {  	s28 =	sshll.u32 s24, $0x9;
	[sflag:s29] =	ssyncset.done $0x0  }
0x7e: {  	s3 =	sor.u32 $0x1C000, s28;
	[sflag:s29] =	ssyncadd.s32 $0xFFFFC000  }
0x7f: {  	[tilespmem:s17], [sflag:$0x1] =	stream.indirect.gather [hbm4b:s4+s21], $0x80, s3, s21, $0xb8;
	[tilespmem:$0x1C400] =	vst v63  }
0x80: {  	p0 =	sge.u32 s25, s13;
	_ =	swait.ge [sflag:s30], $0x4000  }
0x81: {  	s3 =	sxor.u32 @!p0 $0x1, s24;
	[sflag:s30] =	ssyncset.done $0x0  }
0x82: {  	s6 =	sor.u32 $0x1C100, s28;
	s7 =	sshll.u32 @!p0 s3, $0x9;
	[sflag:s30] =	ssyncadd.s32 $0xFFFFC000  }
0x83: {  	[tilespmem:s23], [sflag:$0x2] =	stream.indirect.gather [hbm4b:s4+s21], $0x80, s6, s21, $0xb8;
	[tilespmem:$0x1C400] =	vst v63  }
0x84: {  	s3 =	sadd.s32 @!p0 $0x5, s3;
	s6 =	sor.u32 @!p0 $0x1C000, s7;
	s7 =	simm.s32 @!p0 $0x0  }
0x85: {  	[tilespmem:s6], [sflag:s3] =	stream.linear.gather @!p0 [hbm4b:s16+s7], $0x200, $0x38;
	[tilespmem:$0x1C400] =	vst v63  }
0x86: {  	_ =	swait.ge [sflag:s31], $0x4000  }
0x87: {  	[sflag:s31] =	ssyncset.done $0x0  }
0x88: {  	s24 =	sadd.s32 $0x1C080, s28;
	[sflag:s31] =	ssyncadd.s32 $0xFFFFC000  }
0x89: {  	[spmem:s2] =	stream.indirect.scatter.add.f32 [tilespmem:s17], [sflag:$0x3], $0x80, s24, s21, $0xb8;
	[tilespmem:$0x1C400] =	vst v63  }
0x8a: {  	_ =	swait.ge [sflag:s26], $0x4000  }
0x8b: {  	[sflag:s26] =	ssyncset.done $0x0  }
0x8c: {  	s1 =	sadd.s32 $0x1C180, s28;
	[sflag:s26] =	ssyncadd.s32 $0xFFFFC000  }
0x8d: {  	[spmem:s2] =	stream.indirect.scatter.add.f32 [tilespmem:s23], [sflag:$0x4], $0x80, s1, s21, $0xb8;
	[tilespmem:$0x1C400] =	vst v63  }
0x8e: {  	_ =	swait.ge [sflag:s29], $0x4000  }
0x8f: {  	[sflag:s29] =	ssyncset.done $0x0  }
0x90: {  	[sflag:s29] =	ssyncadd.s32 $0xFFFFC000  }
0x91: {  	_ =	swait.ge [sflag:s30], $0x4000  }
0x92: {  	s0 =	sadd.s32 $0x1, s0;
	s25 =	stileid.u32;
	[sflag:s30] =	ssyncset.done $0x0  }
0x93: {  	s28 =	sshrl.u32 s5, $0x3;
	s1 =	sshll.u32 s25, $0x6;
	[sflag:s30] =	ssyncadd.s32 $0xFFFFC000  }
0x94: {  	p0 =	sne.s32 s0, s15;
	s1 =	sor.u32 $0x1C07, s1;
	[bflag:$0x0] =	sbarrier.arrive $0xFFFF  }
0x95: {  	[hbm:s14], [sflag:s1] =	dma.local [spmem:s28], $0x2800  }
.Ltmp4:
0x96: {  	_ = 	snop;
	(pc) =	sbr.rel @p0 .LBB2_1-.Ltmp4, $4  }
.Ltmp5:
0x97: {  	_ = 	snop;
	(pc) =	sbr.rel @!p0 .LBB2_10-.Ltmp5, $4  }
0x98: {  	_ =	swait.ge [sflag:s18], $0x2800  }
0x99: {  	[sflag:s18] =	ssyncset.done $0x0  }
0x9a: {  	[sflag:s18] =	ssyncadd.s32 $0xFFFFD800  }
0x9b: {  	_ = 	snop  }
.LBB2_4:
.Ltmp6:
0x9c: {  	(pc) =	sbr.rel .LBB2_9-.Ltmp6, $2  }
0x9d: {  	_ =	sdelay $0x2  }
0x9e: {  	s16 =	smov.u32 s22  }
.LBB2_6:
.Ltmp7:
0x9f: {  	(pc) =	sbr.rel .LBB2_9-.Ltmp7, $2  }
0xa0: {  	_ =	sdelay $0x2  }
0xa1: {  	s25 =	simm.s32 $0x2  }
.LBB2_10:
0xa2: {  	_ =	sfence.sel $0x180000  }
0xa3: {  	[bflag:$0x0] =	sbarrier.arrive $0xFFFF  }
0xa4: {  	_ =	strace $0x9000004A  }
0xa5: {  	s0 =	stileid.u32;
	[bflag:$0x2] =	sbarrier.arrive $0xFFFF  }
0xa6: {  	p0 =	sne.s32 s0, $0x0;
	s0 =	rddreg [dreg:$0x3]  }
0xa7: {  	s0 =	sadd.s32 @!p0 $0x100000, s0  }
0xa8: {  	[sflag:s0] =	ssyncadd.tile.s32 @!p0 $0x1;
	_ =	shalt  }
.Lfunc_end2:
_tile_overlayer_lowered:
.L_overlay_start_2:
0xa9: {  	(tag) =	ssettag $0x2  }
0xaa: {  	s0 =	rddreg [dreg:$0x0];
	s2 =	stileid.u32  }
0xab: {  	s1 =	rddreg [dreg:$0x1];
	p0 =	sne.s32 s2, $0x0  }
0xac: {  	s3 =	rddreg [dreg:$0x2];
	[bflag:$0x3] =	sbarrier.arrive $0xFFFF;
	s2 =	simm.s32 @!p0 $0x1C07  }
0xad: {  	[timem:s3], [sflag:s2] =	dma.local @!p0 [hbm:s0], s1  }
0xae: {  	s0 =	simm.s32 @!p0 $0x7  }
0xaf: {  	_ =	swait.ge @!p0 [sflag:s0], s1  }
0xb0: {  	s1 =	ssub.s32 @!p0 $0x0, s1;
	[sflag:s0] =	ssyncset.done @!p0 $0x0  }
0xb1: {  	[sflag:s0] =	ssyncadd.s32 @!p0 s1  }
0xb2: {  	[bflag:$0x3] =	sbarrier.arrive $0xFFFF  }
0xb3: {  	_ =	shalt  }

// kernel: kernel.16.cloned.1.call-start
scs
__scs_entry_jumppad:
0x0: {  	(pc) =	sbr.rel $0x88, $3  }
0x1: {  	(tag) =	ssettag $0x0;
	lr =	simm.s32 $0x1  }
0x2: {  	[smem:$0x3F99] =	sst lr;
	_ =	strace $0xD0000000  }
0x3: {  	_ = 	snop  }
0x4: {  	_ = 	snop  }
0x5: {  	_ = 	snop  }
0x6: {  	_ = 	snop  }
0x7: {  	_ = 	snop  }
__scs_overlays_trampoline_lowered:
0x8: {  	[smem:$0x3FA8] =	sst s0  }
0x9: {  	[smem:$0x3FA9] =	sst s1  }
0xa: {  	[smem:$0x3FAA] =	sst s2  }
0xb: {  	[smem:$0x3FAB] =	sst s3  }
0xc: {  	[smem:$0x3FAC] =	sst s4  }
0xd: {  	[smem:$0x3FAD] =	sst s5  }
0xe: {  	[smem:$0x3FAE] =	sst s6  }
0xf: {  	[smem:$0x3FAF] =	sst s7  }
0x10: {  	[smem:$0x3FB0] =	sst s8  }
0x11: {  	[smem:$0x3FB1] =	sst s9;
	s0 =	simm.s32 @!p0 $0x0  }
0x12: {  	s1 =	sld [smem:$0x3F97];
	s0 =	simm.s32 @p0 $0x1  }
0x13: {  	[smem:$0x3FB2] =	sst s0;
	s0 =	simm.s32 @!p1 $0x0  }
0x14: {  	s2 =	sld [smem:$0x3F96];
	s0 =	simm.s32 @p1 $0x1  }
0x15: {  	[smem:$0x3FB3] =	sst s0;
	s0 =	simm.s32 @!p2 $0x0  }
0x16: {  	s3 =	sld [smem:$0x3FDB];
	s0 =	simm.s32 @p2 $0x1  }
0x17: {  	s4 =	simm.s32 $0x1BF5;
	[smem:$0x3FB5] =	sst s0  }
0x18: {  	s0 =	sld [smem:$0x3F98];
	_ =	swait.ge [sflag:s4], $0x0  }
0x19: {  	s7 =	sld [smem:$0x3F99]  }
0x1a: {  	s8 =	sadd.s32 $0xFFFFE003, lr  }
0x1b: {  	s9 =	sadd.s32 $0xFFFFFEF7, lr;
	s5 =	simm.s32 $0xFFFFFFFF;
	p2 =	slt.u32 s8, $0xFFFFF086  }
0x1c: {  	p1 =	slt.u32 s9, $0xF7A;
	s5 =	simm.s32 @!p2 $0x0  }
0x1d: {  	s5 =	simm.s32 @p1 $0x1;
	p0 =	seq.s32 s7, s2  }
0x1e: {  	s7 =	smul.u32 @!p0 $0xF7A, s2;
	p2 =	seq.s32 @!p0 s5, $0x0  }
0x1f: {  	s9 =	smul.u32 $0xF7A, s1;
	s8 =	simm.s32 @!p0 $0x1BF5;
	p2 =	por !p2, p0  }
0x20: {  	[sflag:s8] =	ssyncset.s32 @!p0 $0xFFFFF086;
	s6 =	sadd.s32 @!p0 s3, s7;
	s7 =	simm.s32 @!p0 $0x108  }
0x21: {  	s3 =	sadd.s32 s3, s9;
	s6 =	sadd.s32 @!p0 $0x88, s6;
	s7 =	simm.s32 @p2 $0x1082  }
0x22: {  	[simem:s7], [sflag:s8] =	dma.local @!p0 [hbm:s6], $0xF7A  }
0x23: {  	s9 =	sor.u32 $0xD0000000, s2;
	s6 =	simm.s32 $0x108;
	_ =	swait.ge @!p0 [sflag:s8], $0x0  }
0x24: {  	s3 =	sadd.s32 $0x88, s3;
	s6 =	simm.s32 @!p1 $0x1082;
	[sflag:s4] =	ssyncset.s32 $0xFFFFF086  }
0x25: {  	[simem:s6], [sflag:s4] =	dma.local [hbm:s3], $0xF7A  }
0x26: {  	[smem:$0x3F99] =	sst s1;
	(tag) =	ssettag s2;
	_ =	strace s9  }
0x27: {  	s1 =	sld [smem:$0x3FA9]  }
0x28: {  	s2 =	sld [smem:$0x3FAA]  }
0x29: {  	s4 =	sld [smem:$0x3FAC]  }
0x2a: {  	p0 =	seq.s32 s5, $0x0;
	s5 =	sld [smem:$0x3FAD]  }
0x2b: {  	s6 =	sld [smem:$0x3FAE]  }
0x2c: {  	s7 =	sld [smem:$0x3FAF]  }
0x2d: {  	s3 =	simm.s32 $0x108;
	s8 =	sld [smem:$0x3FB0]  }
0x2e: {  	s3 =	simm.s32 @!p0 $0x1082;
	s9 =	sld [smem:$0x3FB1]  }
0x2f: {  	lr =	sadd.s32 s0, s3;
	s0 =	sld [smem:$0x3FA8]  }
0x30: {  	s3 =	sld [smem:$0x3FAB]  }
0x31: {  	[smem:$0x3FB4] =	sst s10  }
0x32: {  	s10 =	sld [smem:$0x3FB2];
	_ =	sdelay $0x3  }
0x33: {  	p0 =	seq.s32 s10, $0x1;
	s10 =	sld [smem:$0x3FB4];
	_ =	sdelay $0x3  }
0x34: {  	[smem:$0x3FB4] =	sst s10  }
0x35: {  	s10 =	sld [smem:$0x3FB3];
	_ =	sdelay $0x3  }
0x36: {  	p1 =	seq.s32 s10, $0x1;
	s10 =	sld [smem:$0x3FB4];
	_ =	sdelay $0x3  }
0x37: {  	[smem:$0x3FB4] =	sst s10  }
0x38: {  	s10 =	sld [smem:$0x3FB5]  }
0x39: {  	_ = 	snop;
	(pc) =	sbr.ind lr, $3  }
0x3a: {  	_ = 	snop  }
0x3b: {  	_ = 	snop  }
0x3c: {  	p2 =	seq.s32 s10, $0x1;
	s10 =	sld [smem:$0x3FB4]  }
0x3d: {  	_ =	shalt  }
0x3e: {  	_ =	shalt  }
0x3f: {  	_ =	shalt  }
0x40: {  	_ =	shalt  }
0x41: {  	_ =	shalt  }
0x42: {  	_ =	shalt  }
0x43: {  	_ =	shalt  }
0x44: {  	_ =	shalt  }
0x45: {  	_ =	shalt  }
0x46: {  	_ =	shalt  }
0x47: {  	_ =	shalt  }
0x48: {  	_ =	shalt  }
0x49: {  	_ =	shalt  }
0x4a: {  	_ =	shalt  }
0x4b: {  	_ =	shalt  }
0x4c: {  	_ =	shalt  }
0x4d: {  	_ =	shalt  }
0x4e: {  	_ =	shalt  }
0x4f: {  	_ =	shalt  }
0x50: {  	_ =	shalt  }
0x51: {  	_ =	shalt  }
0x52: {  	_ =	shalt  }
0x53: {  	_ =	shalt  }
0x54: {  	_ =	shalt  }
0x55: {  	_ =	shalt  }
0x56: {  	_ =	shalt  }
0x57: {  	_ =	shalt  }
0x58: {  	_ =	shalt  }
0x59: {  	_ =	shalt  }
0x5a: {  	_ =	shalt  }
0x5b: {  	_ =	shalt  }
0x5c: {  	_ =	shalt  }
0x5d: {  	_ =	shalt  }
0x5e: {  	_ =	shalt  }
0x5f: {  	_ =	shalt  }
0x60: {  	_ =	shalt  }
0x61: {  	_ =	shalt  }
0x62: {  	_ =	shalt  }
0x63: {  	_ =	shalt  }
0x64: {  	_ =	shalt  }
0x65: {  	_ =	shalt  }
0x66: {  	_ =	shalt  }
0x67: {  	_ =	shalt  }
0x68: {  	_ =	shalt  }
0x69: {  	_ =	shalt  }
0x6a: {  	_ =	shalt  }
0x6b: {  	_ =	shalt  }
0x6c: {  	_ =	shalt  }
0x6d: {  	_ =	shalt  }
0x6e: {  	_ =	shalt  }
0x6f: {  	_ =	shalt  }
0x70: {  	_ =	shalt  }
0x71: {  	_ =	shalt  }
0x72: {  	_ =	shalt  }
0x73: {  	_ =	shalt  }
0x74: {  	_ =	shalt  }
0x75: {  	_ =	shalt  }
0x76: {  	_ =	shalt  }
0x77: {  	_ =	shalt  }
0x78: {  	_ =	shalt  }
0x79: {  	_ =	shalt  }
0x7a: {  	_ =	shalt  }
0x7b: {  	_ =	shalt  }
0x7c: {  	_ =	shalt  }
0x7d: {  	_ =	shalt  }
0x7e: {  	_ =	shalt  }
0x7f: {  	_ =	shalt  }
0x80: {  	_ =	shalt  }
0x81: {  	_ =	shalt  }
0x82: {  	_ =	shalt  }
0x83: {  	_ =	shalt  }
0x84: {  	_ =	shalt  }
0x85: {  	_ =	shalt  }
0x86: {  	_ =	shalt  }
0x87: {  	_ =	shalt  }
.Lfunc_end0:
.L_simem_size_0:
called_computation.2_lowered:
.L_overlay_start_0:
0x88: {  	s2 =	sld [smem:$0x3FD9]  }
0x89: {  	s3 =	sld [smem:$0x3FFE];
	_ =	sdelay $0x1  }
0x8a: {  	s1 =	srdreg.scid  }
0x8b: {  	s0 =	sand.u32 $0x1, s1  }
0x8c: {  	s17 =	sshll.u32 s0, $0xA;
	s2 =	sadd.s32 s3, s2  }
0x8d: {  	s2 =	sadd.s32 s2, s17  }
0x8e: {  	[smem:$0x3FC0] =	sst s2  }
0x8f: {  	_ = 	snop  }
0x90: {  	s2 =	sld [smem:$0x3FD0];
	(tm) =	ssettm $0x1  }
0x91: {  	s18 =	sld [smem:$0x3FFB];
	_ =	sdelay $0x3  }
0x92: {  	_ =	strace s18  }
0x93: {  	s3 =	sld [smem:$0x3FFC];
	_ =	sdelay $0x3  }
0x94: {  	_ =	strace s3  }
0x95: {  	s3 =	sld [smem:$0x3FFD];
	_ =	sdelay $0x3  }
0x96: {  	_ =	strace s3  }
0x97: {  	_ =	strace $0x8FFFFFFF  }
0x98: {  	s19 =	sld [smem:$0x3FDB];
	_ =	sdelay $0x1  }
0x99: {  	s4 =	simm.s32 $_scs_section_size  }
0x9a: {  	s5 =	simm.s32 $_size__tile_overlayer_lowered;
	s6 =	simm.s32 $_tile_overlayer_lowered  }
0x9b: {  	s22 =	simm.s32 $0x1BFF;
	s21 =	sshll.u32 s6, $0x1;
	s3 =	sadd.s32 s4, s19  }
0x9c: {  	s7 =	simm.s32 $0x0;
	s20 =	sshll.u32 s5, $0x1;
	s5 =	sadd.s32 s21, s3  }
0x9d: {  	[timem:s7], [sflag:s22] =	dma.local [hbm:s5], s20  }
0x9e: {  	_ =	swait.ge [sflag:s22], s20  }
0x9f: {  	s4 =	ssub.s32 $0x0, s20;
	[sflag:s22] =	ssyncset.done $0x0  }
0xa0: {  	[sflag:s22] =	ssyncadd.s32 s4;
	_ =	sdelay $0x1  }
0xa1: {  	s23 =	simm.s32 $0x1B8B  }
0xa2: {  	_ =	swait.ge [sflag:s23], $0x1  }
0xa3: {  	[sflag:s23] =	ssyncset.done $0x0  }
0xa4: {  	s25 =	simm.s32 $0x1B8E;
	s24 =	sld [smem:$0x3FFE];
	[sflag:s23] =	ssyncadd.s32 $0xFFFFFFFF  }
0xa5: {  	s26 =	simm.s32 $execute0_lowered;
	[smem:$0x3FD2] =	sst s25  }
0xa6: {  	s5 =	sshll.u32 s26, $0x1;
	_ =	strace $0x8000004C;
	[dreg:$0x1] =	wrdreg $0xFFFFFFFF  }
0xa7: {  	s28 =	simm.s32 $_size_execute0_lowered;
	s3 =	sadd.s32 s3, s5;
	[dreg:$0x0] =	wrdreg $0x0  }
0xa8: {  	s5 =	sshll.u32 s28, $0x1;
	[dreg:$0x2] =	wrdreg s3  }
0xa9: {  	[dreg:$0x3] =	wrdreg s5  }
0xaa: {  	[dreg:$0x4] =	wrdreg $0xC0  }
0xab: {  	_ =	task [dreg:s7], $0x5FFFF  }
0xac: {  	[dreg:$0x1] =	wrdreg $0xFFFFFFFF  }
0xad: {  	[dreg:$0x0] =	wrdreg $0x60  }
0xae: {  	[dreg:$0x2] =	wrdreg s24  }
0xaf: {  	[dreg:$0x3] =	wrdreg s2  }
0xb0: {  	[dreg:$0x4] =	wrdreg $0x0  }
0xb1: {  	[dreg:$0x5] =	wrdreg $0x9  }
0xb2: {  	_ =	task.clear_ibuf [dreg:s7], $0x6FFFF;
	_ =	strace $0x9000004C  }
0xb3: {  	s29 =	simm.s32 $0x9;
	_ =	strace $0x8000004E  }
0xb4: {  	_ =	swait.ge [sflag:s29], $0x1  }
0xb5: {  	[sflag:s29] =	ssyncadd.s32 $0xFFFFFFFF  }
0xb6: {  	_ =	strace $0x9000004E  }
0xb7: {  	_ =	sfence  }
0xb8: {  	s30 =	sld [smem:$0x0];
	_ =	sdelay $0x2  }
0xb9: {  	s31 =	sshll.u32 s1, $0xD;
	s1 =	sshrl.u32 s1, $0x2  }
0xba: {  	s3 =	sand.u32 $0x4000, s31;
	s1 =	sadd.s32 s1, s30  }
0xbb: {  	s0 =	sor.u32 s3, s0;
	s1 =	sshll.u32 s1, $0x11  }
0xbc: {  	s0 =	sor.u32 s1, s0  }
0xbd: {  	s0 =	sadd.s32 $0x8F2B, s0  }
0xbe: {  	[sflag:s0] =	ssyncadd.remote.s32 $0x1  }
0xbf: {  	_ =	sfence.sel $0xFFFF  }
0xc0: {  	[dreg:$0x0] =	wrdreg $0xFFFFFFFF;
	(pc) =	sbr.abs _section_cstart, $3  }
0xc1: {  	[dreg:$0x1] =	wrdreg $0xFFFFFFFF  }
0xc2: {  	_ =	task.clear_ibuf [dreg:s7], $0x2FFFF;
	_ =	strace $0x9FFFFFFF  }
0xc3: {  	(tm) =	ssettm $0x7FFFFFFF  }
tec
execute0_lowered:
.L_overlay_start_1:
0x0: {  	(tag) =	ssettag $0x1  }
0x1: {  	s0 =	rddreg [dreg:$0x0]  }
0x2: {  	s1 =	rddreg [dreg:$0x1]  }
0x3: {  	s3 =	srdreg.scid;
	s2 =	rddreg [dreg:$0x2]  }
0x4: {  	s22 =	stileid.u32;
	s7 =	simm.s32 $0x0;
	s17 =	simm.s32 $0x14000  }
0x5: {  	s18 =	simm.s32 $0x7;
	s19 =	simm.s32 $0x1C000;
	s5 =	smul.u32 $0x14000, s22  }
0x6: {  	s20 =	simm.s32 $0x5;
	s21 =	simm.s32 $0x80;
	s23 =	smul.u32 $0x50000, s22  }
0x7: {  	s29 =	simm.s32 $0x3;
	s30 =	simm.s32 $0x4;
	s9 =	smul.u32 $0xE, s22  }
0x8: {  	s6 =	sand.u32 $0x1, s3;
	[smem:$0x7FF] =	sst s7;
	s7 =	smul.u32 $0x92, s22  }
0x9: {  	s31 =	simm.s32 $0x1;
	s4 =	smul.u32 $0x140000, s6;
	s8 =	ssub.s32 $0x2, s6  }
0xa: {  	_ =	strace $0x8000004D;
	p0 =	seq.s32 s6, $0x0;
	s10 =	sshrl.u32 s8, $0x1  }
0xb: {  	s24 =	sshrl.u32 s23, $0x2;
	s9 =	sadd.s32 $0x920, s9;
	s23 =	simm.s32 $0x18000  }
0xc: {  	s5 =	sadd.s32 s5, s4;
	s4 =	sadd.s32 $0x3C00, s0;
	s15 =	ssub.s32 s8, s10  }
0xd: {  	s9 =	smov.u32 @p0 s7;
	s8 =	simm.s32 $0x49;
	s5 =	sshrl.u32 s5, $0x3  }
0xe: {  	s28 =	sshll.u32 s9, $0x5;
	s8 =	simm.s32 @!p0 $0x7;
	s15 =	smax.u32 s15, $0x1  }
0xf: {  	s0 =	sadd.s32 s5, s0;
	s5 =	sadd.s32 s24, s2;
	s10 =	sadd.s32 s1, s28  }
0x10: {  	s13 =	sadd.s32 $0xFFFFFFFF, s8;
	s25 =	sadd.s32 $0x4000, s5;
	s26 =	sadd.s32 $0x8000, s5  }
0x11: {  	s9 =	sadd.s32 $0xC000, s5;
	s11 =	sadd.s32 $0x10000, s5;
	s12 =	sadd.s32 $0x40, s10  }
0x12: {  	s14 =	sadd.s32 $0x2BC00, s0;
	s22 =	sadd.s32 $0x80, s10;
	[dreg:$0x4] =	wrdreg s25  }
0x13: {  	v0 =	vimm.f32 $0.0e+00;
	s0 =	simm.s32 $0x0;
	[dreg:$0x5] =	wrdreg s26;
	s26 =	simm.s32 $0x2  }
.LBB2_1:
0x14: {  	s1 =	simm.s32 $0x0;
	s16 =	simm.s32 $0x200  }
.LBB2_2:
0x15: {  	p0 =	sne.s32 s16, $0xFE00;
	[tilespmem:s1+$0x14070] =	vst v0  }
0x16: {  	[tilespmem:s1+$0x14000] =	vst v0  }
0x17: {  	[tilespmem:s1+$0x14010] =	vst v0  }
.Ltmp0:
0x18: {  	[tilespmem:s1+$0x14020] =	vst v0;
	(pc) =	sbr.rel @p0 .LBB2_2-.Ltmp0, $4  }
0x19: {  	[tilespmem:s1+$0x14030] =	vst v0  }
0x1a: {  	[tilespmem:s1+$0x14040] =	vst v0  }
0x1b: {  	[tilespmem:s1+$0x14050] =	vst v0  }
0x1c: {  	[tilespmem:s1+$0x14060] =	vst v0;
	s1 =	sshra.s32 s16, $0x2;
	s16 =	sadd.s32 $0x200, s16  }
0x1d: {  	[tilespmem:s1+$0x14070] =	vst v0  }
0x1e: {  	[tilespmem:s1+$0x14000] =	vst v0  }
0x1f: {  	[tilespmem:s1+$0x14010] =	vst v0  }
0x20: {  	[tilespmem:s1+$0x14020] =	vst v0  }
0x21: {  	[tilespmem:s1+$0x14030] =	vst v0  }
0x22: {  	[tilespmem:s1+$0x14040] =	vst v0  }
0x23: {  	[tilespmem:s1+$0x14050] =	vst v0  }
0x24: {  	[tilespmem:s1+$0x14060] =	vst v0  }
0x25: {  	[spmem:s5] =	stream.linear.scatter [tilespmem:s17], [sflag:$0x7], $0x4000, $0x38;
	[tilespmem:$0x1C400] =	vst v63  }
0x26: {  	_ =	swait.ge [sflag:s18], $0x4000  }
0x27: {  	[sflag:s18] =	ssyncset.done $0x0  }
0x28: {  	s3 =	rddreg [dreg:$0x4];
	[sflag:s18] =	ssyncadd.s32 $0xFFFFC000  }
0x29: {  	[spmem:s3] =	stream.linear.scatter [tilespmem:s17], [sflag:$0x7], $0x4000, $0x38;
	[tilespmem:$0x1C400] =	vst v63  }
0x2a: {  	_ =	swait.ge [sflag:s18], $0x4000  }
0x2b: {  	[sflag:s18] =	ssyncset.done $0x0  }
0x2c: {  	s6 =	rddreg [dreg:$0x5];
	[sflag:s18] =	ssyncadd.s32 $0xFFFFC000  }
0x2d: {  	[spmem:s6] =	stream.linear.scatter [tilespmem:s17], [sflag:$0x7], $0x4000, $0x38;
	[tilespmem:$0x1C400] =	vst v63  }
0x2e: {  	_ =	swait.ge [sflag:s18], $0x4000  }
0x2f: {  	[sflag:s18] =	ssyncset.done $0x0  }
0x30: {  	[sflag:s18] =	ssyncadd.s32 $0xFFFFC000  }
0x31: {  	[spmem:s9] =	stream.linear.scatter [tilespmem:s17], [sflag:$0x7], $0x4000, $0x38;
	[tilespmem:$0x1C400] =	vst v63  }
0x32: {  	_ =	swait.ge [sflag:s18], $0x4000  }
0x33: {  	[sflag:s18] =	ssyncset.done $0x0  }
0x34: {  	[sflag:s18] =	ssyncadd.s32 $0xFFFFC000  }
0x35: {  	[spmem:s11] =	stream.linear.scatter [tilespmem:s17], [sflag:$0x7], $0x4000, $0x38;
	[tilespmem:$0x1C400] =	vst v63  }
0x36: {  	_ =	swait.ge [sflag:s18], $0x4000  }
0x37: {  	[sflag:s18] =	ssyncset.done $0x0  }
0x38: {  	[sflag:s18] =	ssyncadd.s32 $0xFFFFC000  }
0x39: {  	s7 =	simm.s32 $0x0;
	[bflag:$0x0] =	sbarrier.arrive $0xFFFF  }
0x3a: {  	[tilespmem:s19], [sflag:$0x5] =	stream.linear.gather [hbm4b:s10+s7], $0x200, $0x38;
	[tilespmem:$0x1C400] =	vst v63  }
0x3b: {  	_ =	swait.ge [sflag:s20], $0x200  }
0x3c: {  	[sflag:s20] =	ssyncset.done $0x0  }
0x3d: {  	[sflag:s20] =	ssyncadd.s32 $0xFFFFFE00  }
0x3e: {  	[tilespmem:s17], [sflag:$0x1] =	stream.indirect.gather [hbm4b:s4+s21], $0x80, s19, s21, $0xb8;
	[tilespmem:$0x1C400] =	vst v63  }
0x3f: {  	s3 =	simm.s32 $0x1C100  }
0x40: {  	[tilespmem:s23], [sflag:$0x2] =	stream.indirect.gather [hbm4b:s4+s21], $0x80, s3, s21, $0xb8;
	[tilespmem:$0x1C400] =	vst v63  }
0x41: {  	s16 =	simm.s32 $0x1C200;
	s25 =	simm.s32 $0x1  }
0x42: {  	[tilespmem:s16], [sflag:$0x6] =	stream.linear.gather [hbm4b:s12+s7], $0x200, $0x38;
	[tilespmem:$0x1C400] =	vst v63  }
0x43: {  	_ =	swait.ge [sflag:s25], $0x4000  }
0x44: {  	[sflag:s25] =	ssyncset.done $0x0  }
0x45: {  	s24 =	simm.s32 $0x1C080;
	p1 =	sne.s32 s8, $0x2;
	[sflag:s25] =	ssyncadd.s32 $0xFFFFC000  }
0x46: {  	[spmem:s2] =	stream.indirect.scatter.add.f32 [tilespmem:s17], [sflag:$0x3], $0x80, s24, s21, $0xb8;
	[tilespmem:$0x1C400] =	vst v63  }
.Ltmp1:
0x47: {  	_ = 	snop;
	(pc) =	sbr.rel @!p1 .LBB2_4-.Ltmp1, $4  }
0x48: {  	_ =	swait.ge [sflag:s26], $0x4000  }
0x49: {  	s28 =	simm.s32 $0x1C180;
	s1 =	simm.s32 $0x2;
	[sflag:s26] =	ssyncset.done $0x0  }
0x4a: {  	p0 =	por $0x0, $0x0;
	s24 =	sand.u32 $0x1, s25;
	[sflag:s26] =	ssyncadd.s32 $0xFFFFC000  }
0x4b: {  	[spmem:s2] =	stream.indirect.scatter.add.f32 [tilespmem:s23], [sflag:$0x4], $0x80, s28, s21, $0xb8;
	[tilespmem:$0x1C400] =	vst v63  }
0x4c: {  	s16 =	sadd.s32 $0x5, s24  }
0x4d: {  	_ =	swait.ge [sflag:s16], $0x200  }
0x4e: {  	[sflag:s16] =	ssyncset.done $0x0  }
0x4f: {  	[sflag:s16] =	ssyncadd.s32 $0xFFFFFE00  }
0x50: {  	_ =	swait.ge [sflag:s29], $0x4000  }
0x51: {  	s3 =	sshll.u32 s24, $0x9;
	[sflag:s29] =	ssyncset.done $0x0  }
0x52: {  	s25 =	sor.u32 $0x1C000, s3;
	[sflag:s29] =	ssyncadd.s32 $0xFFFFC000  }
0x53: {  	[tilespmem:s17], [sflag:$0x1] =	stream.indirect.gather [hbm4b:s4+s21], $0x80, s25, s21, $0xb8;
	[tilespmem:$0x1C400] =	vst v63  }
0x54: {  	p0 =	sle.u32 s13, $0x1;
	_ =	swait.ge [sflag:s30], $0x4000  }
0x55: {  	p1 =	sne.s32 s8, $0x3;
	s24 =	sxor.u32 @!p0 $0x1, s24;
	[sflag:s30] =	ssyncset.done $0x0  }
0x56: {  	s6 =	sor.u32 $0x1C100, s3;
	s28 =	sshll.u32 @!p0 s24, $0x9;
	[sflag:s30] =	ssyncadd.s32 $0xFFFFC000  }
0x57: {  	[tilespmem:s23], [sflag:$0x2] =	stream.indirect.gather [hbm4b:s4+s21], $0x80, s6, s21, $0xb8;
	[tilespmem:$0x1C400] =	vst v63  }
0x58: {  	s24 =	sadd.s32 @!p0 $0x5, s24;
	s25 =	sor.u32 @!p0 $0x1C000, s28;
	s28 =	simm.s32 @!p0 $0x0  }
0x59: {  	[tilespmem:s25], [sflag:s24] =	stream.linear.gather @!p0 [hbm4b:s22+s28], $0x200, $0x38;
	[tilespmem:$0x1C400] =	vst v63  }
.Ltmp2:
0x5a: {  	_ =	swait.ge [sflag:s31], $0x4000;
	(pc) =	sbr.rel @!p1 .LBB2_6-.Ltmp2, $4  }
0x5b: {  	s7 =	sadd.s32 $0x1C080, s3;
	s16 =	sadd.s32 $0x40, s22;
	[sflag:s31] =	ssyncset.done $0x0  }
0x5c: {  	s25 =	simm.s32 $0x3;
	s28 =	sadd.s32 $0x1C180, s3;
	[sflag:s31] =	ssyncadd.s32 $0xFFFFC000  }
0x5d: {  	[spmem:s2] =	stream.indirect.scatter.add.f32 [tilespmem:s17], [sflag:$0x3], $0x80, s7, s21, $0xb8;
	[tilespmem:$0x1C400] =	vst v63  }
0x5e: {  	s24 =	sand.u32 $0x1, s1;
	p0 =	por $0x1, $0x1;
	_ =	swait.ge [sflag:s26], $0x4000  }
.LBB2_7:
0x5f: {  	s3 =	sadd.s32 $0x5, s24  }
0x60: {  	[sflag:s26] =	ssyncset.done $0x0;
	s6 =	smov.u32 s25;
	s25 =	sadd.s32 $0x1, s25  }
0x61: {  	p1 =	sne.s32 s8, s25;
	[sflag:s26] =	ssyncadd.s32 $0xFFFFC000  }
0x62: {  	[spmem:s2] =	stream.indirect.scatter.add.f32 [tilespmem:s23], [sflag:$0x4], $0x80, s28, s21, $0xb8;
	[tilespmem:$0x1C400] =	vst v63  }
0x63: {  	_ =	swait.ge [sflag:s3], $0x200  }
0x64: {  	[sflag:s3] =	ssyncset.done $0x0  }
0x65: {  	[sflag:s3] =	ssyncadd.s32 $0xFFFFFE00  }
0x66: {  	s3 =	sshll.u32 s24, $0x9;
	_ =	swait.ge [sflag:s29], $0x4000  }
0x67: {  	s7 =	sor.u32 $0x1C000, s3;
	s28 =	sadd.s32 $0x1C180, s3;
	[sflag:s29] =	ssyncset.done $0x0  }
0x68: {  	[sflag:s29] =	ssyncadd.s32 $0xFFFFC000  }
0x69: {  	[tilespmem:s17], [sflag:$0x1] =	stream.indirect.gather [hbm4b:s4+s21], $0x80, s7, s21, $0xb8;
	[tilespmem:$0x1C400] =	vst v63  }
0x6a: {  	p2 =	sge.u32 s1, s13;
	s1 =	smov.u32 s6;
	_ =	swait.ge [sflag:s30], $0x4000  }
0x6b: {  	s6 =	sor.u32 $0x1C100, s3;
	s7 =	sxor.u32 @!p2 $0x1, s24;
	[sflag:s30] =	ssyncset.done $0x0  }
0x6c: {  	s24 =	sshll.u32 @!p2 s7, $0x9;
	s7 =	sadd.s32 @!p2 $0x5, s7;
	[sflag:s30] =	ssyncadd.s32 $0xFFFFC000  }
0x6d: {  	[tilespmem:s23], [sflag:$0x2] =	stream.indirect.gather [hbm4b:s4+s21], $0x80, s6, s21, $0xb8;
	[tilespmem:$0x1C400] =	vst v63  }
0x6e: {  	s6 =	sor.u32 @!p2 $0x1C000, s24;
	s24 =	simm.s32 @!p2 $0x0  }
0x6f: {  	[tilespmem:s6], [sflag:s7] =	stream.linear.gather @!p2 [hbm4b:s16+s24], $0x200, $0x38;
	[tilespmem:$0x1C400] =	vst v63  }
.Ltmp3:
0x70: {  	_ =	swait.ge [sflag:s31], $0x4000;
	(pc) =	sbr.rel @p1 .LBB2_7-.Ltmp3, $4  }
0x71: {  	s3 =	sadd.s32 $0x1C080, s3;
	[sflag:s31] =	ssyncset.done $0x0  }
0x72: {  	[sflag:s31] =	ssyncadd.s32 $0xFFFFC000  }
0x73: {  	[spmem:s2] =	stream.indirect.scatter.add.f32 [tilespmem:s17], [sflag:$0x3], $0x80, s3, s21, $0xb8;
	[tilespmem:$0x1C400] =	vst v63  }
0x74: {  	s24 =	sand.u32 $0x1, s1;
	s16 =	sadd.s32 $0x40, s16;
	_ =	swait.ge [sflag:s26], $0x4000  }
0x75: {  	s25 =	smov.u32 s1  }
.LBB2_9:
0x76: {  	[sflag:s26] =	ssyncset.done @p0 $0x0  }
0x77: {  	s1 =	sadd.s32 $0x5, s24;
	[sflag:s26] =	ssyncadd.s32 @p0 $0xFFFFC000  }
0x78: {  	[spmem:s2] =	stream.indirect.scatter.add.f32 @p0 [tilespmem:s23], [sflag:$0x4], $0x80, s28, s21, $0xb8;
	[tilespmem:$0x1C400] =	vst v63  }
0x79: {  	_ =	swait.ge [sflag:s1], $0x200  }
0x7a: {  	[sflag:s1] =	ssyncset.done $0x0  }
0x7b: {  	[sflag:s1] =	ssyncadd.s32 $0xFFFFFE00  }
0x7c: {  	_ =	swait.ge [sflag:s29], $0x4000  }
0x7d: {  	s28 =	sshll.u32 s24, $0x9;
	[sflag:s29] =	ssyncset.done $0x0  }
0x7e: {  	s3 =	sor.u32 $0x1C000, s28;
	[sflag:s29] =	ssyncadd.s32 $0xFFFFC000  }
0x7f: {  	[tilespmem:s17], [sflag:$0x1] =	stream.indirect.gather [hbm4b:s4+s21], $0x80, s3, s21, $0xb8;
	[tilespmem:$0x1C400] =	vst v63  }
0x80: {  	p0 =	sge.u32 s25, s13;
	_ =	swait.ge [sflag:s30], $0x4000  }
0x81: {  	s3 =	sxor.u32 @!p0 $0x1, s24;
	[sflag:s30] =	ssyncset.done $0x0  }
0x82: {  	s6 =	sor.u32 $0x1C100, s28;
	s7 =	sshll.u32 @!p0 s3, $0x9;
	[sflag:s30] =	ssyncadd.s32 $0xFFFFC000  }
0x83: {  	[tilespmem:s23], [sflag:$0x2] =	stream.indirect.gather [hbm4b:s4+s21], $0x80, s6, s21, $0xb8;
	[tilespmem:$0x1C400] =	vst v63  }
0x84: {  	s3 =	sadd.s32 @!p0 $0x5, s3;
	s6 =	sor.u32 @!p0 $0x1C000, s7;
	s7 =	simm.s32 @!p0 $0x0  }
0x85: {  	[tilespmem:s6], [sflag:s3] =	stream.linear.gather @!p0 [hbm4b:s16+s7], $0x200, $0x38;
	[tilespmem:$0x1C400] =	vst v63  }
0x86: {  	_ =	swait.ge [sflag:s31], $0x4000  }
0x87: {  	[sflag:s31] =	ssyncset.done $0x0  }
0x88: {  	s24 =	sadd.s32 $0x1C080, s28;
	[sflag:s31] =	ssyncadd.s32 $0xFFFFC000  }
0x89: {  	[spmem:s2] =	stream.indirect.scatter.add.f32 [tilespmem:s17], [sflag:$0x3], $0x80, s24, s21, $0xb8;
	[tilespmem:$0x1C400] =	vst v63  }
0x8a: {  	_ =	swait.ge [sflag:s26], $0x4000  }
0x8b: {  	[sflag:s26] =	ssyncset.done $0x0  }
0x8c: {  	s1 =	sadd.s32 $0x1C180, s28;
	[sflag:s26] =	ssyncadd.s32 $0xFFFFC000  }
0x8d: {  	[spmem:s2] =	stream.indirect.scatter.add.f32 [tilespmem:s23], [sflag:$0x4], $0x80, s1, s21, $0xb8;
	[tilespmem:$0x1C400] =	vst v63  }
0x8e: {  	_ =	swait.ge [sflag:s29], $0x4000  }
0x8f: {  	[sflag:s29] =	ssyncset.done $0x0  }
0x90: {  	[sflag:s29] =	ssyncadd.s32 $0xFFFFC000  }
0x91: {  	_ =	swait.ge [sflag:s30], $0x4000  }
0x92: {  	s0 =	sadd.s32 $0x1, s0;
	s25 =	stileid.u32;
	[sflag:s30] =	ssyncset.done $0x0  }
0x93: {  	s28 =	sshrl.u32 s5, $0x3;
	s1 =	sshll.u32 s25, $0x6;
	[sflag:s30] =	ssyncadd.s32 $0xFFFFC000  }
0x94: {  	p0 =	sne.s32 s0, s15;
	s1 =	sor.u32 $0x1C07, s1;
	[bflag:$0x0] =	sbarrier.arrive $0xFFFF  }
0x95: {  	[hbm:s14], [sflag:s1] =	dma.local [spmem:s28], $0x2800  }
.Ltmp4:
0x96: {  	_ = 	snop;
	(pc) =	sbr.rel @p0 .LBB2_1-.Ltmp4, $4  }
.Ltmp5:
0x97: {  	_ = 	snop;
	(pc) =	sbr.rel @!p0 .LBB2_10-.Ltmp5, $4  }
0x98: {  	_ =	swait.ge [sflag:s18], $0x2800  }
0x99: {  	[sflag:s18] =	ssyncset.done $0x0  }
0x9a: {  	[sflag:s18] =	ssyncadd.s32 $0xFFFFD800  }
0x9b: {  	_ = 	snop  }
.LBB2_4:
.Ltmp6:
0x9c: {  	(pc) =	sbr.rel .LBB2_9-.Ltmp6, $2  }
0x9d: {  	_ =	sdelay $0x2  }
0x9e: {  	s16 =	smov.u32 s22  }
.LBB2_6:
.Ltmp7:
0x9f: {  	(pc) =	sbr.rel .LBB2_9-.Ltmp7, $2  }
0xa0: {  	_ =	sdelay $0x2  }
0xa1: {  	s25 =	simm.s32 $0x2  }
.LBB2_10:
0xa2: {  	_ =	sfence.sel $0x180000  }
0xa3: {  	[bflag:$0x0] =	sbarrier.arrive $0xFFFF  }
0xa4: {  	_ =	strace $0x9000004D  }
0xa5: {  	s0 =	stileid.u32;
	[bflag:$0x2] =	sbarrier.arrive $0xFFFF  }
0xa6: {  	p0 =	sne.s32 s0, $0x0;
	s0 =	rddreg [dreg:$0x3]  }
0xa7: {  	s0 =	sadd.s32 @!p0 $0x100000, s0  }
0xa8: {  	[sflag:s0] =	ssyncadd.tile.s32 @!p0 $0x1;
	_ =	shalt  }
.Lfunc_end2:
_tile_overlayer_lowered:
.L_overlay_start_2:
0xa9: {  	(tag) =	ssettag $0x2  }
0xaa: {  	s0 =	rddreg [dreg:$0x0];
	s2 =	stileid.u32  }
0xab: {  	s1 =	rddreg [dreg:$0x1];
	p0 =	sne.s32 s2, $0x0  }
0xac: {  	s3 =	rddreg [dreg:$0x2];
	[bflag:$0x3] =	sbarrier.arrive $0xFFFF;
	s2 =	simm.s32 @!p0 $0x1C07  }
0xad: {  	[timem:s3], [sflag:s2] =	dma.local @!p0 [hbm:s0], s1  }
0xae: {  	s0 =	simm.s32 @!p0 $0x7  }
0xaf: {  	_ =	swait.ge @!p0 [sflag:s0], s1  }
0xb0: {  	s1 =	ssub.s32 @!p0 $0x0, s1;
	[sflag:s0] =	ssyncset.done @!p0 $0x0  }
0xb1: {  	[sflag:s0] =	ssyncadd.s32 @!p0 s1  }
0xb2: {  	[bflag:$0x3] =	sbarrier.arrive $0xFFFF  }
0xb3: {  	_ =	shalt  }

</sc_bundles>
